<compile_context>
chip_gen: v7x
topology: tpu7x:2x2x1
jax: 0.10.2.dev20260603
libtpu: 0.0.44.dev20260713+nightly
codegen_flags: <defaults>
</compile_context>

<pallas_src>
import jax
import jax.numpy as jnp
from jax import lax
from jax.experimental import pallas as pl
from jax.experimental.pallas import tpu as pltpu
from jax.experimental.pallas import tpu_sc as plsc

NC = 2
NS = 16
BK = 128
NBUF = 4


def _nan_guard(v):
    return jnp.nan_to_num(v, nan=0.0)


def kernel(x, edge_index, W, b, gamma, beta):
    N, D = x.shape
    E = edge_index.shape[1]
    DH = D // NC
    EPW = -(-E // NS)
    NB = -(-EPW // BK)
    NB = -(-NB // NBUF) * NBUF
    EPAD = NS * NB * BK
    NP = (-(-(N + 1) // BK)) * BK
    NPT = NP // NS
    assert NPT % 8 == 0 and D % NC == 0

    src = edge_index[0].astype(jnp.int32)
    dst = edge_index[1].astype(jnp.int32)
    pad = EPAD - E
    src3 = jnp.concatenate([src, jnp.zeros((pad,), jnp.int32)]).reshape(NS, NB, BK)
    dst3 = jnp.concatenate([dst, jnp.full((pad,), N, jnp.int32)]).reshape(NS, NB, BK)

    zrow = jnp.zeros((NPT,), jnp.float32)
    zacc = jnp.zeros((BK, DH), jnp.float32)
    ones = jnp.ones((BK,), jnp.float32)

    mesh = plsc.VectorSubcoreMesh(core_axis_name="c", subcore_axis_name="s")
    sc_params = pltpu.CompilerParams(use_tc_tiling_on_sc=False,
                                     needs_layout_passes=False)

    def deg_body(dst_hbm, ones_hbm, zrow_hbm, deg_hbm, idx_v, ones_v, stage_v,
                 dsem, acc_sh):
        c = lax.axis_index("c")
        s = lax.axis_index("s")
        pltpu.sync_copy(zrow_hbm, stage_v)
        pltpu.sync_copy(stage_v, acc_sh.at[pl.ds(s * NPT, NPT)])
        pltpu.sync_copy(ones_hbm, ones_v)
        pltpu.sync_copy(dst_hbm.at[s], idx_v)
        plsc.subcore_barrier()

        def blk(j, carry):
            pltpu.async_copy(ones_v, acc_sh.at[idx_v.at[j]], dsem, add=True)
            return carry

        lax.fori_loop(0, NB, blk, 0)

        def drain(j, carry):
            pltpu.make_async_copy(ones_v, acc_sh.at[idx_v.at[0]], dsem).wait()
            return carry

        lax.fori_loop(0, NB, drain, 0)
        plsc.subcore_barrier()
        pltpu.sync_copy(acc_sh.at[pl.ds(s * NPT, NPT)], stage_v)
        pltpu.sync_copy(stage_v, deg_hbm.at[pl.ds(c * NP + s * NPT, NPT)])

    deg_1d = pl.kernel(
        deg_body,
        out_type=jax.ShapeDtypeStruct((NC * NP,), jnp.float32),
        mesh=mesh,
        compiler_params=sc_params,
        scratch_types=[
            pltpu.VMEM((NB, BK), jnp.int32),
            pltpu.VMEM((BK,), jnp.float32),
            pltpu.VMEM((NPT,), jnp.float32),
            pltpu.SemaphoreType.DMA,
            pltpu.VMEM_SHARED((NP,), jnp.float32),
        ],
    )(dst3, ones, zrow)
    dcol = deg_1d[:NP].reshape(NP, 1)

    xp = jnp.pad(x, ((0, NP - N), (0, 0)))
    Wh = jnp.stack([W[:, h * DH:(h + 1) * DH] for h in range(NC)])
    BM = NP // 8

    def mm_body(x_ref, w_ref, dc_ref, yw_ref, ywb_ref, dv_ref):
        dv = lax.rsqrt(dc_ref[...] + 1.0)
        dv_ref[...] = dv
        yw = jnp.dot(_nan_guard(x_ref[...]), w_ref[0],
                     preferred_element_type=jnp.float32) * dv
        yw_ref[0] = yw
        ywb_ref[0] = yw.astype(jnp.bfloat16)

    yw2, ywb, dinv = pl.pallas_call(
        mm_body,
        grid=(NP // BM, NC),
        in_specs=[
            pl.BlockSpec((BM, D), lambda i, h: (i, 0)),
            pl.BlockSpec((1, D, DH), lambda i, h: (h, 0, 0)),
            pl.BlockSpec((BM, 1), lambda i, h: (i, 0)),
        ],
        out_specs=[
            pl.BlockSpec((1, BM, DH), lambda i, h: (h, i, 0)),
            pl.BlockSpec((1, BM, DH), lambda i, h: (h, i, 0)),
            pl.BlockSpec((BM, 1), lambda i, h: (i, 0)),
        ],
        out_shape=[
            jax.ShapeDtypeStruct((NC, NP, DH), jnp.float32),
            jax.ShapeDtypeStruct((NC, NP, DH), jnp.bfloat16),
            jax.ShapeDtypeStruct((NP, 1), jnp.float32),
        ],
    )(xp, Wh, dcol)
    ywbp = (ywb.reshape(NC, NP, DH // 32, 2, 16)
            .swapaxes(3, 4).reshape(NC, NP, DH))

    NKF = NPT // BK
    TAIL = NPT - NKF * BK
    LA = NBUF - 1

    def agg_body(src_hbm, dst_hbm, yw_hbm, zacc_hbm, acc_hbm,
                 sidx_v, didx_v, rb0, rb1, rb2, rb3, r0, r1, r2, r3,
                 gsem, ssem, acc_sh):
        rbs = (rb0, rb1, rb2, rb3)
        rfs = (r0, r1, r2, r3)
        c = lax.axis_index("c")
        s = lax.axis_index("s")
        ywc = yw_hbm.at[c]
        pltpu.sync_copy(zacc_hbm, r0)
        for k in range(NKF):
            pltpu.sync_copy(r0, acc_sh.at[pl.ds(s * NPT + k * BK, BK)])
        if TAIL:
            pltpu.sync_copy(r0.at[pl.ds(0, TAIL)],
                            acc_sh.at[pl.ds(s * NPT + NKF * BK, TAIL)])
        pltpu.sync_copy(src_hbm.at[s], sidx_v)
        pltpu.sync_copy(dst_hbm.at[s], didx_v)
        plsc.subcore_barrier()

        def fire_gather(blk, bf):
            pltpu.async_copy(ywc.at[sidx_v.at[blk]], rbs[bf], gsem.at[bf])

        def wait_gather(bf):
            pltpu.make_async_copy(ywc.at[sidx_v.at[0]], rbs[bf],
                                  gsem.at[bf]).wait()

        def fire_scatter(blk, bf):
            pltpu.async_copy(rfs[bf], acc_sh.at[didx_v.at[blk]], ssem.at[bf],
                             add=True)

        def wait_scatter(bf):
            pltpu.make_async_copy(rfs[bf], acc_sh.at[didx_v.at[0]],
                                  ssem.at[bf]).wait()

        def convert(bf):
            def row(k, carry):
                for g in range(DH // 32):
                    v = rbs[bf][k, pl.ds(32 * g, 32)]
                    lo, hi = plsc.unpack(v, format=plsc.PackFormat.INTERLEAVED)
                    rfs[bf][k, pl.ds(32 * g, 16)] = lo
                    rfs[bf][k, pl.ds(32 * g + 16, 16)] = hi
                return carry
            lax.fori_loop(0, BK, row, 0, unroll=4)

        for i in range(LA):
            fire_gather(i, i)

        @pl.loop(0, NB, step=NBUF)
        def _pipe(j):
            for i in range(NBUF):
                blk = j + i
                nxt = blk + LA
                nb_i = (i + LA) % NBUF

                @pl.when(nxt < NB)
                def _():
                    fire_gather(nxt, nb_i)

                wait_gather(i)

                @pl.when(blk >= NBUF)
                def _():
                    wait_scatter(i)

                convert(i)
                fire_scatter(blk, i)

        for bf in range(NBUF):
            wait_scatter(bf)
        plsc.subcore_barrier()
        for k in range(NKF):
            pltpu.sync_copy(acc_sh.at[pl.ds(s * NPT + k * BK, BK)], r0)
            pltpu.sync_copy(r0, acc_hbm.at[c, pl.ds(s * NPT + k * BK, BK)])
        if TAIL:
            pltpu.sync_copy(acc_sh.at[pl.ds(s * NPT + NKF * BK, TAIL)],
                            r0.at[pl.ds(0, TAIL)])
            pltpu.sync_copy(r0.at[pl.ds(0, TAIL)],
                            acc_hbm.at[c, pl.ds(s * NPT + NKF * BK, TAIL)])

    acc = pl.kernel(
        agg_body,
        out_type=jax.ShapeDtypeStruct((NC, NP, DH), jnp.float32),
        mesh=mesh,
        compiler_params=sc_params,
        scratch_types=[
            pltpu.VMEM((NB, BK), jnp.int32),
            pltpu.VMEM((NB, BK), jnp.int32),
            pltpu.VMEM((BK, DH), jnp.bfloat16),
            pltpu.VMEM((BK, DH), jnp.bfloat16),
            pltpu.VMEM((BK, DH), jnp.bfloat16),
            pltpu.VMEM((BK, DH), jnp.bfloat16),
            pltpu.VMEM((BK, DH), jnp.float32),
            pltpu.VMEM((BK, DH), jnp.float32),
            pltpu.VMEM((BK, DH), jnp.float32),
            pltpu.VMEM((BK, DH), jnp.float32),
            pltpu.SemaphoreType.DMA((NBUF,)),
            pltpu.SemaphoreType.DMA((NBUF,)),
            pltpu.VMEM_SHARED((NP, DH), jnp.float32),
        ],
    )(src3, dst3, ywbp, zacc)

    b2 = b.reshape(1, D)
    g2 = gamma.reshape(1, D)
    be2 = beta.reshape(1, D)

    def fin_body(a_ref, yw_ref, dv_ref, x_ref, b_ref, g_ref, be_ref, o_ref):
        sh = [a_ref[h, :N] + yw_ref[h, :N] for h in range(NC)]
        s = jnp.concatenate(sh, axis=1)
        pre = s * dv_ref[:N] + b_ref[...]
        m = jnp.mean(pre, axis=0, keepdims=True)
        v = jnp.mean((pre - m) * (pre - m), axis=0, keepdims=True)
        o = (pre - m) * (g_ref[...] * lax.rsqrt(v + 1e-5)) + be_ref[...]
        o = jnp.maximum(o, 0.0) + _nan_guard(x_ref[...])
        o_ref[...] = _nan_guard(o)

    out = pl.pallas_call(
        fin_body,
        out_shape=jax.ShapeDtypeStruct((N, D), jnp.float32),
    )(acc, yw2, dinv, x, b2, g2, be2)

    return out

# --- scband reference (transcript-rebuilt; emitter-appended) ---
"""Pipeline reference for scband-residual-gcnlayer-34007551050429 (READ-ONLY COPY).

The authoritative reference and input builder live on the scoring server;
editing this copy changes nothing except your own understanding.
"""

import jax, jax.numpy as jnp
import numpy as np

N = 10000
E = 320000
D = 128

def setup_inputs(seed: int = 0) -> dict:
    key = jax.random.key(seed)
    k1, k2, k3, k4 = jax.random.split(key, 4)
    x = jax.random.normal(k1, (N, D), dtype=jnp.float32)
    edge_index = jax.random.randint(k2, (2, E), 0, N, dtype=jnp.int64)
    W = jax.random.normal(k3, (D, D), dtype=jnp.float32) * (1.0 / np.sqrt(D))
    b = jnp.zeros((D,), dtype=jnp.float32)
    gamma = jnp.ones((D,), dtype=jnp.float32)
    beta = jnp.zeros((D,), dtype=jnp.float32)
    return {"x": x, "edge_index": edge_index, "W": W, "b": b, "gamma": gamma, "beta": beta}

def reference(x, edge_index, W, b, gamma, beta):
    # nan guard (faithful to torch.nan_to_num)
    x = jnp.nan_to_num(x, nan=0.0)
    identity = x  # in_dim == out_dim -> nn.Identity residual
    n = x.shape[0]
    # GCNConv: add self-loops, symmetric normalization D^-1/2 (A+I) D^-1/2 X W + b
    loop = jnp.arange(n, dtype=edge_index.dtype)
    src = jnp.concatenate([edge_index[0], loop])
    dst = jnp.concatenate([edge_index[1], loop])
    deg = jnp.zeros((n,), dtype=x.dtype).at[dst].add(1.0)
    dinv = jnp.where(deg > 0, 1.0 / jnp.sqrt(deg), 0.0)
    norm = dinv[src] * dinv[dst]
    xw = x @ W
    msgs = xw[src] * norm[:, None]
    out = jax.ops.segment_sum(msgs, dst, num_segments=n) + b
    # BatchNorm over nodes (training-mode batch stats), eps=1e-5
    mean = out.mean(axis=0)
    var = out.var(axis=0)
    out = (out - mean) / jnp.sqrt(var + 1e-5) * gamma + beta
    out = jax.nn.relu(out)
    # dropout is identity in eval/deterministic mode
    result = out + identity
    result = jnp.nan_to_num(result, nan=0.0)
    return result

if __name__ == "__main__":
    import jax
    _d = setup_inputs()
    print(jax.jit(kernel)(*tuple(_d.values())))

</pallas_src>

<mosaic_0001>
#map = affine_map<(d0, d1) -> (0, 0, 0)>
#map1 = affine_map<(d0, d1) -> (0)>
module attributes {stable_mosaic.version = 14 : i64} {
  func.func @deg_body(%arg0: i32, %arg1: i32, %arg2: memref<16x160x128xi32, #tpu.memory_space<hbm>>, %arg3: memref<128xf32, #tpu.memory_space<hbm>>, %arg4: memref<632xf32, #tpu.memory_space<hbm>>, %arg5: memref<20224xf32, #tpu.memory_space<hbm>>, %arg6: memref<160x128xi32, #tpu.memory_space<vmem>>, %arg7: memref<128xf32, #tpu.memory_space<vmem>>, %arg8: memref<632xf32, #tpu.memory_space<vmem>>, %arg9: memref<!tpu.dma_semaphore, #tpu.memory_space<semaphore_mem>>, %arg10: memref<10112xf32, #tpu.memory_space<vmem_shared>>) attributes {dimension_semantics = [#tpu.dimension_semantics<core_parallel>, #tpu.dimension_semantics<subcore_parallel>], iteration_bounds = array<i64: 2, 16>, scalar_prefetch = 0 : i64, scratch_operands = 5 : i64, tpu.core_type = #tpu.core_type<sc_vector_subcore>, window_params = [{transform_indices = #map}, {transform_indices = #map1}, {transform_indices = #map1}, {transform_indices = #map1}]} {
    "tpu.region"() ({
      %run_scoped3A = tpu.sem_alloc : memref<!tpu.dma_semaphore, #tpu.memory_space<semaphore_mem>>
      tpu.enqueue_dma source(%arg4 : memref<632xf32, #tpu.memory_space<hbm>>) target(%arg8 : memref<632xf32, #tpu.memory_space<vmem>>) target_semaphore(%run_scoped3A : memref<!tpu.dma_semaphore, #tpu.memory_space<semaphore_mem>>)
      tpu.wait_dma2 semaphore(%run_scoped3A : memref<!tpu.dma_semaphore, #tpu.memory_space<semaphore_mem>>) src(%arg4 : memref<632xf32, #tpu.memory_space<hbm>>) dst(%arg8 : memref<632xf32, #tpu.memory_space<vmem>>)
      tpu.yield
    }) : () -> ()
    %mul3A = arith.constant 632 : i32
    %mul3A_0 = arith.muli %arg1, %mul3A : i32
    "tpu.region"() ({
      %run_scoped3A = tpu.sem_alloc : memref<!tpu.dma_semaphore, #tpu.memory_space<semaphore_mem>>
      %dma_start3A = tpu.memref_slice %arg10[%mul3A_0] : memref<10112xf32, #tpu.memory_space<vmem_shared>> -> memref<632xf32, #tpu.memory_space<vmem_shared>>
      %dma_start3A_19 = tpu.memref_slice %arg10[%mul3A_0] : memref<10112xf32, #tpu.memory_space<vmem_shared>> -> memref<632xf32, #tpu.memory_space<vmem_shared>>
      tpu.enqueue_dma source(%arg8 : memref<632xf32, #tpu.memory_space<vmem>>) target(%dma_start3A_19 : memref<632xf32, #tpu.memory_space<vmem_shared>>) target_semaphore(%run_scoped3A : memref<!tpu.dma_semaphore, #tpu.memory_space<semaphore_mem>>)
      %dma_wait3A = tpu.memref_slice %arg10[%mul3A_0] : memref<10112xf32, #tpu.memory_space<vmem_shared>> -> memref<632xf32, #tpu.memory_space<vmem_shared>>
      %dma_wait3A_20 = tpu.memref_slice %arg10[%mul3A_0] : memref<10112xf32, #tpu.memory_space<vmem_shared>> -> memref<632xf32, #tpu.memory_space<vmem_shared>>
      tpu.wait_dma2 semaphore(%run_scoped3A : memref<!tpu.dma_semaphore, #tpu.memory_space<semaphore_mem>>) src(%arg8 : memref<632xf32, #tpu.memory_space<vmem>>) dst(%dma_wait3A_20 : memref<632xf32, #tpu.memory_space<vmem_shared>>)
      tpu.yield
    }) : () -> ()
    "tpu.region"() ({
      %run_scoped3A = tpu.sem_alloc : memref<!tpu.dma_semaphore, #tpu.memory_space<semaphore_mem>>
      tpu.enqueue_dma source(%arg3 : memref<128xf32, #tpu.memory_space<hbm>>) target(%arg7 : memref<128xf32, #tpu.memory_space<vmem>>) target_semaphore(%run_scoped3A : memref<!tpu.dma_semaphore, #tpu.memory_space<semaphore_mem>>)
      tpu.wait_dma2 semaphore(%run_scoped3A : memref<!tpu.dma_semaphore, #tpu.memory_space<semaphore_mem>>) src(%arg3 : memref<128xf32, #tpu.memory_space<hbm>>) dst(%arg7 : memref<128xf32, #tpu.memory_space<vmem>>)
      tpu.yield
    }) : () -> ()
    "tpu.region"() ({
      %run_scoped3A = tpu.sem_alloc : memref<!tpu.dma_semaphore, #tpu.memory_space<semaphore_mem>>
      %dma_start3A = arith.constant 0 : i32
      %dma_start3A_19 = arith.constant 0 : i32
      %dma_start3A_20 = tpu.memref_slice %arg2[%arg1, %dma_start3A, %dma_start3A_19] : memref<16x160x128xi32, #tpu.memory_space<hbm>> -> memref<1x160x128xi32, #tpu.memory_space<hbm>>
      %dma_start3A_21 = tpu.memref_squeeze %dma_start3A_20 : memref<1x160x128xi32, #tpu.memory_space<hbm>> -> memref<160x128xi32, #tpu.memory_space<hbm>>
      %dma_start3A_22 = arith.constant 0 : i32
      %dma_start3A_23 = arith.constant 0 : i32
      %dma_start3A_24 = tpu.memref_slice %arg2[%arg1, %dma_start3A_22, %dma_start3A_23] : memref<16x160x128xi32, #tpu.memory_space<hbm>> -> memref<1x160x128xi32, #tpu.memory_space<hbm>>
      %dma_start3A_25 = tpu.memref_squeeze %dma_start3A_24 : memref<1x160x128xi32, #tpu.memory_space<hbm>> -> memref<160x128xi32, #tpu.memory_space<hbm>>
      tpu.enqueue_dma source(%dma_start3A_25 : memref<160x128xi32, #tpu.memory_space<hbm>>) target(%arg6 : memref<160x128xi32, #tpu.memory_space<vmem>>) target_semaphore(%run_scoped3A : memref<!tpu.dma_semaphore, #tpu.memory_space<semaphore_mem>>)
      %dma_wait3A = arith.constant 0 : i32
      %dma_wait3A_26 = arith.constant 0 : i32
      %dma_wait3A_27 = tpu.memref_slice %arg2[%arg1, %dma_wait3A, %dma_wait3A_26] : memref<16x160x128xi32, #tpu.memory_space<hbm>> -> memref<1x160x128xi32, #tpu.memory_space<hbm>>
      %dma_wait3A_28 = tpu.memref_squeeze %dma_wait3A_27 : memref<1x160x128xi32, #tpu.memory_space<hbm>> -> memref<160x128xi32, #tpu.memory_space<hbm>>
      %dma_wait3A_29 = arith.constant 0 : i32
      %dma_wait3A_30 = arith.constant 0 : i32
      %dma_wait3A_31 = tpu.memref_slice %arg2[%arg1, %dma_wait3A_29, %dma_wait3A_30] : memref<16x160x128xi32, #tpu.memory_space<hbm>> -> memref<1x160x128xi32, #tpu.memory_space<hbm>>
      %dma_wait3A_32 = tpu.memref_squeeze %dma_wait3A_31 : memref<1x160x128xi32, #tpu.memory_space<hbm>> -> memref<160x128xi32, #tpu.memory_space<hbm>>
      tpu.wait_dma2 semaphore(%run_scoped3A : memref<!tpu.dma_semaphore, #tpu.memory_space<semaphore_mem>>) src(%dma_wait3A_32 : memref<160x128xi32, #tpu.memory_space<hbm>>) dst(%arg6 : memref<160x128xi32, #tpu.memory_space<vmem>>)
      tpu.yield
    }) : () -> ()
    %barrier3A = arith.constant 0 : index
    tpu.barrier barrier_id(%barrier3A)
    %scan3A = arith.constant 0 : i32
    %scan3A_1 = arith.constant 0 : i32
    %scan3A_2 = arith.constant 160 : i32
    %scan3A_3 = arith.addi %scan3A_1, %scan3A_2 : i32
    %scan3A_4 = arith.constant 1 : i32
    scf.for %scan3A_19 = %scan3A_1 to %scan3A_3 step %scan3A_4  : i32 {
      %dma_start3A = arith.constant 0 : i32
      %dma_start3A_20 = tpu.memref_slice %arg6[%scan3A_19, %dma_start3A] : memref<160x128xi32, #tpu.memory_space<vmem>> -> memref<1x128xi32, #tpu.memory_space<vmem>>
      %dma_start3A_21 = tpu.memref_squeeze %dma_start3A_20 : memref<1x128xi32, #tpu.memory_space<vmem>> -> memref<128xi32, #tpu.memory_space<vmem>>
      %dma_start3A_22 = arith.constant 0 : i32
      %dma_start3A_23 = tpu.memref_slice %arg10[%dma_start3A_22] : memref<10112xf32, #tpu.memory_space<vmem_shared>> -> memref<10112xf32, #tpu.memory_space<vmem_shared>>
      tpu.enqueue_indirect_dma source(%arg7 : memref<128xf32, #tpu.memory_space<vmem>>) target(%dma_start3A_23 : memref<10112xf32, #tpu.memory_space<vmem_shared>>) offsets(%dma_start3A_21 : memref<128xi32, #tpu.memory_space<vmem>>) semaphore(%arg9 : memref<!tpu.dma_semaphore, #tpu.memory_space<semaphore_mem>>) {add = true}
    }
    %scan3A_5 = arith.constant 160 : i32
    %scan3A_6 = arith.constant 0 : i32
    %scan3A_7 = arith.constant 0 : i32
    %scan3A_8 = arith.constant 160 : i32
    %scan3A_9 = arith.addi %scan3A_7, %scan3A_8 : i32
    %scan3A_10 = arith.constant 1 : i32
    scf.for %scan3A_19 = %scan3A_7 to %scan3A_9 step %scan3A_10  : i32 {
      %dma_wait3A = arith.constant 0 : i32
      %dma_wait3A_20 = arith.constant 0 : i32
      %dma_wait3A_21 = tpu.memref_slice %arg6[%dma_wait3A, %dma_wait3A_20] : memref<160x128xi32, #tpu.memory_space<vmem>> -> memref<1x128xi32, #tpu.memory_space<vmem>>
      %dma_wait3A_22 = tpu.memref_squeeze %dma_wait3A_21 : memref<1x128xi32, #tpu.memory_space<vmem>> -> memref<128xi32, #tpu.memory_space<vmem>>
      %dma_wait3A_23 = arith.constant 0 : i32
      %dma_wait3A_24 = tpu.memref_slice %arg10[%dma_wait3A_23] : memref<10112xf32, #tpu.memory_space<vmem_shared>> -> memref<10112xf32, #tpu.memory_space<vmem_shared>>
      tpu.wait_indirect_dma semaphore(%arg9 : memref<!tpu.dma_semaphore, #tpu.memory_space<semaphore_mem>>) src(%arg7 : memref<128xf32, #tpu.memory_space<vmem>>) dst(%dma_wait3A_24 : memref<10112xf32, #tpu.memory_space<vmem_shared>>)
    }
    %scan3A_11 = arith.constant 160 : i32
    %barrier3A_12 = arith.constant 0 : index
    tpu.barrier barrier_id(%barrier3A_12)
    %mul3A_13 = arith.constant 632 : i32
    %mul3A_14 = arith.muli %arg1, %mul3A_13 : i32
    "tpu.region"() ({
      %run_scoped3A = tpu.sem_alloc : memref<!tpu.dma_semaphore, #tpu.memory_space<semaphore_mem>>
      %dma_start3A = tpu.memref_slice %arg10[%mul3A_14] : memref<10112xf32, #tpu.memory_space<vmem_shared>> -> memref<632xf32, #tpu.memory_space<vmem_shared>>
      %dma_start3A_19 = tpu.memref_slice %arg10[%mul3A_14] : memref<10112xf32, #tpu.memory_space<vmem_shared>> -> memref<632xf32, #tpu.memory_space<vmem_shared>>
      tpu.enqueue_dma source(%dma_start3A_19 : memref<632xf32, #tpu.memory_space<vmem_shared>>) target(%arg8 : memref<632xf32, #tpu.memory_space<vmem>>) target_semaphore(%run_scoped3A : memref<!tpu.dma_semaphore, #tpu.memory_space<semaphore_mem>>)
      %dma_wait3A = tpu.memref_slice %arg10[%mul3A_14] : memref<10112xf32, #tpu.memory_space<vmem_shared>> -> memref<632xf32, #tpu.memory_space<vmem_shared>>
      %dma_wait3A_20 = tpu.memref_slice %arg10[%mul3A_14] : memref<10112xf32, #tpu.memory_space<vmem_shared>> -> memref<632xf32, #tpu.memory_space<vmem_shared>>
      tpu.wait_dma2 semaphore(%run_scoped3A : memref<!tpu.dma_semaphore, #tpu.memory_space<semaphore_mem>>) src(%dma_wait3A_20 : memref<632xf32, #tpu.memory_space<vmem_shared>>) dst(%arg8 : memref<632xf32, #tpu.memory_space<vmem>>)
      tpu.yield
    }) : () -> ()
    %mul3A_15 = arith.constant 10112 : i32
    %mul3A_16 = arith.muli %arg0, %mul3A_15 : i32
    %mul3A_17 = arith.constant 632 : i32
    %mul3A_18 = arith.muli %arg1, %mul3A_17 : i32
    %add3A = arith.addi %mul3A_16, %mul3A_18 : i32
    "tpu.region"() ({
      %run_scoped3A = tpu.sem_alloc : memref<!tpu.dma_semaphore, #tpu.memory_space<semaphore_mem>>
      %dma_start3A = tpu.memref_slice %arg5[%add3A] : memref<20224xf32, #tpu.memory_space<hbm>> -> memref<632xf32, #tpu.memory_space<hbm>>
      %dma_start3A_19 = tpu.memref_slice %arg5[%add3A] : memref<20224xf32, #tpu.memory_space<hbm>> -> memref<632xf32, #tpu.memory_space<hbm>>
      tpu.enqueue_dma source(%arg8 : memref<632xf32, #tpu.memory_space<vmem>>) target(%dma_start3A_19 : memref<632xf32, #tpu.memory_space<hbm>>) target_semaphore(%run_scoped3A : memref<!tpu.dma_semaphore, #tpu.memory_space<semaphore_mem>>)
      %dma_wait3A = tpu.memref_slice %arg5[%add3A] : memref<20224xf32, #tpu.memory_space<hbm>> -> memref<632xf32, #tpu.memory_space<hbm>>
      %dma_wait3A_20 = tpu.memref_slice %arg5[%add3A] : memref<20224xf32, #tpu.memory_space<hbm>> -> memref<632xf32, #tpu.memory_space<hbm>>
      tpu.wait_dma2 semaphore(%run_scoped3A : memref<!tpu.dma_semaphore, #tpu.memory_space<semaphore_mem>>) src(%arg8 : memref<632xf32, #tpu.memory_space<vmem>>) dst(%dma_wait3A_20 : memref<632xf32, #tpu.memory_space<hbm>>)
      tpu.yield
    }) : () -> ()
    return
  }
}

#map = affine_map<(d0, d1) -> (0, 0, 0)>
#map1 = affine_map<(d0, d1) -> (0, 0)>
module attributes {stable_mosaic.version = 14 : i64} {
  func.func @agg_body(%arg0: i32, %arg1: i32, %arg2: memref<16x160x128xi32, #tpu.memory_space<hbm>>, %arg3: memref<16x160x128xi32, #tpu.memory_space<hbm>>, %arg4: memref<2x10112x64xbf16, #tpu.memory_space<hbm>>, %arg5: memref<128x64xf32, #tpu.memory_space<hbm>>, %arg6: memref<2x10112x64xf32, #tpu.memory_space<hbm>>, %arg7: memref<160x128xi32, #tpu.memory_space<vmem>>, %arg8: memref<160x128xi32, #tpu.memory_space<vmem>>, %arg9: memref<128x64xbf16, #tpu.memory_space<vmem>>, %arg10: memref<128x64xbf16, #tpu.memory_space<vmem>>, %arg11: memref<128x64xbf16, #tpu.memory_space<vmem>>, %arg12: memref<128x64xbf16, #tpu.memory_space<vmem>>, %arg13: memref<128x64xf32, #tpu.memory_space<vmem>>, %arg14: memref<128x64xf32, #tpu.memory_space<vmem>>, %arg15: memref<128x64xf32, #tpu.memory_space<vmem>>, %arg16: memref<128x64xf32, #tpu.memory_space<vmem>>, %arg17: memref<4x!tpu.dma_semaphore, #tpu.memory_space<semaphore_mem>>, %arg18: memref<4x!tpu.dma_semaphore, #tpu.memory_space<semaphore_mem>>, %arg19: memref<10112x64xf32, #tpu.memory_space<vmem_shared>>) attributes {dimension_semantics = [#tpu.dimension_semantics<core_parallel>, #tpu.dimension_semantics<subcore_parallel>], iteration_bounds = array<i64: 2, 16>, scalar_prefetch = 0 : i64, scratch_operands = 13 : i64, tpu.core_type = #tpu.core_type<sc_vector_subcore>, window_params = [{transform_indices = #map}, {transform_indices = #map}, {transform_indices = #map}, {transform_indices = #map1}, {transform_indices = #map}]} {
    "tpu.region"() ({
      %run_scoped3A = tpu.sem_alloc : memref<!tpu.dma_semaphore, #tpu.memory_space<semaphore_mem>>
      tpu.enqueue_dma source(%arg5 : memref<128x64xf32, #tpu.memory_space<hbm>>) target(%arg13 : memref<128x64xf32, #tpu.memory_space<vmem>>) target_semaphore(%run_scoped3A : memref<!tpu.dma_semaphore, #tpu.memory_space<semaphore_mem>>)
      tpu.wait_dma2 semaphore(%run_scoped3A : memref<!tpu.dma_semaphore, #tpu.memory_space<semaphore_mem>>) src(%arg5 : memref<128x64xf32, #tpu.memory_space<hbm>>) dst(%arg13 : memref<128x64xf32, #tpu.memory_space<vmem>>)
      tpu.yield
    }) : () -> ()
    %mul3A = arith.constant 632 : i32
    %mul3A_0 = arith.muli %arg1, %mul3A : i32
    %add3A = arith.constant 0 : i32
    %add3A_1 = arith.addi %mul3A_0, %add3A : i32
    "tpu.region"() ({
      %run_scoped3A = tpu.sem_alloc : memref<!tpu.dma_semaphore, #tpu.memory_space<semaphore_mem>>
      %dma_start3A_143 = arith.constant 0 : i32
      %dma_start3A_144 = tpu.memref_slice %arg19[%add3A_1, %dma_start3A_143] : memref<10112x64xf32, #tpu.memory_space<vmem_shared>> -> memref<128x64xf32, #tpu.memory_space<vmem_shared>>
      %dma_start3A_145 = arith.constant 0 : i32
      %dma_start3A_146 = tpu.memref_slice %arg19[%add3A_1, %dma_start3A_145] : memref<10112x64xf32, #tpu.memory_space<vmem_shared>> -> memref<128x64xf32, #tpu.memory_space<vmem_shared>>
      tpu.enqueue_dma source(%arg13 : memref<128x64xf32, #tpu.memory_space<vmem>>) target(%dma_start3A_146 : memref<128x64xf32, #tpu.memory_space<vmem_shared>>) target_semaphore(%run_scoped3A : memref<!tpu.dma_semaphore, #tpu.memory_space<semaphore_mem>>)
      %dma_wait3A_147 = arith.constant 0 : i32
      %dma_wait3A_148 = tpu.memref_slice %arg19[%add3A_1, %dma_wait3A_147] : memref<10112x64xf32, #tpu.memory_space<vmem_shared>> -> memref<128x64xf32, #tpu.memory_space<vmem_shared>>
      %dma_wait3A_149 = arith.constant 0 : i32
      %dma_wait3A_150 = tpu.memref_slice %arg19[%add3A_1, %dma_wait3A_149] : memref<10112x64xf32, #tpu.memory_space<vmem_shared>> -> memref<128x64xf32, #tpu.memory_space<vmem_shared>>
      tpu.wait_dma2 semaphore(%run_scoped3A : memref<!tpu.dma_semaphore, #tpu.memory_space<semaphore_mem>>) src(%arg13 : memref<128x64xf32, #tpu.memory_space<vmem>>) dst(%dma_wait3A_150 : memref<128x64xf32, #tpu.memory_space<vmem_shared>>)
      tpu.yield
    }) : () -> ()
    %mul3A_2 = arith.constant 632 : i32
    %mul3A_3 = arith.muli %arg1, %mul3A_2 : i32
    %add3A_4 = arith.constant 128 : i32
    %add3A_5 = arith.addi %mul3A_3, %add3A_4 : i32
    "tpu.region"() ({
      %run_scoped3A = tpu.sem_alloc : memref<!tpu.dma_semaphore, #tpu.memory_space<semaphore_mem>>
      %dma_start3A_143 = arith.constant 0 : i32
      %dma_start3A_144 = tpu.memref_slice %arg19[%add3A_5, %dma_start3A_143] : memref<10112x64xf32, #tpu.memory_space<vmem_shared>> -> memref<128x64xf32, #tpu.memory_space<vmem_shared>>
      %dma_start3A_145 = arith.constant 0 : i32
      %dma_start3A_146 = tpu.memref_slice %arg19[%add3A_5, %dma_start3A_145] : memref<10112x64xf32, #tpu.memory_space<vmem_shared>> -> memref<128x64xf32, #tpu.memory_space<vmem_shared>>
      tpu.enqueue_dma source(%arg13 : memref<128x64xf32, #tpu.memory_space<vmem>>) target(%dma_start3A_146 : memref<128x64xf32, #tpu.memory_space<vmem_shared>>) target_semaphore(%run_scoped3A : memref<!tpu.dma_semaphore, #tpu.memory_space<semaphore_mem>>)
      %dma_wait3A_147 = arith.constant 0 : i32
      %dma_wait3A_148 = tpu.memref_slice %arg19[%add3A_5, %dma_wait3A_147] : memref<10112x64xf32, #tpu.memory_space<vmem_shared>> -> memref<128x64xf32, #tpu.memory_space<vmem_shared>>
      %dma_wait3A_149 = arith.constant 0 : i32
      %dma_wait3A_150 = tpu.memref_slice %arg19[%add3A_5, %dma_wait3A_149] : memref<10112x64xf32, #tpu.memory_space<vmem_shared>> -> memref<128x64xf32, #tpu.memory_space<vmem_shared>>
      tpu.wait_dma2 semaphore(%run_scoped3A : memref<!tpu.dma_semaphore, #tpu.memory_space<semaphore_mem>>) src(%arg13 : memref<128x64xf32, #tpu.memory_space<vmem>>) dst(%dma_wait3A_150 : memref<128x64xf32, #tpu.memory_space<vmem_shared>>)
      tpu.yield
    }) : () -> ()
    %mul3A_6 = arith.constant 632 : i32
    %mul3A_7 = arith.muli %arg1, %mul3A_6 : i32
    %add3A_8 = arith.constant 256 : i32
    %add3A_9 = arith.addi %mul3A_7, %add3A_8 : i32
    "tpu.region"() ({
      %run_scoped3A = tpu.sem_alloc : memref<!tpu.dma_semaphore, #tpu.memory_space<semaphore_mem>>
      %dma_start3A_143 = arith.constant 0 : i32
      %dma_start3A_144 = tpu.memref_slice %arg19[%add3A_9, %dma_start3A_143] : memref<10112x64xf32, #tpu.memory_space<vmem_shared>> -> memref<128x64xf32, #tpu.memory_space<vmem_shared>>
      %dma_start3A_145 = arith.constant 0 : i32
      %dma_start3A_146 = tpu.memref_slice %arg19[%add3A_9, %dma_start3A_145] : memref<10112x64xf32, #tpu.memory_space<vmem_shared>> -> memref<128x64xf32, #tpu.memory_space<vmem_shared>>
      tpu.enqueue_dma source(%arg13 : memref<128x64xf32, #tpu.memory_space<vmem>>) target(%dma_start3A_146 : memref<128x64xf32, #tpu.memory_space<vmem_shared>>) target_semaphore(%run_scoped3A : memref<!tpu.dma_semaphore, #tpu.memory_space<semaphore_mem>>)
      %dma_wait3A_147 = arith.constant 0 : i32
      %dma_wait3A_148 = tpu.memref_slice %arg19[%add3A_9, %dma_wait3A_147] : memref<10112x64xf32, #tpu.memory_space<vmem_shared>> -> memref<128x64xf32, #tpu.memory_space<vmem_shared>>
      %dma_wait3A_149 = arith.constant 0 : i32
      %dma_wait3A_150 = tpu.memref_slice %arg19[%add3A_9, %dma_wait3A_149] : memref<10112x64xf32, #tpu.memory_space<vmem_shared>> -> memref<128x64xf32, #tpu.memory_space<vmem_shared>>
      tpu.wait_dma2 semaphore(%run_scoped3A : memref<!tpu.dma_semaphore, #tpu.memory_space<semaphore_mem>>) src(%arg13 : memref<128x64xf32, #tpu.memory_space<vmem>>) dst(%dma_wait3A_150 : memref<128x64xf32, #tpu.memory_space<vmem_shared>>)
      tpu.yield
    }) : () -> ()
    %mul3A_10 = arith.constant 632 : i32
    %mul3A_11 = arith.muli %arg1, %mul3A_10 : i32
    %add3A_12 = arith.constant 384 : i32
    %add3A_13 = arith.addi %mul3A_11, %add3A_12 : i32
    "tpu.region"() ({
      %run_scoped3A = tpu.sem_alloc : memref<!tpu.dma_semaphore, #tpu.memory_space<semaphore_mem>>
      %dma_start3A_143 = arith.constant 0 : i32
      %dma_start3A_144 = tpu.memref_slice %arg19[%add3A_13, %dma_start3A_143] : memref<10112x64xf32, #tpu.memory_space<vmem_shared>> -> memref<128x64xf32, #tpu.memory_space<vmem_shared>>
      %dma_start3A_145 = arith.constant 0 : i32
      %dma_start3A_146 = tpu.memref_slice %arg19[%add3A_13, %dma_start3A_145] : memref<10112x64xf32, #tpu.memory_space<vmem_shared>> -> memref<128x64xf32, #tpu.memory_space<vmem_shared>>
      tpu.enqueue_dma source(%arg13 : memref<128x64xf32, #tpu.memory_space<vmem>>) target(%dma_start3A_146 : memref<128x64xf32, #tpu.memory_space<vmem_shared>>) target_semaphore(%run_scoped3A : memref<!tpu.dma_semaphore, #tpu.memory_space<semaphore_mem>>)
      %dma_wait3A_147 = arith.constant 0 : i32
      %dma_wait3A_148 = tpu.memref_slice %arg19[%add3A_13, %dma_wait3A_147] : memref<10112x64xf32, #tpu.memory_space<vmem_shared>> -> memref<128x64xf32, #tpu.memory_space<vmem_shared>>
      %dma_wait3A_149 = arith.constant 0 : i32
      %dma_wait3A_150 = tpu.memref_slice %arg19[%add3A_13, %dma_wait3A_149] : memref<10112x64xf32, #tpu.memory_space<vmem_shared>> -> memref<128x64xf32, #tpu.memory_space<vmem_shared>>
      tpu.wait_dma2 semaphore(%run_scoped3A : memref<!tpu.dma_semaphore, #tpu.memory_space<semaphore_mem>>) src(%arg13 : memref<128x64xf32, #tpu.memory_space<vmem>>) dst(%dma_wait3A_150 : memref<128x64xf32, #tpu.memory_space<vmem_shared>>)
      tpu.yield
    }) : () -> ()
    %mul3A_14 = arith.constant 632 : i32
    %mul3A_15 = arith.muli %arg1, %mul3A_14 : i32
    %add3A_16 = arith.constant 512 : i32
    %add3A_17 = arith.addi %mul3A_15, %add3A_16 : i32
    "tpu.region"() ({
      %run_scoped3A = tpu.sem_alloc : memref<!tpu.dma_semaphore, #tpu.memory_space<semaphore_mem>>
      %dma_start3A_143 = arith.constant 0 : i32
      %dma_start3A_144 = arith.constant 0 : i32
      %dma_start3A_145 = tpu.memref_slice %arg13[%dma_start3A_143, %dma_start3A_144] : memref<128x64xf32, #tpu.memory_space<vmem>> -> memref<120x64xf32, #tpu.memory_space<vmem>>
      %dma_start3A_146 = arith.constant 0 : i32
      %dma_start3A_147 = tpu.memref_slice %arg19[%add3A_17, %dma_start3A_146] : memref<10112x64xf32, #tpu.memory_space<vmem_shared>> -> memref<120x64xf32, #tpu.memory_space<vmem_shared>>
      %dma_start3A_148 = arith.constant 0 : i32
      %dma_start3A_149 = tpu.memref_slice %arg19[%add3A_17, %dma_start3A_148] : memref<10112x64xf32, #tpu.memory_space<vmem_shared>> -> memref<120x64xf32, #tpu.memory_space<vmem_shared>>
      %dma_start3A_150 = arith.constant 0 : i32
      %dma_start3A_151 = arith.constant 0 : i32
      %dma_start3A_152 = tpu.memref_slice %arg13[%dma_start3A_150, %dma_start3A_151] : memref<128x64xf32, #tpu.memory_space<vmem>> -> memref<120x64xf32, #tpu.memory_space<vmem>>
      tpu.enqueue_dma source(%dma_start3A_152 : memref<120x64xf32, #tpu.memory_space<vmem>>) target(%dma_start3A_149 : memref<120x64xf32, #tpu.memory_space<vmem_shared>>) target_semaphore(%run_scoped3A : memref<!tpu.dma_semaphore, #tpu.memory_space<semaphore_mem>>)
      %dma_wait3A_153 = arith.constant 0 : i32
      %dma_wait3A_154 = arith.constant 0 : i32
      %dma_wait3A_155 = tpu.memref_slice %arg13[%dma_wait3A_153, %dma_wait3A_154] : memref<128x64xf32, #tpu.memory_space<vmem>> -> memref<120x64xf32, #tpu.memory_space<vmem>>
      %dma_wait3A_156 = arith.constant 0 : i32
      %dma_wait3A_157 = tpu.memref_slice %arg19[%add3A_17, %dma_wait3A_156] : memref<10112x64xf32, #tpu.memory_space<vmem_shared>> -> memref<120x64xf32, #tpu.memory_space<vmem_shared>>
      %dma_wait3A_158 = arith.constant 0 : i32
      %dma_wait3A_159 = tpu.memref_slice %arg19[%add3A_17, %dma_wait3A_158] : memref<10112x64xf32, #tpu.memory_space<vmem_shared>> -> memref<120x64xf32, #tpu.memory_space<vmem_shared>>
      %dma_wait3A_160 = arith.constant 0 : i32
      %dma_wait3A_161 = arith.constant 0 : i32
      %dma_wait3A_162 = tpu.memref_slice %arg13[%dma_wait3A_160, %dma_wait3A_161] : memref<128x64xf32, #tpu.memory_space<vmem>> -> memref<120x64xf32, #tpu.memory_space<vmem>>
      tpu.wait_dma2 semaphore(%run_scoped3A : memref<!tpu.dma_semaphore, #tpu.memory_space<semaphore_mem>>) src(%dma_wait3A_162 : memref<120x64xf32, #tpu.memory_space<vmem>>) dst(%dma_wait3A_159 : memref<120x64xf32, #tpu.memory_space<vmem_shared>>)
      tpu.yield
    }) : () -> ()
    "tpu.region"() ({
      %run_scoped3A = tpu.sem_alloc : memref<!tpu.dma_semaphore, #tpu.memory_space<semaphore_mem>>
      %dma_start3A_143 = arith.constant 0 : i32
      %dma_start3A_144 = arith.constant 0 : i32
      %dma_start3A_145 = tpu.memref_slice %arg2[%arg1, %dma_start3A_143, %dma_start3A_144] : memref<16x160x128xi32, #tpu.memory_space<hbm>> -> memref<1x160x128xi32, #tpu.memory_space<hbm>>
      %dma_start3A_146 = tpu.memref_squeeze %dma_start3A_145 : memref<1x160x128xi32, #tpu.memory_space<hbm>> -> memref<160x128xi32, #tpu.memory_space<hbm>>
      %dma_start3A_147 = arith.constant 0 : i32
      %dma_start3A_148 = arith.constant 0 : i32
      %dma_start3A_149 = tpu.memref_slice %arg2[%arg1, %dma_start3A_147, %dma_start3A_148] : memref<16x160x128xi32, #tpu.memory_space<hbm>> -> memref<1x160x128xi32, #tpu.memory_space<hbm>>
      %dma_start3A_150 = tpu.memref_squeeze %dma_start3A_149 : memref<1x160x128xi32, #tpu.memory_space<hbm>> -> memref<160x128xi32, #tpu.memory_space<hbm>>
      tpu.enqueue_dma source(%dma_start3A_150 : memref<160x128xi32, #tpu.memory_space<hbm>>) target(%arg7 : memref<160x128xi32, #tpu.memory_space<vmem>>) target_semaphore(%run_scoped3A : memref<!tpu.dma_semaphore, #tpu.memory_space<semaphore_mem>>)
      %dma_wait3A_151 = arith.constant 0 : i32
      %dma_wait3A_152 = arith.constant 0 : i32
      %dma_wait3A_153 = tpu.memref_slice %arg2[%arg1, %dma_wait3A_151, %dma_wait3A_152] : memref<16x160x128xi32, #tpu.memory_space<hbm>> -> memref<1x160x128xi32, #tpu.memory_space<hbm>>
      %dma_wait3A_154 = tpu.memref_squeeze %dma_wait3A_153 : memref<1x160x128xi32, #tpu.memory_space<hbm>> -> memref<160x128xi32, #tpu.memory_space<hbm>>
      %dma_wait3A_155 = arith.constant 0 : i32
      %dma_wait3A_156 = arith.constant 0 : i32
      %dma_wait3A_157 = tpu.memref_slice %arg2[%arg1, %dma_wait3A_155, %dma_wait3A_156] : memref<16x160x128xi32, #tpu.memory_space<hbm>> -> memref<1x160x128xi32, #tpu.memory_space<hbm>>
      %dma_wait3A_158 = tpu.memref_squeeze %dma_wait3A_157 : memref<1x160x128xi32, #tpu.memory_space<hbm>> -> memref<160x128xi32, #tpu.memory_space<hbm>>
      tpu.wait_dma2 semaphore(%run_scoped3A : memref<!tpu.dma_semaphore, #tpu.memory_space<semaphore_mem>>) src(%dma_wait3A_158 : memref<160x128xi32, #tpu.memory_space<hbm>>) dst(%arg7 : memref<160x128xi32, #tpu.memory_space<vmem>>)
      tpu.yield
    }) : () -> ()
    "tpu.region"() ({
      %run_scoped3A = tpu.sem_alloc : memref<!tpu.dma_semaphore, #tpu.memory_space<semaphore_mem>>
      %dma_start3A_143 = arith.constant 0 : i32
      %dma_start3A_144 = arith.constant 0 : i32
      %dma_start3A_145 = tpu.memref_slice %arg3[%arg1, %dma_start3A_143, %dma_start3A_144] : memref<16x160x128xi32, #tpu.memory_space<hbm>> -> memref<1x160x128xi32, #tpu.memory_space<hbm>>
      %dma_start3A_146 = tpu.memref_squeeze %dma_start3A_145 : memref<1x160x128xi32, #tpu.memory_space<hbm>> -> memref<160x128xi32, #tpu.memory_space<hbm>>
      %dma_start3A_147 = arith.constant 0 : i32
      %dma_start3A_148 = arith.constant 0 : i32
      %dma_start3A_149 = tpu.memref_slice %arg3[%arg1, %dma_start3A_147, %dma_start3A_148] : memref<16x160x128xi32, #tpu.memory_space<hbm>> -> memref<1x160x128xi32, #tpu.memory_space<hbm>>
      %dma_start3A_150 = tpu.memref_squeeze %dma_start3A_149 : memref<1x160x128xi32, #tpu.memory_space<hbm>> -> memref<160x128xi32, #tpu.memory_space<hbm>>
      tpu.enqueue_dma source(%dma_start3A_150 : memref<160x128xi32, #tpu.memory_space<hbm>>) target(%arg8 : memref<160x128xi32, #tpu.memory_space<vmem>>) target_semaphore(%run_scoped3A : memref<!tpu.dma_semaphore, #tpu.memory_space<semaphore_mem>>)
      %dma_wait3A_151 = arith.constant 0 : i32
      %dma_wait3A_152 = arith.constant 0 : i32
      %dma_wait3A_153 = tpu.memref_slice %arg3[%arg1, %dma_wait3A_151, %dma_wait3A_152] : memref<16x160x128xi32, #tpu.memory_space<hbm>> -> memref<1x160x128xi32, #tpu.memory_space<hbm>>
      %dma_wait3A_154 = tpu.memref_squeeze %dma_wait3A_153 : memref<1x160x128xi32, #tpu.memory_space<hbm>> -> memref<160x128xi32, #tpu.memory_space<hbm>>
      %dma_wait3A_155 = arith.constant 0 : i32
      %dma_wait3A_156 = arith.constant 0 : i32
      %dma_wait3A_157 = tpu.memref_slice %arg3[%arg1, %dma_wait3A_155, %dma_wait3A_156] : memref<16x160x128xi32, #tpu.memory_space<hbm>> -> memref<1x160x128xi32, #tpu.memory_space<hbm>>
      %dma_wait3A_158 = tpu.memref_squeeze %dma_wait3A_157 : memref<1x160x128xi32, #tpu.memory_space<hbm>> -> memref<160x128xi32, #tpu.memory_space<hbm>>
      tpu.wait_dma2 semaphore(%run_scoped3A : memref<!tpu.dma_semaphore, #tpu.memory_space<semaphore_mem>>) src(%dma_wait3A_158 : memref<160x128xi32, #tpu.memory_space<hbm>>) dst(%arg8 : memref<160x128xi32, #tpu.memory_space<vmem>>)
      tpu.yield
    }) : () -> ()
    %barrier3A = arith.constant 0 : index
    tpu.barrier barrier_id(%barrier3A)
    %dma_start3A = arith.constant 0 : i32
    %dma_start3A_18 = arith.constant 0 : i32
    %dma_start3A_19 = arith.constant 0 : i32
    %dma_start3A_20 = tpu.memref_slice %arg7[%dma_start3A, %dma_start3A_19] : memref<160x128xi32, #tpu.memory_space<vmem>> -> memref<1x128xi32, #tpu.memory_space<vmem>>
    %dma_start3A_21 = tpu.memref_squeeze %dma_start3A_20 : memref<1x128xi32, #tpu.memory_space<vmem>> -> memref<128xi32, #tpu.memory_space<vmem>>
    %dma_start3A_22 = arith.constant 0 : i32
    %dma_start3A_23 = arith.constant 0 : i32
    %dma_start3A_24 = tpu.memref_slice %arg4[%arg0, %dma_start3A_22, %dma_start3A_23] : memref<2x10112x64xbf16, #tpu.memory_space<hbm>> -> memref<1x10112x64xbf16, #tpu.memory_space<hbm>>
    %dma_start3A_25 = tpu.memref_squeeze %dma_start3A_24 : memref<1x10112x64xbf16, #tpu.memory_space<hbm>> -> memref<10112x64xbf16, #tpu.memory_space<hbm>>
    %dma_start3A_26 = arith.constant 0 : i32
    %dma_start3A_27 = arith.constant 0 : i32
    %dma_start3A_28 = tpu.memref_slice %dma_start3A_25[%dma_start3A_26, %dma_start3A_27] : memref<10112x64xbf16, #tpu.memory_space<hbm>> -> memref<10112x64xbf16, #tpu.memory_space<hbm>>
    %dma_start3A_29 = tpu.memref_slice %arg17[%dma_start3A_18] : memref<4x!tpu.dma_semaphore, #tpu.memory_space<semaphore_mem>> -> memref<1x!tpu.dma_semaphore, #tpu.memory_space<semaphore_mem>>
    %dma_start3A_30 = tpu.memref_squeeze %dma_start3A_29 : memref<1x!tpu.dma_semaphore, #tpu.memory_space<semaphore_mem>> -> memref<!tpu.dma_semaphore, #tpu.memory_space<semaphore_mem>>
    tpu.enqueue_indirect_dma source(%dma_start3A_28 : memref<10112x64xbf16, #tpu.memory_space<hbm>>) target(%arg9 : memref<128x64xbf16, #tpu.memory_space<vmem>>) offsets(%dma_start3A_21 : memref<128xi32, #tpu.memory_space<vmem>>) semaphore(%dma_start3A_30 : memref<!tpu.dma_semaphore, #tpu.memory_space<semaphore_mem>>)
    %dma_start3A_31 = arith.constant 1 : i32
    %dma_start3A_32 = arith.constant 1 : i32
    %dma_start3A_33 = arith.constant 0 : i32
    %dma_start3A_34 = tpu.memref_slice %arg7[%dma_start3A_31, %dma_start3A_33] : memref<160x128xi32, #tpu.memory_space<vmem>> -> memref<1x128xi32, #tpu.memory_space<vmem>>
    %dma_start3A_35 = tpu.memref_squeeze %dma_start3A_34 : memref<1x128xi32, #tpu.memory_space<vmem>> -> memref<128xi32, #tpu.memory_space<vmem>>
    %dma_start3A_36 = arith.constant 0 : i32
    %dma_start3A_37 = arith.constant 0 : i32
    %dma_start3A_38 = tpu.memref_slice %arg4[%arg0, %dma_start3A_36, %dma_start3A_37] : memref<2x10112x64xbf16, #tpu.memory_space<hbm>> -> memref<1x10112x64xbf16, #tpu.memory_space<hbm>>
    %dma_start3A_39 = tpu.memref_squeeze %dma_start3A_38 : memref<1x10112x64xbf16, #tpu.memory_space<hbm>> -> memref<10112x64xbf16, #tpu.memory_space<hbm>>
    %dma_start3A_40 = arith.constant 0 : i32
    %dma_start3A_41 = arith.constant 0 : i32
    %dma_start3A_42 = tpu.memref_slice %dma_start3A_39[%dma_start3A_40, %dma_start3A_41] : memref<10112x64xbf16, #tpu.memory_space<hbm>> -> memref<10112x64xbf16, #tpu.memory_space<hbm>>
    %dma_start3A_43 = tpu.memref_slice %arg17[%dma_start3A_32] : memref<4x!tpu.dma_semaphore, #tpu.memory_space<semaphore_mem>> -> memref<1x!tpu.dma_semaphore, #tpu.memory_space<semaphore_mem>>
    %dma_start3A_44 = tpu.memref_squeeze %dma_start3A_43 : memref<1x!tpu.dma_semaphore, #tpu.memory_space<semaphore_mem>> -> memref<!tpu.dma_semaphore, #tpu.memory_space<semaphore_mem>>
    tpu.enqueue_indirect_dma source(%dma_start3A_42 : memref<10112x64xbf16, #tpu.memory_space<hbm>>) target(%arg10 : memref<128x64xbf16, #tpu.memory_space<vmem>>) offsets(%dma_start3A_35 : memref<128xi32, #tpu.memory_space<vmem>>) semaphore(%dma_start3A_44 : memref<!tpu.dma_semaphore, #tpu.memory_space<semaphore_mem>>)
    %dma_start3A_45 = arith.constant 2 : i32
    %dma_start3A_46 = arith.constant 2 : i32
    %dma_start3A_47 = arith.constant 0 : i32
    %dma_start3A_48 = tpu.memref_slice %arg7[%dma_start3A_45, %dma_start3A_47] : memref<160x128xi32, #tpu.memory_space<vmem>> -> memref<1x128xi32, #tpu.memory_space<vmem>>
    %dma_start3A_49 = tpu.memref_squeeze %dma_start3A_48 : memref<1x128xi32, #tpu.memory_space<vmem>> -> memref<128xi32, #tpu.memory_space<vmem>>
    %dma_start3A_50 = arith.constant 0 : i32
    %dma_start3A_51 = arith.constant 0 : i32
    %dma_start3A_52 = tpu.memref_slice %arg4[%arg0, %dma_start3A_50, %dma_start3A_51] : memref<2x10112x64xbf16, #tpu.memory_space<hbm>> -> memref<1x10112x64xbf16, #tpu.memory_space<hbm>>
    %dma_start3A_53 = tpu.memref_squeeze %dma_start3A_52 : memref<1x10112x64xbf16, #tpu.memory_space<hbm>> -> memref<10112x64xbf16, #tpu.memory_space<hbm>>
    %dma_start3A_54 = arith.constant 0 : i32
    %dma_start3A_55 = arith.constant 0 : i32
    %dma_start3A_56 = tpu.memref_slice %dma_start3A_53[%dma_start3A_54, %dma_start3A_55] : memref<10112x64xbf16, #tpu.memory_space<hbm>> -> memref<10112x64xbf16, #tpu.memory_space<hbm>>
    %dma_start3A_57 = tpu.memref_slice %arg17[%dma_start3A_46] : memref<4x!tpu.dma_semaphore, #tpu.memory_space<semaphore_mem>> -> memref<1x!tpu.dma_semaphore, #tpu.memory_space<semaphore_mem>>
    %dma_start3A_58 = tpu.memref_squeeze %dma_start3A_57 : memref<1x!tpu.dma_semaphore, #tpu.memory_space<semaphore_mem>> -> memref<!tpu.dma_semaphore, #tpu.memory_space<semaphore_mem>>
    tpu.enqueue_indirect_dma source(%dma_start3A_56 : memref<10112x64xbf16, #tpu.memory_space<hbm>>) target(%arg11 : memref<128x64xbf16, #tpu.memory_space<vmem>>) offsets(%dma_start3A_49 : memref<128xi32, #tpu.memory_space<vmem>>) semaphore(%dma_start3A_58 : memref<!tpu.dma_semaphore, #tpu.memory_space<semaphore_mem>>)
    %scan3A = arith.constant 0 : i32
    %scan3A_59 = arith.constant 40 : i32
    %scan3A_60 = arith.addi %scan3A, %scan3A_59 : i32
    %scan3A_61 = arith.constant 1 : i32
    scf.for %scan3A_143 = %scan3A to %scan3A_60 step %scan3A_61  : i32 {
      %mul3A_144 = arith.constant 4 : i32
      %mul3A_145 = arith.muli %scan3A_143, %mul3A_144 : i32
      %add3A_146 = arith.constant 0 : i32
      %add3A_147 = arith.addi %add3A_146, %mul3A_145 : i32
      %add3A_148 = arith.constant 0 : i32
      %add3A_149 = arith.addi %add3A_147, %add3A_148 : i32
      %add3A_150 = arith.constant 3 : i32
      %add3A_151 = arith.addi %add3A_149, %add3A_150 : i32
      %lt3A = arith.constant 160 : i32
      %lt3A_152 = arith.cmpi slt, %add3A_151, %lt3A : i32
      %convert_element_type3A = arith.extui %lt3A_152 : i1 to i32
      %cond3A = arith.constant 0 : i32
      %cond3A_153 = arith.cmpi ne, %convert_element_type3A, %cond3A : i32
      scf.if %cond3A_153 {
        %dma_start3A_316 = arith.constant 3 : i32
        %dma_start3A_317 = arith.constant 0 : i32
        %dma_start3A_318 = tpu.memref_slice %arg7[%add3A_151, %dma_start3A_317] : memref<160x128xi32, #tpu.memory_space<vmem>> -> memref<1x128xi32, #tpu.memory_space<vmem>>
        %dma_start3A_319 = tpu.memref_squeeze %dma_start3A_318 : memref<1x128xi32, #tpu.memory_space<vmem>> -> memref<128xi32, #tpu.memory_space<vmem>>
        %dma_start3A_320 = arith.constant 0 : i32
        %dma_start3A_321 = arith.constant 0 : i32
        %dma_start3A_322 = tpu.memref_slice %arg4[%arg0, %dma_start3A_320, %dma_start3A_321] : memref<2x10112x64xbf16, #tpu.memory_space<hbm>> -> memref<1x10112x64xbf16, #tpu.memory_space<hbm>>
        %dma_start3A_323 = tpu.memref_squeeze %dma_start3A_322 : memref<1x10112x64xbf16, #tpu.memory_space<hbm>> -> memref<10112x64xbf16, #tpu.memory_space<hbm>>
        %dma_start3A_324 = arith.constant 0 : i32
        %dma_start3A_325 = arith.constant 0 : i32
        %dma_start3A_326 = tpu.memref_slice %dma_start3A_323[%dma_start3A_324, %dma_start3A_325] : memref<10112x64xbf16, #tpu.memory_space<hbm>> -> memref<10112x64xbf16, #tpu.memory_space<hbm>>
        %dma_start3A_327 = tpu.memref_slice %arg17[%dma_start3A_316] : memref<4x!tpu.dma_semaphore, #tpu.memory_space<semaphore_mem>> -> memref<1x!tpu.dma_semaphore, #tpu.memory_space<semaphore_mem>>
        %dma_start3A_328 = tpu.memref_squeeze %dma_start3A_327 : memref<1x!tpu.dma_semaphore, #tpu.memory_space<semaphore_mem>> -> memref<!tpu.dma_semaphore, #tpu.memory_space<semaphore_mem>>
        tpu.enqueue_indirect_dma source(%dma_start3A_326 : memref<10112x64xbf16, #tpu.memory_space<hbm>>) target(%arg12 : memref<128x64xbf16, #tpu.memory_space<vmem>>) offsets(%dma_start3A_319 : memref<128xi32, #tpu.memory_space<vmem>>) semaphore(%dma_start3A_328 : memref<!tpu.dma_semaphore, #tpu.memory_space<semaphore_mem>>)
      } else {
      }
      %dma_wait3A_154 = arith.constant 0 : i32
      %dma_wait3A_155 = arith.constant 0 : i32
      %dma_wait3A_156 = arith.constant 0 : i32
      %dma_wait3A_157 = tpu.memref_slice %arg7[%dma_wait3A_154, %dma_wait3A_156] : memref<160x128xi32, #tpu.memory_space<vmem>> -> memref<1x128xi32, #tpu.memory_space<vmem>>
      %dma_wait3A_158 = tpu.memref_squeeze %dma_wait3A_157 : memref<1x128xi32, #tpu.memory_space<vmem>> -> memref<128xi32, #tpu.memory_space<vmem>>
      %dma_wait3A_159 = arith.constant 0 : i32
      %dma_wait3A_160 = arith.constant 0 : i32
      %dma_wait3A_161 = tpu.memref_slice %arg4[%arg0, %dma_wait3A_159, %dma_wait3A_160] : memref<2x10112x64xbf16, #tpu.memory_space<hbm>> -> memref<1x10112x64xbf16, #tpu.memory_space<hbm>>
      %dma_wait3A_162 = tpu.memref_squeeze %dma_wait3A_161 : memref<1x10112x64xbf16, #tpu.memory_space<hbm>> -> memref<10112x64xbf16, #tpu.memory_space<hbm>>
      %dma_wait3A_163 = arith.constant 0 : i32
      %dma_wait3A_164 = arith.constant 0 : i32
      %dma_wait3A_165 = tpu.memref_slice %dma_wait3A_162[%dma_wait3A_163, %dma_wait3A_164] : memref<10112x64xbf16, #tpu.memory_space<hbm>> -> memref<10112x64xbf16, #tpu.memory_space<hbm>>
      %dma_wait3A_166 = tpu.memref_slice %arg17[%dma_wait3A_155] : memref<4x!tpu.dma_semaphore, #tpu.memory_space<semaphore_mem>> -> memref<1x!tpu.dma_semaphore, #tpu.memory_space<semaphore_mem>>
      %dma_wait3A_167 = tpu.memref_squeeze %dma_wait3A_166 : memref<1x!tpu.dma_semaphore, #tpu.memory_space<semaphore_mem>> -> memref<!tpu.dma_semaphore, #tpu.memory_space<semaphore_mem>>
      tpu.wait_indirect_dma semaphore(%dma_wait3A_167 : memref<!tpu.dma_semaphore, #tpu.memory_space<semaphore_mem>>) src(%dma_wait3A_165 : memref<10112x64xbf16, #tpu.memory_space<hbm>>) dst(%arg9 : memref<128x64xbf16, #tpu.memory_space<vmem>>)
      %ge3A = arith.constant 4 : i32
      %ge3A_168 = arith.cmpi sge, %add3A_149, %ge3A : i32
      %convert_element_type3A_169 = arith.extui %ge3A_168 : i1 to i32
      %cond3A_170 = arith.constant 0 : i32
      %cond3A_171 = arith.cmpi ne, %convert_element_type3A_169, %cond3A_170 : i32
      scf.if %cond3A_171 {
        %dma_wait3A_316 = arith.constant 0 : i32
        %dma_wait3A_317 = arith.constant 0 : i32
        %dma_wait3A_318 = arith.constant 0 : i32
        %dma_wait3A_319 = tpu.memref_slice %arg8[%dma_wait3A_316, %dma_wait3A_318] : memref<160x128xi32, #tpu.memory_space<vmem>> -> memref<1x128xi32, #tpu.memory_space<vmem>>
        %dma_wait3A_320 = tpu.memref_squeeze %dma_wait3A_319 : memref<1x128xi32, #tpu.memory_space<vmem>> -> memref<128xi32, #tpu.memory_space<vmem>>
        %dma_wait3A_321 = arith.constant 0 : i32
        %dma_wait3A_322 = arith.constant 0 : i32
        %dma_wait3A_323 = tpu.memref_slice %arg19[%dma_wait3A_321, %dma_wait3A_322] : memref<10112x64xf32, #tpu.memory_space<vmem_shared>> -> memref<10112x64xf32, #tpu.memory_space<vmem_shared>>
        %dma_wait3A_324 = tpu.memref_slice %arg18[%dma_wait3A_317] : memref<4x!tpu.dma_semaphore, #tpu.memory_space<semaphore_mem>> -> memref<1x!tpu.dma_semaphore, #tpu.memory_space<semaphore_mem>>
        %dma_wait3A_325 = tpu.memref_squeeze %dma_wait3A_324 : memref<1x!tpu.dma_semaphore, #tpu.memory_space<semaphore_mem>> -> memref<!tpu.dma_semaphore, #tpu.memory_space<semaphore_mem>>
        tpu.wait_indirect_dma semaphore(%dma_wait3A_325 : memref<!tpu.dma_semaphore, #tpu.memory_space<semaphore_mem>>) src(%arg13 : memref<128x64xf32, #tpu.memory_space<vmem>>) dst(%dma_wait3A_323 : memref<10112x64xf32, #tpu.memory_space<vmem_shared>>)
      } else {
      }
      %scan3A_172 = arith.constant 0 : i32
      %scan3A_173 = arith.constant 0 : i32
      %scan3A_174 = arith.constant 128 : i32
      %scan3A_175 = arith.addi %scan3A_173, %scan3A_174 : i32
      %scan3A_176 = arith.constant 4 : i32
      scf.for %scan3A_316 = %scan3A_173 to %scan3A_175 step %scan3A_176  : i32 {
        %get3A = arith.index_cast %scan3A_316 : i32 to index
        %get3A_317 = arith.constant 0 : index
        %get3A_318 = tpu.vector_load %arg9[%get3A, %get3A_317] {strides = array<i32>} : memref<128x64xbf16, #tpu.memory_space<vmem>>, vector<32xbf16>,
        %unpack3A = tpu.unpack_subelements %get3A_318, 0 {pack_format = #tpu.pack_format<interleaved>} : vector<32xbf16> -> vector<16xf32>
        %unpack3A_319 = tpu.unpack_subelements %get3A_318, 1 {pack_format = #tpu.pack_format<interleaved>} : vector<32xbf16> -> vector<16xf32>
        %swap3A = arith.index_cast %scan3A_316 : i32 to index
        %swap3A_320 = arith.constant 0 : index
        %swap3A_321 = tpu.vector_load %arg13[%swap3A, %swap3A_320] {strides = array<i32>} : memref<128x64xf32, #tpu.memory_space<vmem>>, vector<16xf32>,
        tpu.vector_store %arg13[%swap3A, %swap3A_320], %unpack3A {strides = array<i32>} : memref<128x64xf32, #tpu.memory_space<vmem>>, vector<16xf32>,
        %swap3A_322 = arith.index_cast %scan3A_316 : i32 to index
        %swap3A_323 = arith.constant 16 : index
        %swap3A_324 = tpu.vector_load %arg13[%swap3A_322, %swap3A_323] {strides = array<i32>} : memref<128x64xf32, #tpu.memory_space<vmem>>, vector<16xf32>,
        tpu.vector_store %arg13[%swap3A_322, %swap3A_323], %unpack3A_319 {strides = array<i32>} : memref<128x64xf32, #tpu.memory_space<vmem>>, vector<16xf32>,
        %get3A_325 = arith.index_cast %scan3A_316 : i32 to index
        %get3A_326 = arith.constant 32 : index
        %get3A_327 = tpu.vector_load %arg9[%get3A_325, %get3A_326] {strides = array<i32>} : memref<128x64xbf16, #tpu.memory_space<vmem>>, vector<32xbf16>,
        %unpack3A_328 = tpu.unpack_subelements %get3A_327, 0 {pack_format = #tpu.pack_format<interleaved>} : vector<32xbf16> -> vector<16xf32>
        %unpack3A_329 = tpu.unpack_subelements %get3A_327, 1 {pack_format = #tpu.pack_format<interleaved>} : vector<32xbf16> -> vector<16xf32>
        %swap3A_330 = arith.index_cast %scan3A_316 : i32 to index
        %swap3A_331 = arith.constant 32 : index
        %swap3A_332 = tpu.vector_load %arg13[%swap3A_330, %swap3A_331] {strides = array<i32>} : memref<128x64xf32, #tpu.memory_space<vmem>>, vector<16xf32>,
        tpu.vector_store %arg13[%swap3A_330, %swap3A_331], %unpack3A_328 {strides = array<i32>} : memref<128x64xf32, #tpu.memory_space<vmem>>, vector<16xf32>,
        %swap3A_333 = arith.index_cast %scan3A_316 : i32 to index
        %swap3A_334 = arith.constant 48 : index
        %swap3A_335 = tpu.vector_load %arg13[%swap3A_333, %swap3A_334] {strides = array<i32>} : memref<128x64xf32, #tpu.memory_space<vmem>>, vector<16xf32>,
        tpu.vector_store %arg13[%swap3A_333, %swap3A_334], %unpack3A_329 {strides = array<i32>} : memref<128x64xf32, #tpu.memory_space<vmem>>, vector<16xf32>,
        %scan3A_336 = arith.constant 1 : i32
        %scan3A_337 = arith.addi %scan3A_316, %scan3A_336 : i32
        %get3A_338 = arith.index_cast %scan3A_337 : i32 to index
        %get3A_339 = arith.constant 0 : index
        %get3A_340 = tpu.vector_load %arg9[%get3A_338, %get3A_339] {strides = array<i32>} : memref<128x64xbf16, #tpu.memory_space<vmem>>, vector<32xbf16>,
        %unpack3A_341 = tpu.unpack_subelements %get3A_340, 0 {pack_format = #tpu.pack_format<interleaved>} : vector<32xbf16> -> vector<16xf32>
        %unpack3A_342 = tpu.unpack_subelements %get3A_340, 1 {pack_format = #tpu.pack_format<interleaved>} : vector<32xbf16> -> vector<16xf32>
        %swap3A_343 = arith.index_cast %scan3A_337 : i32 to index
        %swap3A_344 = arith.constant 0 : index
        %swap3A_345 = tpu.vector_load %arg13[%swap3A_343, %swap3A_344] {strides = array<i32>} : memref<128x64xf32, #tpu.memory_space<vmem>>, vector<16xf32>,
        tpu.vector_store %arg13[%swap3A_343, %swap3A_344], %unpack3A_341 {strides = array<i32>} : memref<128x64xf32, #tpu.memory_space<vmem>>, vector<16xf32>,
        %swap3A_346 = arith.index_cast %scan3A_337 : i32 to index
        %swap3A_347 = arith.constant 16 : index
        %swap3A_348 = tpu.vector_load %arg13[%swap3A_346, %swap3A_347] {strides = array<i32>} : memref<128x64xf32, #tpu.memory_space<vmem>>, vector<16xf32>,
        tpu.vector_store %arg13[%swap3A_346, %swap3A_347], %unpack3A_342 {strides = array<i32>} : memref<128x64xf32, #tpu.memory_space<vmem>>, vector<16xf32>,
        %get3A_349 = arith.index_cast %scan3A_337 : i32 to index
        %get3A_350 = arith.constant 32 : index
        %get3A_351 = tpu.vector_load %arg9[%get3A_349, %get3A_350] {strides = array<i32>} : memref<128x64xbf16, #tpu.memory_space<vmem>>, vector<32xbf16>,
        %unpack3A_352 = tpu.unpack_subelements %get3A_351, 0 {pack_format = #tpu.pack_format<interleaved>} : vector<32xbf16> -> vector<16xf32>
        %unpack3A_353 = tpu.unpack_subelements %get3A_351, 1 {pack_format = #tpu.pack_format<interleaved>} : vector<32xbf16> -> vector<16xf32>
        %swap3A_354 = arith.index_cast %scan3A_337 : i32 to index
        %swap3A_355 = arith.constant 32 : index
        %swap3A_356 = tpu.vector_load %arg13[%swap3A_354, %swap3A_355] {strides = array<i32>} : memref<128x64xf32, #tpu.memory_space<vmem>>, vector<16xf32>,
        tpu.vector_store %arg13[%swap3A_354, %swap3A_355], %unpack3A_352 {strides = array<i32>} : memref<128x64xf32, #tpu.memory_space<vmem>>, vector<16xf32>,
        %swap3A_357 = arith.index_cast %scan3A_337 : i32 to index
        %swap3A_358 = arith.constant 48 : index
        %swap3A_359 = tpu.vector_load %arg13[%swap3A_357, %swap3A_358] {strides = array<i32>} : memref<128x64xf32, #tpu.memory_space<vmem>>, vector<16xf32>,
        tpu.vector_store %arg13[%swap3A_357, %swap3A_358], %unpack3A_353 {strides = array<i32>} : memref<128x64xf32, #tpu.memory_space<vmem>>, vector<16xf32>,
        %scan3A_360 = arith.constant 2 : i32
        %scan3A_361 = arith.addi %scan3A_316, %scan3A_360 : i32
        %get3A_362 = arith.index_cast %scan3A_361 : i32 to index
        %get3A_363 = arith.constant 0 : index
        %get3A_364 = tpu.vector_load %arg9[%get3A_362, %get3A_363] {strides = array<i32>} : memref<128x64xbf16, #tpu.memory_space<vmem>>, vector<32xbf16>,
        %unpack3A_365 = tpu.unpack_subelements %get3A_364, 0 {pack_format = #tpu.pack_format<interleaved>} : vector<32xbf16> -> vector<16xf32>
        %unpack3A_366 = tpu.unpack_subelements %get3A_364, 1 {pack_format = #tpu.pack_format<interleaved>} : vector<32xbf16> -> vector<16xf32>
        %swap3A_367 = arith.index_cast %scan3A_361 : i32 to index
        %swap3A_368 = arith.constant 0 : index
        %swap3A_369 = tpu.vector_load %arg13[%swap3A_367, %swap3A_368] {strides = array<i32>} : memref<128x64xf32, #tpu.memory_space<vmem>>, vector<16xf32>,
        tpu.vector_store %arg13[%swap3A_367, %swap3A_368], %unpack3A_365 {strides = array<i32>} : memref<128x64xf32, #tpu.memory_space<vmem>>, vector<16xf32>,
        %swap3A_370 = arith.index_cast %scan3A_361 : i32 to index
        %swap3A_371 = arith.constant 16 : index
        %swap3A_372 = tpu.vector_load %arg13[%swap3A_370, %swap3A_371] {strides = array<i32>} : memref<128x64xf32, #tpu.memory_space<vmem>>, vector<16xf32>,
        tpu.vector_store %arg13[%swap3A_370, %swap3A_371], %unpack3A_366 {strides = array<i32>} : memref<128x64xf32, #tpu.memory_space<vmem>>, vector<16xf32>,
        %get3A_373 = arith.index_cast %scan3A_361 : i32 to index
        %get3A_374 = arith.constant 32 : index
        %get3A_375 = tpu.vector_load %arg9[%get3A_373, %get3A_374] {strides = array<i32>} : memref<128x64xbf16, #tpu.memory_space<vmem>>, vector<32xbf16>,
        %unpack3A_376 = tpu.unpack_subelements %get3A_375, 0 {pack_format = #tpu.pack_format<interleaved>} : vector<32xbf16> -> vector<16xf32>
        %unpack3A_377 = tpu.unpack_subelements %get3A_375, 1 {pack_format = #tpu.pack_format<interleaved>} : vector<32xbf16> -> vector<16xf32>
        %swap3A_378 = arith.index_cast %scan3A_361 : i32 to index
        %swap3A_379 = arith.constant 32 : index
        %swap3A_380 = tpu.vector_load %arg13[%swap3A_378, %swap3A_379] {strides = array<i32>} : memref<128x64xf32, #tpu.memory_space<vmem>>, vector<16xf32>,
        tpu.vector_store %arg13[%swap3A_378, %swap3A_379], %unpack3A_376 {strides = array<i32>} : memref<128x64xf32, #tpu.memory_space<vmem>>, vector<16xf32>,
        %swap3A_381 = arith.index_cast %scan3A_361 : i32 to index
        %swap3A_382 = arith.constant 48 : index
        %swap3A_383 = tpu.vector_load %arg13[%swap3A_381, %swap3A_382] {strides = array<i32>} : memref<128x64xf32, #tpu.memory_space<vmem>>, vector<16xf32>,
        tpu.vector_store %arg13[%swap3A_381, %swap3A_382], %unpack3A_377 {strides = array<i32>} : memref<128x64xf32, #tpu.memory_space<vmem>>, vector<16xf32>,
        %scan3A_384 = arith.constant 3 : i32
        %scan3A_385 = arith.addi %scan3A_316, %scan3A_384 : i32
        %get3A_386 = arith.index_cast %scan3A_385 : i32 to index
        %get3A_387 = arith.constant 0 : index
        %get3A_388 = tpu.vector_load %arg9[%get3A_386, %get3A_387] {strides = array<i32>} : memref<128x64xbf16, #tpu.memory_space<vmem>>, vector<32xbf16>,
        %unpack3A_389 = tpu.unpack_subelements %get3A_388, 0 {pack_format = #tpu.pack_format<interleaved>} : vector<32xbf16> -> vector<16xf32>
        %unpack3A_390 = tpu.unpack_subelements %get3A_388, 1 {pack_format = #tpu.pack_format<interleaved>} : vector<32xbf16> -> vector<16xf32>
        %swap3A_391 = arith.index_cast %scan3A_385 : i32 to index
        %swap3A_392 = arith.constant 0 : index
        %swap3A_393 = tpu.vector_load %arg13[%swap3A_391, %swap3A_392] {strides = array<i32>} : memref<128x64xf32, #tpu.memory_space<vmem>>, vector<16xf32>,
        tpu.vector_store %arg13[%swap3A_391, %swap3A_392], %unpack3A_389 {strides = array<i32>} : memref<128x64xf32, #tpu.memory_space<vmem>>, vector<16xf32>,
        %swap3A_394 = arith.index_cast %scan3A_385 : i32 to index
        %swap3A_395 = arith.constant 16 : index
        %swap3A_396 = tpu.vector_load %arg13[%swap3A_394, %swap3A_395] {strides = array<i32>} : memref<128x64xf32, #tpu.memory_space<vmem>>, vector<16xf32>,
        tpu.vector_store %arg13[%swap3A_394, %swap3A_395], %unpack3A_390 {strides = array<i32>} : memref<128x64xf32, #tpu.memory_space<vmem>>, vector<16xf32>,
        %get3A_397 = arith.index_cast %scan3A_385 : i32 to index
        %get3A_398 = arith.constant 32 : index
        %get3A_399 = tpu.vector_load %arg9[%get3A_397, %get3A_398] {strides = array<i32>} : memref<128x64xbf16, #tpu.memory_space<vmem>>, vector<32xbf16>,
        %unpack3A_400 = tpu.unpack_subelements %get3A_399, 0 {pack_format = #tpu.pack_format<interleaved>} : vector<32xbf16> -> vector<16xf32>
        %unpack3A_401 = tpu.unpack_subelements %get3A_399, 1 {pack_format = #tpu.pack_format<interleaved>} : vector<32xbf16> -> vector<16xf32>
        %swap3A_402 = arith.index_cast %scan3A_385 : i32 to index
        %swap3A_403 = arith.constant 32 : index
        %swap3A_404 = tpu.vector_load %arg13[%swap3A_402, %swap3A_403] {strides = array<i32>} : memref<128x64xf32, #tpu.memory_space<vmem>>, vector<16xf32>,
        tpu.vector_store %arg13[%swap3A_402, %swap3A_403], %unpack3A_400 {strides = array<i32>} : memref<128x64xf32, #tpu.memory_space<vmem>>, vector<16xf32>,
        %swap3A_405 = arith.index_cast %scan3A_385 : i32 to index
        %swap3A_406 = arith.constant 48 : index
        %swap3A_407 = tpu.vector_load %arg13[%swap3A_405, %swap3A_406] {strides = array<i32>} : memref<128x64xf32, #tpu.memory_space<vmem>>, vector<16xf32>,
        tpu.vector_store %arg13[%swap3A_405, %swap3A_406], %unpack3A_401 {strides = array<i32>} : memref<128x64xf32, #tpu.memory_space<vmem>>, vector<16xf32>,
      }
      %scan3A_177 = arith.constant 128 : i32
      %dma_start3A_178 = arith.constant 0 : i32
      %dma_start3A_179 = arith.constant 0 : i32
      %dma_start3A_180 = tpu.memref_slice %arg8[%add3A_149, %dma_start3A_179] : memref<160x128xi32, #tpu.memory_space<vmem>> -> memref<1x128xi32, #tpu.memory_space<vmem>>
      %dma_start3A_181 = tpu.memref_squeeze %dma_start3A_180 : memref<1x128xi32, #tpu.memory_space<vmem>> -> memref<128xi32, #tpu.memory_space<vmem>>
      %dma_start3A_182 = arith.constant 0 : i32
      %dma_start3A_183 = arith.constant 0 : i32
      %dma_start3A_184 = tpu.memref_slice %arg19[%dma_start3A_182, %dma_start3A_183] : memref<10112x64xf32, #tpu.memory_space<vmem_shared>> -> memref<10112x64xf32, #tpu.memory_space<vmem_shared>>
      %dma_start3A_185 = tpu.memref_slice %arg18[%dma_start3A_178] : memref<4x!tpu.dma_semaphore, #tpu.memory_space<semaphore_mem>> -> memref<1x!tpu.dma_semaphore, #tpu.memory_space<semaphore_mem>>
      %dma_start3A_186 = tpu.memref_squeeze %dma_start3A_185 : memref<1x!tpu.dma_semaphore, #tpu.memory_space<semaphore_mem>> -> memref<!tpu.dma_semaphore, #tpu.memory_space<semaphore_mem>>
      tpu.enqueue_indirect_dma source(%arg13 : memref<128x64xf32, #tpu.memory_space<vmem>>) target(%dma_start3A_184 : memref<10112x64xf32, #tpu.memory_space<vmem_shared>>) offsets(%dma_start3A_181 : memref<128xi32, #tpu.memory_space<vmem>>) semaphore(%dma_start3A_186 : memref<!tpu.dma_semaphore, #tpu.memory_space<semaphore_mem>>) {add = true}
      %add3A_187 = arith.constant 1 : i32
      %add3A_188 = arith.addi %add3A_147, %add3A_187 : i32
      %add3A_189 = arith.constant 3 : i32
      %add3A_190 = arith.addi %add3A_188, %add3A_189 : i32
      %lt3A_191 = arith.constant 160 : i32
      %lt3A_192 = arith.cmpi slt, %add3A_190, %lt3A_191 : i32
      %convert_element_type3A_193 = arith.extui %lt3A_192 : i1 to i32
      %cond3A_194 = arith.constant 0 : i32
      %cond3A_195 = arith.cmpi ne, %convert_element_type3A_193, %cond3A_194 : i32
      scf.if %cond3A_195 {
        %dma_start3A_316 = arith.constant 0 : i32
        %dma_start3A_317 = arith.constant 0 : i32
        %dma_start3A_318 = tpu.memref_slice %arg7[%add3A_190, %dma_start3A_317] : memref<160x128xi32, #tpu.memory_space<vmem>> -> memref<1x128xi32, #tpu.memory_space<vmem>>
        %dma_start3A_319 = tpu.memref_squeeze %dma_start3A_318 : memref<1x128xi32, #tpu.memory_space<vmem>> -> memref<128xi32, #tpu.memory_space<vmem>>
        %dma_start3A_320 = arith.constant 0 : i32
        %dma_start3A_321 = arith.constant 0 : i32
        %dma_start3A_322 = tpu.memref_slice %arg4[%arg0, %dma_start3A_320, %dma_start3A_321] : memref<2x10112x64xbf16, #tpu.memory_space<hbm>> -> memref<1x10112x64xbf16, #tpu.memory_space<hbm>>
        %dma_start3A_323 = tpu.memref_squeeze %dma_start3A_322 : memref<1x10112x64xbf16, #tpu.memory_space<hbm>> -> memref<10112x64xbf16, #tpu.memory_space<hbm>>
        %dma_start3A_324 = arith.constant 0 : i32
        %dma_start3A_325 = arith.constant 0 : i32
        %dma_start3A_326 = tpu.memref_slice %dma_start3A_323[%dma_start3A_324, %dma_start3A_325] : memref<10112x64xbf16, #tpu.memory_space<hbm>> -> memref<10112x64xbf16, #tpu.memory_space<hbm>>
        %dma_start3A_327 = tpu.memref_slice %arg17[%dma_start3A_316] : memref<4x!tpu.dma_semaphore, #tpu.memory_space<semaphore_mem>> -> memref<1x!tpu.dma_semaphore, #tpu.memory_space<semaphore_mem>>
        %dma_start3A_328 = tpu.memref_squeeze %dma_start3A_327 : memref<1x!tpu.dma_semaphore, #tpu.memory_space<semaphore_mem>> -> memref<!tpu.dma_semaphore, #tpu.memory_space<semaphore_mem>>
        tpu.enqueue_indirect_dma source(%dma_start3A_326 : memref<10112x64xbf16, #tpu.memory_space<hbm>>) target(%arg9 : memref<128x64xbf16, #tpu.memory_space<vmem>>) offsets(%dma_start3A_319 : memref<128xi32, #tpu.memory_space<vmem>>) semaphore(%dma_start3A_328 : memref<!tpu.dma_semaphore, #tpu.memory_space<semaphore_mem>>)
      } else {
      }
      %dma_wait3A_196 = arith.constant 0 : i32
      %dma_wait3A_197 = arith.constant 1 : i32
      %dma_wait3A_198 = arith.constant 0 : i32
      %dma_wait3A_199 = tpu.memref_slice %arg7[%dma_wait3A_196, %dma_wait3A_198] : memref<160x128xi32, #tpu.memory_space<vmem>> -> memref<1x128xi32, #tpu.memory_space<vmem>>
      %dma_wait3A_200 = tpu.memref_squeeze %dma_wait3A_199 : memref<1x128xi32, #tpu.memory_space<vmem>> -> memref<128xi32, #tpu.memory_space<vmem>>
      %dma_wait3A_201 = arith.constant 0 : i32
      %dma_wait3A_202 = arith.constant 0 : i32
      %dma_wait3A_203 = tpu.memref_slice %arg4[%arg0, %dma_wait3A_201, %dma_wait3A_202] : memref<2x10112x64xbf16, #tpu.memory_space<hbm>> -> memref<1x10112x64xbf16, #tpu.memory_space<hbm>>
      %dma_wait3A_204 = tpu.memref_squeeze %dma_wait3A_203 : memref<1x10112x64xbf16, #tpu.memory_space<hbm>> -> memref<10112x64xbf16, #tpu.memory_space<hbm>>
      %dma_wait3A_205 = arith.constant 0 : i32
      %dma_wait3A_206 = arith.constant 0 : i32
      %dma_wait3A_207 = tpu.memref_slice %dma_wait3A_204[%dma_wait3A_205, %dma_wait3A_206] : memref<10112x64xbf16, #tpu.memory_space<hbm>> -> memref<10112x64xbf16, #tpu.memory_space<hbm>>
      %dma_wait3A_208 = tpu.memref_slice %arg17[%dma_wait3A_197] : memref<4x!tpu.dma_semaphore, #tpu.memory_space<semaphore_mem>> -> memref<1x!tpu.dma_semaphore, #tpu.memory_space<semaphore_mem>>
      %dma_wait3A_209 = tpu.memref_squeeze %dma_wait3A_208 : memref<1x!tpu.dma_semaphore, #tpu.memory_space<semaphore_mem>> -> memref<!tpu.dma_semaphore, #tpu.memory_space<semaphore_mem>>
      tpu.wait_indirect_dma semaphore(%dma_wait3A_209 : memref<!tpu.dma_semaphore, #tpu.memory_space<semaphore_mem>>) src(%dma_wait3A_207 : memref<10112x64xbf16, #tpu.memory_space<hbm>>) dst(%arg10 : memref<128x64xbf16, #tpu.memory_space<vmem>>)
      %ge3A_210 = arith.constant 4 : i32
      %ge3A_211 = arith.cmpi sge, %add3A_188, %ge3A_210 : i32
      %convert_element_type3A_212 = arith.extui %ge3A_211 : i1 to i32
      %cond3A_213 = arith.constant 0 : i32
      %cond3A_214 = arith.cmpi ne, %convert_element_type3A_212, %cond3A_213 : i32
      scf.if %cond3A_214 {
        %dma_wait3A_316 = arith.constant 0 : i32
        %dma_wait3A_317 = arith.constant 1 : i32
        %dma_wait3A_318 = arith.constant 0 : i32
        %dma_wait3A_319 = tpu.memref_slice %arg8[%dma_wait3A_316, %dma_wait3A_318] : memref<160x128xi32, #tpu.memory_space<vmem>> -> memref<1x128xi32, #tpu.memory_space<vmem>>
        %dma_wait3A_320 = tpu.memref_squeeze %dma_wait3A_319 : memref<1x128xi32, #tpu.memory_space<vmem>> -> memref<128xi32, #tpu.memory_space<vmem>>
        %dma_wait3A_321 = arith.constant 0 : i32
        %dma_wait3A_322 = arith.constant 0 : i32
        %dma_wait3A_323 = tpu.memref_slice %arg19[%dma_wait3A_321, %dma_wait3A_322] : memref<10112x64xf32, #tpu.memory_space<vmem_shared>> -> memref<10112x64xf32, #tpu.memory_space<vmem_shared>>
        %dma_wait3A_324 = tpu.memref_slice %arg18[%dma_wait3A_317] : memref<4x!tpu.dma_semaphore, #tpu.memory_space<semaphore_mem>> -> memref<1x!tpu.dma_semaphore, #tpu.memory_space<semaphore_mem>>
        %dma_wait3A_325 = tpu.memref_squeeze %dma_wait3A_324 : memref<1x!tpu.dma_semaphore, #tpu.memory_space<semaphore_mem>> -> memref<!tpu.dma_semaphore, #tpu.memory_space<semaphore_mem>>
        tpu.wait_indirect_dma semaphore(%dma_wait3A_325 : memref<!tpu.dma_semaphore, #tpu.memory_space<semaphore_mem>>) src(%arg14 : memref<128x64xf32, #tpu.memory_space<vmem>>) dst(%dma_wait3A_323 : memref<10112x64xf32, #tpu.memory_space<vmem_shared>>)
      } else {
      }
      %scan3A_215 = arith.constant 0 : i32
      %scan3A_216 = arith.constant 0 : i32
      %scan3A_217 = arith.constant 128 : i32
      %scan3A_218 = arith.addi %scan3A_216, %scan3A_217 : i32
      %scan3A_219 = arith.constant 4 : i32
      scf.for %scan3A_316 = %scan3A_216 to %scan3A_218 step %scan3A_219  : i32 {
        %get3A = arith.index_cast %scan3A_316 : i32 to index
        %get3A_317 = arith.constant 0 : index
        %get3A_318 = tpu.vector_load %arg10[%get3A, %get3A_317] {strides = array<i32>} : memref<128x64xbf16, #tpu.memory_space<vmem>>, vector<32xbf16>,
        %unpack3A = tpu.unpack_subelements %get3A_318, 0 {pack_format = #tpu.pack_format<interleaved>} : vector<32xbf16> -> vector<16xf32>
        %unpack3A_319 = tpu.unpack_subelements %get3A_318, 1 {pack_format = #tpu.pack_format<interleaved>} : vector<32xbf16> -> vector<16xf32>
        %swap3A = arith.index_cast %scan3A_316 : i32 to index
        %swap3A_320 = arith.constant 0 : index
        %swap3A_321 = tpu.vector_load %arg14[%swap3A, %swap3A_320] {strides = array<i32>} : memref<128x64xf32, #tpu.memory_space<vmem>>, vector<16xf32>,
        tpu.vector_store %arg14[%swap3A, %swap3A_320], %unpack3A {strides = array<i32>} : memref<128x64xf32, #tpu.memory_space<vmem>>, vector<16xf32>,
        %swap3A_322 = arith.index_cast %scan3A_316 : i32 to index
        %swap3A_323 = arith.constant 16 : index
        %swap3A_324 = tpu.vector_load %arg14[%swap3A_322, %swap3A_323] {strides = array<i32>} : memref<128x64xf32, #tpu.memory_space<vmem>>, vector<16xf32>,
        tpu.vector_store %arg14[%swap3A_322, %swap3A_323], %unpack3A_319 {strides = array<i32>} : memref<128x64xf32, #tpu.memory_space<vmem>>, vector<16xf32>,
        %get3A_325 = arith.index_cast %scan3A_316 : i32 to index
        %get3A_326 = arith.constant 32 : index
        %get3A_327 = tpu.vector_load %arg10[%get3A_325, %get3A_326] {strides = array<i32>} : memref<128x64xbf16, #tpu.memory_space<vmem>>, vector<32xbf16>,
        %unpack3A_328 = tpu.unpack_subelements %get3A_327, 0 {pack_format = #tpu.pack_format<interleaved>} : vector<32xbf16> -> vector<16xf32>
        %unpack3A_329 = tpu.unpack_subelements %get3A_327, 1 {pack_format = #tpu.pack_format<interleaved>} : vector<32xbf16> -> vector<16xf32>
        %swap3A_330 = arith.index_cast %scan3A_316 : i32 to index
        %swap3A_331 = arith.constant 32 : index
        %swap3A_332 = tpu.vector_load %arg14[%swap3A_330, %swap3A_331] {strides = array<i32>} : memref<128x64xf32, #tpu.memory_space<vmem>>, vector<16xf32>,
        tpu.vector_store %arg14[%swap3A_330, %swap3A_331], %unpack3A_328 {strides = array<i32>} : memref<128x64xf32, #tpu.memory_space<vmem>>, vector<16xf32>,
        %swap3A_333 = arith.index_cast %scan3A_316 : i32 to index
        %swap3A_334 = arith.constant 48 : index
        %swap3A_335 = tpu.vector_load %arg14[%swap3A_333, %swap3A_334] {strides = array<i32>} : memref<128x64xf32, #tpu.memory_space<vmem>>, vector<16xf32>,
        tpu.vector_store %arg14[%swap3A_333, %swap3A_334], %unpack3A_329 {strides = array<i32>} : memref<128x64xf32, #tpu.memory_space<vmem>>, vector<16xf32>,
        %scan3A_336 = arith.constant 1 : i32
        %scan3A_337 = arith.addi %scan3A_316, %scan3A_336 : i32
        %get3A_338 = arith.index_cast %scan3A_337 : i32 to index
        %get3A_339 = arith.constant 0 : index
        %get3A_340 = tpu.vector_load %arg10[%get3A_338, %get3A_339] {strides = array<i32>} : memref<128x64xbf16, #tpu.memory_space<vmem>>, vector<32xbf16>,
        %unpack3A_341 = tpu.unpack_subelements %get3A_340, 0 {pack_format = #tpu.pack_format<interleaved>} : vector<32xbf16> -> vector<16xf32>
        %unpack3A_342 = tpu.unpack_subelements %get3A_340, 1 {pack_format = #tpu.pack_format<interleaved>} : vector<32xbf16> -> vector<16xf32>
        %swap3A_343 = arith.index_cast %scan3A_337 : i32 to index
        %swap3A_344 = arith.constant 0 : index
        %swap3A_345 = tpu.vector_load %arg14[%swap3A_343, %swap3A_344] {strides = array<i32>} : memref<128x64xf32, #tpu.memory_space<vmem>>, vector<16xf32>,
        tpu.vector_store %arg14[%swap3A_343, %swap3A_344], %unpack3A_341 {strides = array<i32>} : memref<128x64xf32, #tpu.memory_space<vmem>>, vector<16xf32>,
        %swap3A_346 = arith.index_cast %scan3A_337 : i32 to index
        %swap3A_347 = arith.constant 16 : index
        %swap3A_348 = tpu.vector_load %arg14[%swap3A_346, %swap3A_347] {strides = array<i32>} : memref<128x64xf32, #tpu.memory_space<vmem>>, vector<16xf32>,
        tpu.vector_store %arg14[%swap3A_346, %swap3A_347], %unpack3A_342 {strides = array<i32>} : memref<128x64xf32, #tpu.memory_space<vmem>>, vector<16xf32>,
        %get3A_349 = arith.index_cast %scan3A_337 : i32 to index
        %get3A_350 = arith.constant 32 : index
        %get3A_351 = tpu.vector_load %arg10[%get3A_349, %get3A_350] {strides = array<i32>} : memref<128x64xbf16, #tpu.memory_space<vmem>>, vector<32xbf16>,
        %unpack3A_352 = tpu.unpack_subelements %get3A_351, 0 {pack_format = #tpu.pack_format<interleaved>} : vector<32xbf16> -> vector<16xf32>
        %unpack3A_353 = tpu.unpack_subelements %get3A_351, 1 {pack_format = #tpu.pack_format<interleaved>} : vector<32xbf16> -> vector<16xf32>
        %swap3A_354 = arith.index_cast %scan3A_337 : i32 to index
        %swap3A_355 = arith.constant 32 : index
        %swap3A_356 = tpu.vector_load %arg14[%swap3A_354, %swap3A_355] {strides = array<i32>} : memref<128x64xf32, #tpu.memory_space<vmem>>, vector<16xf32>,
        tpu.vector_store %arg14[%swap3A_354, %swap3A_355], %unpack3A_352 {strides = array<i32>} : memref<128x64xf32, #tpu.memory_space<vmem>>, vector<16xf32>,
        %swap3A_357 = arith.index_cast %scan3A_337 : i32 to index
        %swap3A_358 = arith.constant 48 : index
        %swap3A_359 = tpu.vector_load %arg14[%swap3A_357, %swap3A_358] {strides = array<i32>} : memref<128x64xf32, #tpu.memory_space<vmem>>, vector<16xf32>,
        tpu.vector_store %arg14[%swap3A_357, %swap3A_358], %unpack3A_353 {strides = array<i32>} : memref<128x64xf32, #tpu.memory_space<vmem>>, vector<16xf32>,
        %scan3A_360 = arith.constant 2 : i32
        %scan3A_361 = arith.addi %scan3A_316, %scan3A_360 : i32
        %get3A_362 = arith.index_cast %scan3A_361 : i32 to index
        %get3A_363 = arith.constant 0 : index
        %get3A_364 = tpu.vector_load %arg10[%get3A_362, %get3A_363] {strides = array<i32>} : memref<128x64xbf16, #tpu.memory_space<vmem>>, vector<32xbf16>,
        %unpack3A_365 = tpu.unpack_subelements %get3A_364, 0 {pack_format = #tpu.pack_format<interleaved>} : vector<32xbf16> -> vector<16xf32>
        %unpack3A_366 = tpu.unpack_subelements %get3A_364, 1 {pack_format = #tpu.pack_format<interleaved>} : vector<32xbf16> -> vector<16xf32>
        %swap3A_367 = arith.index_cast %scan3A_361 : i32 to index
        %swap3A_368 = arith.constant 0 : index
        %swap3A_369 = tpu.vector_load %arg14[%swap3A_367, %swap3A_368] {strides = array<i32>} : memref<128x64xf32, #tpu.memory_space<vmem>>, vector<16xf32>,
        tpu.vector_store %arg14[%swap3A_367, %swap3A_368], %unpack3A_365 {strides = array<i32>} : memref<128x64xf32, #tpu.memory_space<vmem>>, vector<16xf32>,
        %swap3A_370 = arith.index_cast %scan3A_361 : i32 to index
        %swap3A_371 = arith.constant 16 : index
        %swap3A_372 = tpu.vector_load %arg14[%swap3A_370, %swap3A_371] {strides = array<i32>} : memref<128x64xf32, #tpu.memory_space<vmem>>, vector<16xf32>,
        tpu.vector_store %arg14[%swap3A_370, %swap3A_371], %unpack3A_366 {strides = array<i32>} : memref<128x64xf32, #tpu.memory_space<vmem>>, vector<16xf32>,
        %get3A_373 = arith.index_cast %scan3A_361 : i32 to index
        %get3A_374 = arith.constant 32 : index
        %get3A_375 = tpu.vector_load %arg10[%get3A_373, %get3A_374] {strides = array<i32>} : memref<128x64xbf16, #tpu.memory_space<vmem>>, vector<32xbf16>,
        %unpack3A_376 = tpu.unpack_subelements %get3A_375, 0 {pack_format = #tpu.pack_format<interleaved>} : vector<32xbf16> -> vector<16xf32>
        %unpack3A_377 = tpu.unpack_subelements %get3A_375, 1 {pack_format = #tpu.pack_format<interleaved>} : vector<32xbf16> -> vector<16xf32>
        %swap3A_378 = arith.index_cast %scan3A_361 : i32 to index
        %swap3A_379 = arith.constant 32 : index
        %swap3A_380 = tpu.vector_load %arg14[%swap3A_378, %swap3A_379] {strides = array<i32>} : memref<128x64xf32, #tpu.memory_space<vmem>>, vector<16xf32>,
        tpu.vector_store %arg14[%swap3A_378, %swap3A_379], %unpack3A_376 {strides = array<i32>} : memref<128x64xf32, #tpu.memory_space<vmem>>, vector<16xf32>,
        %swap3A_381 = arith.index_cast %scan3A_361 : i32 to index
        %swap3A_382 = arith.constant 48 : index
        %swap3A_383 = tpu.vector_load %arg14[%swap3A_381, %swap3A_382] {strides = array<i32>} : memref<128x64xf32, #tpu.memory_space<vmem>>, vector<16xf32>,
        tpu.vector_store %arg14[%swap3A_381, %swap3A_382], %unpack3A_377 {strides = array<i32>} : memref<128x64xf32, #tpu.memory_space<vmem>>, vector<16xf32>,
        %scan3A_384 = arith.constant 3 : i32
        %scan3A_385 = arith.addi %scan3A_316, %scan3A_384 : i32
        %get3A_386 = arith.index_cast %scan3A_385 : i32 to index
        %get3A_387 = arith.constant 0 : index
        %get3A_388 = tpu.vector_load %arg10[%get3A_386, %get3A_387] {strides = array<i32>} : memref<128x64xbf16, #tpu.memory_space<vmem>>, vector<32xbf16>,
        %unpack3A_389 = tpu.unpack_subelements %get3A_388, 0 {pack_format = #tpu.pack_format<interleaved>} : vector<32xbf16> -> vector<16xf32>
        %unpack3A_390 = tpu.unpack_subelements %get3A_388, 1 {pack_format = #tpu.pack_format<interleaved>} : vector<32xbf16> -> vector<16xf32>
        %swap3A_391 = arith.index_cast %scan3A_385 : i32 to index
        %swap3A_392 = arith.constant 0 : index
        %swap3A_393 = tpu.vector_load %arg14[%swap3A_391, %swap3A_392] {strides = array<i32>} : memref<128x64xf32, #tpu.memory_space<vmem>>, vector<16xf32>,
        tpu.vector_store %arg14[%swap3A_391, %swap3A_392], %unpack3A_389 {strides = array<i32>} : memref<128x64xf32, #tpu.memory_space<vmem>>, vector<16xf32>,
        %swap3A_394 = arith.index_cast %scan3A_385 : i32 to index
        %swap3A_395 = arith.constant 16 : index
        %swap3A_396 = tpu.vector_load %arg14[%swap3A_394, %swap3A_395] {strides = array<i32>} : memref<128x64xf32, #tpu.memory_space<vmem>>, vector<16xf32>,
        tpu.vector_store %arg14[%swap3A_394, %swap3A_395], %unpack3A_390 {strides = array<i32>} : memref<128x64xf32, #tpu.memory_space<vmem>>, vector<16xf32>,
        %get3A_397 = arith.index_cast %scan3A_385 : i32 to index
        %get3A_398 = arith.constant 32 : index
        %get3A_399 = tpu.vector_load %arg10[%get3A_397, %get3A_398] {strides = array<i32>} : memref<128x64xbf16, #tpu.memory_space<vmem>>, vector<32xbf16>,
        %unpack3A_400 = tpu.unpack_subelements %get3A_399, 0 {pack_format = #tpu.pack_format<interleaved>} : vector<32xbf16> -> vector<16xf32>
        %unpack3A_401 = tpu.unpack_subelements %get3A_399, 1 {pack_format = #tpu.pack_format<interleaved>} : vector<32xbf16> -> vector<16xf32>
        %swap3A_402 = arith.index_cast %scan3A_385 : i32 to index
        %swap3A_403 = arith.constant 32 : index
        %swap3A_404 = tpu.vector_load %arg14[%swap3A_402, %swap3A_403] {strides = array<i32>} : memref<128x64xf32, #tpu.memory_space<vmem>>, vector<16xf32>,
        tpu.vector_store %arg14[%swap3A_402, %swap3A_403], %unpack3A_400 {strides = array<i32>} : memref<128x64xf32, #tpu.memory_space<vmem>>, vector<16xf32>,
        %swap3A_405 = arith.index_cast %scan3A_385 : i32 to index
        %swap3A_406 = arith.constant 48 : index
        %swap3A_407 = tpu.vector_load %arg14[%swap3A_405, %swap3A_406] {strides = array<i32>} : memref<128x64xf32, #tpu.memory_space<vmem>>, vector<16xf32>,
        tpu.vector_store %arg14[%swap3A_405, %swap3A_406], %unpack3A_401 {strides = array<i32>} : memref<128x64xf32, #tpu.memory_space<vmem>>, vector<16xf32>,
      }
      %scan3A_220 = arith.constant 128 : i32
      %dma_start3A_221 = arith.constant 1 : i32
      %dma_start3A_222 = arith.constant 0 : i32
      %dma_start3A_223 = tpu.memref_slice %arg8[%add3A_188, %dma_start3A_222] : memref<160x128xi32, #tpu.memory_space<vmem>> -> memref<1x128xi32, #tpu.memory_space<vmem>>
      %dma_start3A_224 = tpu.memref_squeeze %dma_start3A_223 : memref<1x128xi32, #tpu.memory_space<vmem>> -> memref<128xi32, #tpu.memory_space<vmem>>
      %dma_start3A_225 = arith.constant 0 : i32
      %dma_start3A_226 = arith.constant 0 : i32
      %dma_start3A_227 = tpu.memref_slice %arg19[%dma_start3A_225, %dma_start3A_226] : memref<10112x64xf32, #tpu.memory_space<vmem_shared>> -> memref<10112x64xf32, #tpu.memory_space<vmem_shared>>
      %dma_start3A_228 = tpu.memref_slice %arg18[%dma_start3A_221] : memref<4x!tpu.dma_semaphore, #tpu.memory_space<semaphore_mem>> -> memref<1x!tpu.dma_semaphore, #tpu.memory_space<semaphore_mem>>
      %dma_start3A_229 = tpu.memref_squeeze %dma_start3A_228 : memref<1x!tpu.dma_semaphore, #tpu.memory_space<semaphore_mem>> -> memref<!tpu.dma_semaphore, #tpu.memory_space<semaphore_mem>>
      tpu.enqueue_indirect_dma source(%arg14 : memref<128x64xf32, #tpu.memory_space<vmem>>) target(%dma_start3A_227 : memref<10112x64xf32, #tpu.memory_space<vmem_shared>>) offsets(%dma_start3A_224 : memref<128xi32, #tpu.memory_space<vmem>>) semaphore(%dma_start3A_229 : memref<!tpu.dma_semaphore, #tpu.memory_space<semaphore_mem>>) {add = true}
      %add3A_230 = arith.constant 2 : i32
      %add3A_231 = arith.addi %add3A_147, %add3A_230 : i32
      %add3A_232 = arith.constant 3 : i32
      %add3A_233 = arith.addi %add3A_231, %add3A_232 : i32
      %lt3A_234 = arith.constant 160 : i32
      %lt3A_235 = arith.cmpi slt, %add3A_233, %lt3A_234 : i32
      %convert_element_type3A_236 = arith.extui %lt3A_235 : i1 to i32
      %cond3A_237 = arith.constant 0 : i32
      %cond3A_238 = arith.cmpi ne, %convert_element_type3A_236, %cond3A_237 : i32
      scf.if %cond3A_238 {
        %dma_start3A_316 = arith.constant 1 : i32
        %dma_start3A_317 = arith.constant 0 : i32
        %dma_start3A_318 = tpu.memref_slice %arg7[%add3A_233, %dma_start3A_317] : memref<160x128xi32, #tpu.memory_space<vmem>> -> memref<1x128xi32, #tpu.memory_space<vmem>>
        %dma_start3A_319 = tpu.memref_squeeze %dma_start3A_318 : memref<1x128xi32, #tpu.memory_space<vmem>> -> memref<128xi32, #tpu.memory_space<vmem>>
        %dma_start3A_320 = arith.constant 0 : i32
        %dma_start3A_321 = arith.constant 0 : i32
        %dma_start3A_322 = tpu.memref_slice %arg4[%arg0, %dma_start3A_320, %dma_start3A_321] : memref<2x10112x64xbf16, #tpu.memory_space<hbm>> -> memref<1x10112x64xbf16, #tpu.memory_space<hbm>>
        %dma_start3A_323 = tpu.memref_squeeze %dma_start3A_322 : memref<1x10112x64xbf16, #tpu.memory_space<hbm>> -> memref<10112x64xbf16, #tpu.memory_space<hbm>>
        %dma_start3A_324 = arith.constant 0 : i32
        %dma_start3A_325 = arith.constant 0 : i32
        %dma_start3A_326 = tpu.memref_slice %dma_start3A_323[%dma_start3A_324, %dma_start3A_325] : memref<10112x64xbf16, #tpu.memory_space<hbm>> -> memref<10112x64xbf16, #tpu.memory_space<hbm>>
        %dma_start3A_327 = tpu.memref_slice %arg17[%dma_start3A_316] : memref<4x!tpu.dma_semaphore, #tpu.memory_space<semaphore_mem>> -> memref<1x!tpu.dma_semaphore, #tpu.memory_space<semaphore_mem>>
        %dma_start3A_328 = tpu.memref_squeeze %dma_start3A_327 : memref<1x!tpu.dma_semaphore, #tpu.memory_space<semaphore_mem>> -> memref<!tpu.dma_semaphore, #tpu.memory_space<semaphore_mem>>
        tpu.enqueue_indirect_dma source(%dma_start3A_326 : memref<10112x64xbf16, #tpu.memory_space<hbm>>) target(%arg10 : memref<128x64xbf16, #tpu.memory_space<vmem>>) offsets(%dma_start3A_319 : memref<128xi32, #tpu.memory_space<vmem>>) semaphore(%dma_start3A_328 : memref<!tpu.dma_semaphore, #tpu.memory_space<semaphore_mem>>)
      } else {
      }
      %dma_wait3A_239 = arith.constant 0 : i32
      %dma_wait3A_240 = arith.constant 2 : i32
      %dma_wait3A_241 = arith.constant 0 : i32
      %dma_wait3A_242 = tpu.memref_slice %arg7[%dma_wait3A_239, %dma_wait3A_241] : memref<160x128xi32, #tpu.memory_space<vmem>> -> memref<1x128xi32, #tpu.memory_space<vmem>>
      %dma_wait3A_243 = tpu.memref_squeeze %dma_wait3A_242 : memref<1x128xi32, #tpu.memory_space<vmem>> -> memref<128xi32, #tpu.memory_space<vmem>>
      %dma_wait3A_244 = arith.constant 0 : i32
      %dma_wait3A_245 = arith.constant 0 : i32
      %dma_wait3A_246 = tpu.memref_slice %arg4[%arg0, %dma_wait3A_244, %dma_wait3A_245] : memref<2x10112x64xbf16, #tpu.memory_space<hbm>> -> memref<1x10112x64xbf16, #tpu.memory_space<hbm>>
      %dma_wait3A_247 = tpu.memref_squeeze %dma_wait3A_246 : memref<1x10112x64xbf16, #tpu.memory_space<hbm>> -> memref<10112x64xbf16, #tpu.memory_space<hbm>>
      %dma_wait3A_248 = arith.constant 0 : i32
      %dma_wait3A_249 = arith.constant 0 : i32
      %dma_wait3A_250 = tpu.memref_slice %dma_wait3A_247[%dma_wait3A_248, %dma_wait3A_249] : memref<10112x64xbf16, #tpu.memory_space<hbm>> -> memref<10112x64xbf16, #tpu.memory_space<hbm>>
      %dma_wait3A_251 = tpu.memref_slice %arg17[%dma_wait3A_240] : memref<4x!tpu.dma_semaphore, #tpu.memory_space<semaphore_mem>> -> memref<1x!tpu.dma_semaphore, #tpu.memory_space<semaphore_mem>>
      %dma_wait3A_252 = tpu.memref_squeeze %dma_wait3A_251 : memref<1x!tpu.dma_semaphore, #tpu.memory_space<semaphore_mem>> -> memref<!tpu.dma_semaphore, #tpu.memory_space<semaphore_mem>>
      tpu.wait_indirect_dma semaphore(%dma_wait3A_252 : memref<!tpu.dma_semaphore, #tpu.memory_space<semaphore_mem>>) src(%dma_wait3A_250 : memref<10112x64xbf16, #tpu.memory_space<hbm>>) dst(%arg11 : memref<128x64xbf16, #tpu.memory_space<vmem>>)
      %ge3A_253 = arith.constant 4 : i32
      %ge3A_254 = arith.cmpi sge, %add3A_231, %ge3A_253 : i32
      %convert_element_type3A_255 = arith.extui %ge3A_254 : i1 to i32
      %cond3A_256 = arith.constant 0 : i32
      %cond3A_257 = arith.cmpi ne, %convert_element_type3A_255, %cond3A_256 : i32
      scf.if %cond3A_257 {
        %dma_wait3A_316 = arith.constant 0 : i32
        %dma_wait3A_317 = arith.constant 2 : i32
        %dma_wait3A_318 = arith.constant 0 : i32
        %dma_wait3A_319 = tpu.memref_slice %arg8[%dma_wait3A_316, %dma_wait3A_318] : memref<160x128xi32, #tpu.memory_space<vmem>> -> memref<1x128xi32, #tpu.memory_space<vmem>>
        %dma_wait3A_320 = tpu.memref_squeeze %dma_wait3A_319 : memref<1x128xi32, #tpu.memory_space<vmem>> -> memref<128xi32, #tpu.memory_space<vmem>>
        %dma_wait3A_321 = arith.constant 0 : i32
        %dma_wait3A_322 = arith.constant 0 : i32
        %dma_wait3A_323 = tpu.memref_slice %arg19[%dma_wait3A_321, %dma_wait3A_322] : memref<10112x64xf32, #tpu.memory_space<vmem_shared>> -> memref<10112x64xf32, #tpu.memory_space<vmem_shared>>
        %dma_wait3A_324 = tpu.memref_slice %arg18[%dma_wait3A_317] : memref<4x!tpu.dma_semaphore, #tpu.memory_space<semaphore_mem>> -> memref<1x!tpu.dma_semaphore, #tpu.memory_space<semaphore_mem>>
        %dma_wait3A_325 = tpu.memref_squeeze %dma_wait3A_324 : memref<1x!tpu.dma_semaphore, #tpu.memory_space<semaphore_mem>> -> memref<!tpu.dma_semaphore, #tpu.memory_space<semaphore_mem>>
        tpu.wait_indirect_dma semaphore(%dma_wait3A_325 : memref<!tpu.dma_semaphore, #tpu.memory_space<semaphore_mem>>) src(%arg15 : memref<128x64xf32, #tpu.memory_space<vmem>>) dst(%dma_wait3A_323 : memref<10112x64xf32, #tpu.memory_space<vmem_shared>>)
      } else {
      }
      %scan3A_258 = arith.constant 0 : i32
      %scan3A_259 = arith.constant 0 : i32
      %scan3A_260 = arith.constant 128 : i32
      %scan3A_261 = arith.addi %scan3A_259, %scan3A_260 : i32
      %scan3A_262 = arith.constant 4 : i32
      scf.for %scan3A_316 = %scan3A_259 to %scan3A_261 step %scan3A_262  : i32 {
        %get3A = arith.index_cast %scan3A_316 : i32 to index
        %get3A_317 = arith.constant 0 : index
        %get3A_318 = tpu.vector_load %arg11[%get3A, %get3A_317] {strides = array<i32>} : memref<128x64xbf16, #tpu.memory_space<vmem>>, vector<32xbf16>,
        %unpack3A = tpu.unpack_subelements %get3A_318, 0 {pack_format = #tpu.pack_format<interleaved>} : vector<32xbf16> -> vector<16xf32>
        %unpack3A_319 = tpu.unpack_subelements %get3A_318, 1 {pack_format = #tpu.pack_format<interleaved>} : vector<32xbf16> -> vector<16xf32>
        %swap3A = arith.index_cast %scan3A_316 : i32 to index
        %swap3A_320 = arith.constant 0 : index
        %swap3A_321 = tpu.vector_load %arg15[%swap3A, %swap3A_320] {strides = array<i32>} : memref<128x64xf32, #tpu.memory_space<vmem>>, vector<16xf32>,
        tpu.vector_store %arg15[%swap3A, %swap3A_320], %unpack3A {strides = array<i32>} : memref<128x64xf32, #tpu.memory_space<vmem>>, vector<16xf32>,
        %swap3A_322 = arith.index_cast %scan3A_316 : i32 to index
        %swap3A_323 = arith.constant 16 : index
        %swap3A_324 = tpu.vector_load %arg15[%swap3A_322, %swap3A_323] {strides = array<i32>} : memref<128x64xf32, #tpu.memory_space<vmem>>, vector<16xf32>,
        tpu.vector_store %arg15[%swap3A_322, %swap3A_323], %unpack3A_319 {strides = array<i32>} : memref<128x64xf32, #tpu.memory_space<vmem>>, vector<16xf32>,
        %get3A_325 = arith.index_cast %scan3A_316 : i32 to index
        %get3A_326 = arith.constant 32 : index
        %get3A_327 = tpu.vector_load %arg11[%get3A_325, %get3A_326] {strides = array<i32>} : memref<128x64xbf16, #tpu.memory_space<vmem>>, vector<32xbf16>,
        %unpack3A_328 = tpu.unpack_subelements %get3A_327, 0 {pack_format = #tpu.pack_format<interleaved>} : vector<32xbf16> -> vector<16xf32>
        %unpack3A_329 = tpu.unpack_subelements %get3A_327, 1 {pack_format = #tpu.pack_format<interleaved>} : vector<32xbf16> -> vector<16xf32>
        %swap3A_330 = arith.index_cast %scan3A_316 : i32 to index
        %swap3A_331 = arith.constant 32 : index
        %swap3A_332 = tpu.vector_load %arg15[%swap3A_330, %swap3A_331] {strides = array<i32>} : memref<128x64xf32, #tpu.memory_space<vmem>>, vector<16xf32>,
        tpu.vector_store %arg15[%swap3A_330, %swap3A_331], %unpack3A_328 {strides = array<i32>} : memref<128x64xf32, #tpu.memory_space<vmem>>, vector<16xf32>,
        %swap3A_333 = arith.index_cast %scan3A_316 : i32 to index
        %swap3A_334 = arith.constant 48 : index
        %swap3A_335 = tpu.vector_load %arg15[%swap3A_333, %swap3A_334] {strides = array<i32>} : memref<128x64xf32, #tpu.memory_space<vmem>>, vector<16xf32>,
        tpu.vector_store %arg15[%swap3A_333, %swap3A_334], %unpack3A_329 {strides = array<i32>} : memref<128x64xf32, #tpu.memory_space<vmem>>, vector<16xf32>,
        %scan3A_336 = arith.constant 1 : i32
        %scan3A_337 = arith.addi %scan3A_316, %scan3A_336 : i32
        %get3A_338 = arith.index_cast %scan3A_337 : i32 to index
        %get3A_339 = arith.constant 0 : index
        %get3A_340 = tpu.vector_load %arg11[%get3A_338, %get3A_339] {strides = array<i32>} : memref<128x64xbf16, #tpu.memory_space<vmem>>, vector<32xbf16>,
        %unpack3A_341 = tpu.unpack_subelements %get3A_340, 0 {pack_format = #tpu.pack_format<interleaved>} : vector<32xbf16> -> vector<16xf32>
        %unpack3A_342 = tpu.unpack_subelements %get3A_340, 1 {pack_format = #tpu.pack_format<interleaved>} : vector<32xbf16> -> vector<16xf32>
        %swap3A_343 = arith.index_cast %scan3A_337 : i32 to index
        %swap3A_344 = arith.constant 0 : index
        %swap3A_345 = tpu.vector_load %arg15[%swap3A_343, %swap3A_344] {strides = array<i32>} : memref<128x64xf32, #tpu.memory_space<vmem>>, vector<16xf32>,
        tpu.vector_store %arg15[%swap3A_343, %swap3A_344], %unpack3A_341 {strides = array<i32>} : memref<128x64xf32, #tpu.memory_space<vmem>>, vector<16xf32>,
        %swap3A_346 = arith.index_cast %scan3A_337 : i32 to index
        %swap3A_347 = arith.constant 16 : index
        %swap3A_348 = tpu.vector_load %arg15[%swap3A_346, %swap3A_347] {strides = array<i32>} : memref<128x64xf32, #tpu.memory_space<vmem>>, vector<16xf32>,
        tpu.vector_store %arg15[%swap3A_346, %swap3A_347], %unpack3A_342 {strides = array<i32>} : memref<128x64xf32, #tpu.memory_space<vmem>>, vector<16xf32>,
        %get3A_349 = arith.index_cast %scan3A_337 : i32 to index
        %get3A_350 = arith.constant 32 : index
        %get3A_351 = tpu.vector_load %arg11[%get3A_349, %get3A_350] {strides = array<i32>} : memref<128x64xbf16, #tpu.memory_space<vmem>>, vector<32xbf16>,
        %unpack3A_352 = tpu.unpack_subelements %get3A_351, 0 {pack_format = #tpu.pack_format<interleaved>} : vector<32xbf16> -> vector<16xf32>
        %unpack3A_353 = tpu.unpack_subelements %get3A_351, 1 {pack_format = #tpu.pack_format<interleaved>} : vector<32xbf16> -> vector<16xf32>
        %swap3A_354 = arith.index_cast %scan3A_337 : i32 to index
        %swap3A_355 = arith.constant 32 : index
        %swap3A_356 = tpu.vector_load %arg15[%swap3A_354, %swap3A_355] {strides = array<i32>} : memref<128x64xf32, #tpu.memory_space<vmem>>, vector<16xf32>,
        tpu.vector_store %arg15[%swap3A_354, %swap3A_355], %unpack3A_352 {strides = array<i32>} : memref<128x64xf32, #tpu.memory_space<vmem>>, vector<16xf32>,
        %swap3A_357 = arith.index_cast %scan3A_337 : i32 to index
        %swap3A_358 = arith.constant 48 : index
        %swap3A_359 = tpu.vector_load %arg15[%swap3A_357, %swap3A_358] {strides = array<i32>} : memref<128x64xf32, #tpu.memory_space<vmem>>, vector<16xf32>,
        tpu.vector_store %arg15[%swap3A_357, %swap3A_358], %unpack3A_353 {strides = array<i32>} : memref<128x64xf32, #tpu.memory_space<vmem>>, vector<16xf32>,
        %scan3A_360 = arith.constant 2 : i32
        %scan3A_361 = arith.addi %scan3A_316, %scan3A_360 : i32
        %get3A_362 = arith.index_cast %scan3A_361 : i32 to index
        %get3A_363 = arith.constant 0 : index
        %get3A_364 = tpu.vector_load %arg11[%get3A_362, %get3A_363] {strides = array<i32>} : memref<128x64xbf16, #tpu.memory_space<vmem>>, vector<32xbf16>,
        %unpack3A_365 = tpu.unpack_subelements %get3A_364, 0 {pack_format = #tpu.pack_format<interleaved>} : vector<32xbf16> -> vector<16xf32>
        %unpack3A_366 = tpu.unpack_subelements %get3A_364, 1 {pack_format = #tpu.pack_format<interleaved>} : vector<32xbf16> -> vector<16xf32>
        %swap3A_367 = arith.index_cast %scan3A_361 : i32 to index
        %swap3A_368 = arith.constant 0 : index
        %swap3A_369 = tpu.vector_load %arg15[%swap3A_367, %swap3A_368] {strides = array<i32>} : memref<128x64xf32, #tpu.memory_space<vmem>>, vector<16xf32>,
        tpu.vector_store %arg15[%swap3A_367, %swap3A_368], %unpack3A_365 {strides = array<i32>} : memref<128x64xf32, #tpu.memory_space<vmem>>, vector<16xf32>,
        %swap3A_370 = arith.index_cast %scan3A_361 : i32 to index
        %swap3A_371 = arith.constant 16 : index
        %swap3A_372 = tpu.vector_load %arg15[%swap3A_370, %swap3A_371] {strides = array<i32>} : memref<128x64xf32, #tpu.memory_space<vmem>>, vector<16xf32>,
        tpu.vector_store %arg15[%swap3A_370, %swap3A_371], %unpack3A_366 {strides = array<i32>} : memref<128x64xf32, #tpu.memory_space<vmem>>, vector<16xf32>,
        %get3A_373 = arith.index_cast %scan3A_361 : i32 to index
        %get3A_374 = arith.constant 32 : index
        %get3A_375 = tpu.vector_load %arg11[%get3A_373, %get3A_374] {strides = array<i32>} : memref<128x64xbf16, #tpu.memory_space<vmem>>, vector<32xbf16>,
        %unpack3A_376 = tpu.unpack_subelements %get3A_375, 0 {pack_format = #tpu.pack_format<interleaved>} : vector<32xbf16> -> vector<16xf32>
        %unpack3A_377 = tpu.unpack_subelements %get3A_375, 1 {pack_format = #tpu.pack_format<interleaved>} : vector<32xbf16> -> vector<16xf32>
        %swap3A_378 = arith.index_cast %scan3A_361 : i32 to index
        %swap3A_379 = arith.constant 32 : index
        %swap3A_380 = tpu.vector_load %arg15[%swap3A_378, %swap3A_379] {strides = array<i32>} : memref<128x64xf32, #tpu.memory_space<vmem>>, vector<16xf32>,
        tpu.vector_store %arg15[%swap3A_378, %swap3A_379], %unpack3A_376 {strides = array<i32>} : memref<128x64xf32, #tpu.memory_space<vmem>>, vector<16xf32>,
        %swap3A_381 = arith.index_cast %scan3A_361 : i32 to index
        %swap3A_382 = arith.constant 48 : index
        %swap3A_383 = tpu.vector_load %arg15[%swap3A_381, %swap3A_382] {strides = array<i32>} : memref<128x64xf32, #tpu.memory_space<vmem>>, vector<16xf32>,
        tpu.vector_store %arg15[%swap3A_381, %swap3A_382], %unpack3A_377 {strides = array<i32>} : memref<128x64xf32, #tpu.memory_space<vmem>>, vector<16xf32>,
        %scan3A_384 = arith.constant 3 : i32
        %scan3A_385 = arith.addi %scan3A_316, %scan3A_384 : i32
        %get3A_386 = arith.index_cast %scan3A_385 : i32 to index
        %get3A_387 = arith.constant 0 : index
        %get3A_388 = tpu.vector_load %arg11[%get3A_386, %get3A_387] {strides = array<i32>} : memref<128x64xbf16, #tpu.memory_space<vmem>>, vector<32xbf16>,
        %unpack3A_389 = tpu.unpack_subelements %get3A_388, 0 {pack_format = #tpu.pack_format<interleaved>} : vector<32xbf16> -> vector<16xf32>
        %unpack3A_390 = tpu.unpack_subelements %get3A_388, 1 {pack_format = #tpu.pack_format<interleaved>} : vector<32xbf16> -> vector<16xf32>
        %swap3A_391 = arith.index_cast %scan3A_385 : i32 to index
        %swap3A_392 = arith.constant 0 : index
        %swap3A_393 = tpu.vector_load %arg15[%swap3A_391, %swap3A_392] {strides = array<i32>} : memref<128x64xf32, #tpu.memory_space<vmem>>, vector<16xf32>,
        tpu.vector_store %arg15[%swap3A_391, %swap3A_392], %unpack3A_389 {strides = array<i32>} : memref<128x64xf32, #tpu.memory_space<vmem>>, vector<16xf32>,
        %swap3A_394 = arith.index_cast %scan3A_385 : i32 to index
        %swap3A_395 = arith.constant 16 : index
        %swap3A_396 = tpu.vector_load %arg15[%swap3A_394, %swap3A_395] {strides = array<i32>} : memref<128x64xf32, #tpu.memory_space<vmem>>, vector<16xf32>,
        tpu.vector_store %arg15[%swap3A_394, %swap3A_395], %unpack3A_390 {strides = array<i32>} : memref<128x64xf32, #tpu.memory_space<vmem>>, vector<16xf32>,
        %get3A_397 = arith.index_cast %scan3A_385 : i32 to index
        %get3A_398 = arith.constant 32 : index
        %get3A_399 = tpu.vector_load %arg11[%get3A_397, %get3A_398] {strides = array<i32>} : memref<128x64xbf16, #tpu.memory_space<vmem>>, vector<32xbf16>,
        %unpack3A_400 = tpu.unpack_subelements %get3A_399, 0 {pack_format = #tpu.pack_format<interleaved>} : vector<32xbf16> -> vector<16xf32>
        %unpack3A_401 = tpu.unpack_subelements %get3A_399, 1 {pack_format = #tpu.pack_format<interleaved>} : vector<32xbf16> -> vector<16xf32>
        %swap3A_402 = arith.index_cast %scan3A_385 : i32 to index
        %swap3A_403 = arith.constant 32 : index
        %swap3A_404 = tpu.vector_load %arg15[%swap3A_402, %swap3A_403] {strides = array<i32>} : memref<128x64xf32, #tpu.memory_space<vmem>>, vector<16xf32>,
        tpu.vector_store %arg15[%swap3A_402, %swap3A_403], %unpack3A_400 {strides = array<i32>} : memref<128x64xf32, #tpu.memory_space<vmem>>, vector<16xf32>,
        %swap3A_405 = arith.index_cast %scan3A_385 : i32 to index
        %swap3A_406 = arith.constant 48 : index
        %swap3A_407 = tpu.vector_load %arg15[%swap3A_405, %swap3A_406] {strides = array<i32>} : memref<128x64xf32, #tpu.memory_space<vmem>>, vector<16xf32>,
        tpu.vector_store %arg15[%swap3A_405, %swap3A_406], %unpack3A_401 {strides = array<i32>} : memref<128x64xf32, #tpu.memory_space<vmem>>, vector<16xf32>,
      }
      %scan3A_263 = arith.constant 128 : i32
      %dma_start3A_264 = arith.constant 2 : i32
      %dma_start3A_265 = arith.constant 0 : i32
      %dma_start3A_266 = tpu.memref_slice %arg8[%add3A_231, %dma_start3A_265] : memref<160x128xi32, #tpu.memory_space<vmem>> -> memref<1x128xi32, #tpu.memory_space<vmem>>
      %dma_start3A_267 = tpu.memref_squeeze %dma_start3A_266 : memref<1x128xi32, #tpu.memory_space<vmem>> -> memref<128xi32, #tpu.memory_space<vmem>>
      %dma_start3A_268 = arith.constant 0 : i32
      %dma_start3A_269 = arith.constant 0 : i32
      %dma_start3A_270 = tpu.memref_slice %arg19[%dma_start3A_268, %dma_start3A_269] : memref<10112x64xf32, #tpu.memory_space<vmem_shared>> -> memref<10112x64xf32, #tpu.memory_space<vmem_shared>>
      %dma_start3A_271 = tpu.memref_slice %arg18[%dma_start3A_264] : memref<4x!tpu.dma_semaphore, #tpu.memory_space<semaphore_mem>> -> memref<1x!tpu.dma_semaphore, #tpu.memory_space<semaphore_mem>>
      %dma_start3A_272 = tpu.memref_squeeze %dma_start3A_271 : memref<1x!tpu.dma_semaphore, #tpu.memory_space<semaphore_mem>> -> memref<!tpu.dma_semaphore, #tpu.memory_space<semaphore_mem>>
      tpu.enqueue_indirect_dma source(%arg15 : memref<128x64xf32, #tpu.memory_space<vmem>>) target(%dma_start3A_270 : memref<10112x64xf32, #tpu.memory_space<vmem_shared>>) offsets(%dma_start3A_267 : memref<128xi32, #tpu.memory_space<vmem>>) semaphore(%dma_start3A_272 : memref<!tpu.dma_semaphore, #tpu.memory_space<semaphore_mem>>) {add = true}
      %add3A_273 = arith.constant 3 : i32
      %add3A_274 = arith.addi %add3A_147, %add3A_273 : i32
      %add3A_275 = arith.constant 3 : i32
      %add3A_276 = arith.addi %add3A_274, %add3A_275 : i32
      %lt3A_277 = arith.constant 160 : i32
      %lt3A_278 = arith.cmpi slt, %add3A_276, %lt3A_277 : i32
      %convert_element_type3A_279 = arith.extui %lt3A_278 : i1 to i32
      %cond3A_280 = arith.constant 0 : i32
      %cond3A_281 = arith.cmpi ne, %convert_element_type3A_279, %cond3A_280 : i32
      scf.if %cond3A_281 {
        %dma_start3A_316 = arith.constant 2 : i32
        %dma_start3A_317 = arith.constant 0 : i32
        %dma_start3A_318 = tpu.memref_slice %arg7[%add3A_276, %dma_start3A_317] : memref<160x128xi32, #tpu.memory_space<vmem>> -> memref<1x128xi32, #tpu.memory_space<vmem>>
        %dma_start3A_319 = tpu.memref_squeeze %dma_start3A_318 : memref<1x128xi32, #tpu.memory_space<vmem>> -> memref<128xi32, #tpu.memory_space<vmem>>
        %dma_start3A_320 = arith.constant 0 : i32
        %dma_start3A_321 = arith.constant 0 : i32
        %dma_start3A_322 = tpu.memref_slice %arg4[%arg0, %dma_start3A_320, %dma_start3A_321] : memref<2x10112x64xbf16, #tpu.memory_space<hbm>> -> memref<1x10112x64xbf16, #tpu.memory_space<hbm>>
        %dma_start3A_323 = tpu.memref_squeeze %dma_start3A_322 : memref<1x10112x64xbf16, #tpu.memory_space<hbm>> -> memref<10112x64xbf16, #tpu.memory_space<hbm>>
        %dma_start3A_324 = arith.constant 0 : i32
        %dma_start3A_325 = arith.constant 0 : i32
        %dma_start3A_326 = tpu.memref_slice %dma_start3A_323[%dma_start3A_324, %dma_start3A_325] : memref<10112x64xbf16, #tpu.memory_space<hbm>> -> memref<10112x64xbf16, #tpu.memory_space<hbm>>
        %dma_start3A_327 = tpu.memref_slice %arg17[%dma_start3A_316] : memref<4x!tpu.dma_semaphore, #tpu.memory_space<semaphore_mem>> -> memref<1x!tpu.dma_semaphore, #tpu.memory_space<semaphore_mem>>
        %dma_start3A_328 = tpu.memref_squeeze %dma_start3A_327 : memref<1x!tpu.dma_semaphore, #tpu.memory_space<semaphore_mem>> -> memref<!tpu.dma_semaphore, #tpu.memory_space<semaphore_mem>>
        tpu.enqueue_indirect_dma source(%dma_start3A_326 : memref<10112x64xbf16, #tpu.memory_space<hbm>>) target(%arg11 : memref<128x64xbf16, #tpu.memory_space<vmem>>) offsets(%dma_start3A_319 : memref<128xi32, #tpu.memory_space<vmem>>) semaphore(%dma_start3A_328 : memref<!tpu.dma_semaphore, #tpu.memory_space<semaphore_mem>>)
      } else {
      }
      %dma_wait3A_282 = arith.constant 0 : i32
      %dma_wait3A_283 = arith.constant 3 : i32
      %dma_wait3A_284 = arith.constant 0 : i32
      %dma_wait3A_285 = tpu.memref_slice %arg7[%dma_wait3A_282, %dma_wait3A_284] : memref<160x128xi32, #tpu.memory_space<vmem>> -> memref<1x128xi32, #tpu.memory_space<vmem>>
      %dma_wait3A_286 = tpu.memref_squeeze %dma_wait3A_285 : memref<1x128xi32, #tpu.memory_space<vmem>> -> memref<128xi32, #tpu.memory_space<vmem>>
      %dma_wait3A_287 = arith.constant 0 : i32
      %dma_wait3A_288 = arith.constant 0 : i32
      %dma_wait3A_289 = tpu.memref_slice %arg4[%arg0, %dma_wait3A_287, %dma_wait3A_288] : memref<2x10112x64xbf16, #tpu.memory_space<hbm>> -> memref<1x10112x64xbf16, #tpu.memory_space<hbm>>
      %dma_wait3A_290 = tpu.memref_squeeze %dma_wait3A_289 : memref<1x10112x64xbf16, #tpu.memory_space<hbm>> -> memref<10112x64xbf16, #tpu.memory_space<hbm>>
      %dma_wait3A_291 = arith.constant 0 : i32
      %dma_wait3A_292 = arith.constant 0 : i32
      %dma_wait3A_293 = tpu.memref_slice %dma_wait3A_290[%dma_wait3A_291, %dma_wait3A_292] : memref<10112x64xbf16, #tpu.memory_space<hbm>> -> memref<10112x64xbf16, #tpu.memory_space<hbm>>
      %dma_wait3A_294 = tpu.memref_slice %arg17[%dma_wait3A_283] : memref<4x!tpu.dma_semaphore, #tpu.memory_space<semaphore_mem>> -> memref<1x!tpu.dma_semaphore, #tpu.memory_space<semaphore_mem>>
      %dma_wait3A_295 = tpu.memref_squeeze %dma_wait3A_294 : memref<1x!tpu.dma_semaphore, #tpu.memory_space<semaphore_mem>> -> memref<!tpu.dma_semaphore, #tpu.memory_space<semaphore_mem>>
      tpu.wait_indirect_dma semaphore(%dma_wait3A_295 : memref<!tpu.dma_semaphore, #tpu.memory_space<semaphore_mem>>) src(%dma_wait3A_293 : memref<10112x64xbf16, #tpu.memory_space<hbm>>) dst(%arg12 : memref<128x64xbf16, #tpu.memory_space<vmem>>)
      %ge3A_296 = arith.constant 4 : i32
      %ge3A_297 = arith.cmpi sge, %add3A_274, %ge3A_296 : i32
      %convert_element_type3A_298 = arith.extui %ge3A_297 : i1 to i32
      %cond3A_299 = arith.constant 0 : i32
      %cond3A_300 = arith.cmpi ne, %convert_element_type3A_298, %cond3A_299 : i32
      scf.if %cond3A_300 {
        %dma_wait3A_316 = arith.constant 0 : i32
        %dma_wait3A_317 = arith.constant 3 : i32
        %dma_wait3A_318 = arith.constant 0 : i32
        %dma_wait3A_319 = tpu.memref_slice %arg8[%dma_wait3A_316, %dma_wait3A_318] : memref<160x128xi32, #tpu.memory_space<vmem>> -> memref<1x128xi32, #tpu.memory_space<vmem>>
        %dma_wait3A_320 = tpu.memref_squeeze %dma_wait3A_319 : memref<1x128xi32, #tpu.memory_space<vmem>> -> memref<128xi32, #tpu.memory_space<vmem>>
        %dma_wait3A_321 = arith.constant 0 : i32
        %dma_wait3A_322 = arith.constant 0 : i32
        %dma_wait3A_323 = tpu.memref_slice %arg19[%dma_wait3A_321, %dma_wait3A_322] : memref<10112x64xf32, #tpu.memory_space<vmem_shared>> -> memref<10112x64xf32, #tpu.memory_space<vmem_shared>>
        %dma_wait3A_324 = tpu.memref_slice %arg18[%dma_wait3A_317] : memref<4x!tpu.dma_semaphore, #tpu.memory_space<semaphore_mem>> -> memref<1x!tpu.dma_semaphore, #tpu.memory_space<semaphore_mem>>
        %dma_wait3A_325 = tpu.memref_squeeze %dma_wait3A_324 : memref<1x!tpu.dma_semaphore, #tpu.memory_space<semaphore_mem>> -> memref<!tpu.dma_semaphore, #tpu.memory_space<semaphore_mem>>
        tpu.wait_indirect_dma semaphore(%dma_wait3A_325 : memref<!tpu.dma_semaphore, #tpu.memory_space<semaphore_mem>>) src(%arg16 : memref<128x64xf32, #tpu.memory_space<vmem>>) dst(%dma_wait3A_323 : memref<10112x64xf32, #tpu.memory_space<vmem_shared>>)
      } else {
      }
      %scan3A_301 = arith.constant 0 : i32
      %scan3A_302 = arith.constant 0 : i32
      %scan3A_303 = arith.constant 128 : i32
      %scan3A_304 = arith.addi %scan3A_302, %scan3A_303 : i32
      %scan3A_305 = arith.constant 4 : i32
      scf.for %scan3A_316 = %scan3A_302 to %scan3A_304 step %scan3A_305  : i32 {
        %get3A = arith.index_cast %scan3A_316 : i32 to index
        %get3A_317 = arith.constant 0 : index
        %get3A_318 = tpu.vector_load %arg12[%get3A, %get3A_317] {strides = array<i32>} : memref<128x64xbf16, #tpu.memory_space<vmem>>, vector<32xbf16>,
        %unpack3A = tpu.unpack_subelements %get3A_318, 0 {pack_format = #tpu.pack_format<interleaved>} : vector<32xbf16> -> vector<16xf32>
        %unpack3A_319 = tpu.unpack_subelements %get3A_318, 1 {pack_format = #tpu.pack_format<interleaved>} : vector<32xbf16> -> vector<16xf32>
        %swap3A = arith.index_cast %scan3A_316 : i32 to index
        %swap3A_320 = arith.constant 0 : index
        %swap3A_321 = tpu.vector_load %arg16[%swap3A, %swap3A_320] {strides = array<i32>} : memref<128x64xf32, #tpu.memory_space<vmem>>, vector<16xf32>,
        tpu.vector_store %arg16[%swap3A, %swap3A_320], %unpack3A {strides = array<i32>} : memref<128x64xf32, #tpu.memory_space<vmem>>, vector<16xf32>,
        %swap3A_322 = arith.index_cast %scan3A_316 : i32 to index
        %swap3A_323 = arith.constant 16 : index
        %swap3A_324 = tpu.vector_load %arg16[%swap3A_322, %swap3A_323] {strides = array<i32>} : memref<128x64xf32, #tpu.memory_space<vmem>>, vector<16xf32>,
        tpu.vector_store %arg16[%swap3A_322, %swap3A_323], %unpack3A_319 {strides = array<i32>} : memref<128x64xf32, #tpu.memory_space<vmem>>, vector<16xf32>,
        %get3A_325 = arith.index_cast %scan3A_316 : i32 to index
        %get3A_326 = arith.constant 32 : index
        %get3A_327 = tpu.vector_load %arg12[%get3A_325, %get3A_326] {strides = array<i32>} : memref<128x64xbf16, #tpu.memory_space<vmem>>, vector<32xbf16>,
        %unpack3A_328 = tpu.unpack_subelements %get3A_327, 0 {pack_format = #tpu.pack_format<interleaved>} : vector<32xbf16> -> vector<16xf32>
        %unpack3A_329 = tpu.unpack_subelements %get3A_327, 1 {pack_format = #tpu.pack_format<interleaved>} : vector<32xbf16> -> vector<16xf32>
        %swap3A_330 = arith.index_cast %scan3A_316 : i32 to index
        %swap3A_331 = arith.constant 32 : index
        %swap3A_332 = tpu.vector_load %arg16[%swap3A_330, %swap3A_331] {strides = array<i32>} : memref<128x64xf32, #tpu.memory_space<vmem>>, vector<16xf32>,
        tpu.vector_store %arg16[%swap3A_330, %swap3A_331], %unpack3A_328 {strides = array<i32>} : memref<128x64xf32, #tpu.memory_space<vmem>>, vector<16xf32>,
        %swap3A_333 = arith.index_cast %scan3A_316 : i32 to index
        %swap3A_334 = arith.constant 48 : index
        %swap3A_335 = tpu.vector_load %arg16[%swap3A_333, %swap3A_334] {strides = array<i32>} : memref<128x64xf32, #tpu.memory_space<vmem>>, vector<16xf32>,
        tpu.vector_store %arg16[%swap3A_333, %swap3A_334], %unpack3A_329 {strides = array<i32>} : memref<128x64xf32, #tpu.memory_space<vmem>>, vector<16xf32>,
        %scan3A_336 = arith.constant 1 : i32
        %scan3A_337 = arith.addi %scan3A_316, %scan3A_336 : i32
        %get3A_338 = arith.index_cast %scan3A_337 : i32 to index
        %get3A_339 = arith.constant 0 : index
        %get3A_340 = tpu.vector_load %arg12[%get3A_338, %get3A_339] {strides = array<i32>} : memref<128x64xbf16, #tpu.memory_space<vmem>>, vector<32xbf16>,
        %unpack3A_341 = tpu.unpack_subelements %get3A_340, 0 {pack_format = #tpu.pack_format<interleaved>} : vector<32xbf16> -> vector<16xf32>
        %unpack3A_342 = tpu.unpack_subelements %get3A_340, 1 {pack_format = #tpu.pack_format<interleaved>} : vector<32xbf16> -> vector<16xf32>
        %swap3A_343 = arith.index_cast %scan3A_337 : i32 to index
        %swap3A_344 = arith.constant 0 : index
        %swap3A_345 = tpu.vector_load %arg16[%swap3A_343, %swap3A_344] {strides = array<i32>} : memref<128x64xf32, #tpu.memory_space<vmem>>, vector<16xf32>,
        tpu.vector_store %arg16[%swap3A_343, %swap3A_344], %unpack3A_341 {strides = array<i32>} : memref<128x64xf32, #tpu.memory_space<vmem>>, vector<16xf32>,
        %swap3A_346 = arith.index_cast %scan3A_337 : i32 to index
        %swap3A_347 = arith.constant 16 : index
        %swap3A_348 = tpu.vector_load %arg16[%swap3A_346, %swap3A_347] {strides = array<i32>} : memref<128x64xf32, #tpu.memory_space<vmem>>, vector<16xf32>,
        tpu.vector_store %arg16[%swap3A_346, %swap3A_347], %unpack3A_342 {strides = array<i32>} : memref<128x64xf32, #tpu.memory_space<vmem>>, vector<16xf32>,
        %get3A_349 = arith.index_cast %scan3A_337 : i32 to index
        %get3A_350 = arith.constant 32 : index
        %get3A_351 = tpu.vector_load %arg12[%get3A_349, %get3A_350] {strides = array<i32>} : memref<128x64xbf16, #tpu.memory_space<vmem>>, vector<32xbf16>,
        %unpack3A_352 = tpu.unpack_subelements %get3A_351, 0 {pack_format = #tpu.pack_format<interleaved>} : vector<32xbf16> -> vector<16xf32>
        %unpack3A_353 = tpu.unpack_subelements %get3A_351, 1 {pack_format = #tpu.pack_format<interleaved>} : vector<32xbf16> -> vector<16xf32>
        %swap3A_354 = arith.index_cast %scan3A_337 : i32 to index
        %swap3A_355 = arith.constant 32 : index
        %swap3A_356 = tpu.vector_load %arg16[%swap3A_354, %swap3A_355] {strides = array<i32>} : memref<128x64xf32, #tpu.memory_space<vmem>>, vector<16xf32>,
        tpu.vector_store %arg16[%swap3A_354, %swap3A_355], %unpack3A_352 {strides = array<i32>} : memref<128x64xf32, #tpu.memory_space<vmem>>, vector<16xf32>,
        %swap3A_357 = arith.index_cast %scan3A_337 : i32 to index
        %swap3A_358 = arith.constant 48 : index
        %swap3A_359 = tpu.vector_load %arg16[%swap3A_357, %swap3A_358] {strides = array<i32>} : memref<128x64xf32, #tpu.memory_space<vmem>>, vector<16xf32>,
        tpu.vector_store %arg16[%swap3A_357, %swap3A_358], %unpack3A_353 {strides = array<i32>} : memref<128x64xf32, #tpu.memory_space<vmem>>, vector<16xf32>,
        %scan3A_360 = arith.constant 2 : i32
        %scan3A_361 = arith.addi %scan3A_316, %scan3A_360 : i32
        %get3A_362 = arith.index_cast %scan3A_361 : i32 to index
        %get3A_363 = arith.constant 0 : index
        %get3A_364 = tpu.vector_load %arg12[%get3A_362, %get3A_363] {strides = array<i32>} : memref<128x64xbf16, #tpu.memory_space<vmem>>, vector<32xbf16>,
        %unpack3A_365 = tpu.unpack_subelements %get3A_364, 0 {pack_format = #tpu.pack_format<interleaved>} : vector<32xbf16> -> vector<16xf32>
        %unpack3A_366 = tpu.unpack_subelements %get3A_364, 1 {pack_format = #tpu.pack_format<interleaved>} : vector<32xbf16> -> vector<16xf32>
        %swap3A_367 = arith.index_cast %scan3A_361 : i32 to index
        %swap3A_368 = arith.constant 0 : index
        %swap3A_369 = tpu.vector_load %arg16[%swap3A_367, %swap3A_368] {strides = array<i32>} : memref<128x64xf32, #tpu.memory_space<vmem>>, vector<16xf32>,
        tpu.vector_store %arg16[%swap3A_367, %swap3A_368], %unpack3A_365 {strides = array<i32>} : memref<128x64xf32, #tpu.memory_space<vmem>>, vector<16xf32>,
        %swap3A_370 = arith.index_cast %scan3A_361 : i32 to index
        %swap3A_371 = arith.constant 16 : index
        %swap3A_372 = tpu.vector_load %arg16[%swap3A_370, %swap3A_371] {strides = array<i32>} : memref<128x64xf32, #tpu.memory_space<vmem>>, vector<16xf32>,
        tpu.vector_store %arg16[%swap3A_370, %swap3A_371], %unpack3A_366 {strides = array<i32>} : memref<128x64xf32, #tpu.memory_space<vmem>>, vector<16xf32>,
        %get3A_373 = arith.index_cast %scan3A_361 : i32 to index
        %get3A_374 = arith.constant 32 : index
        %get3A_375 = tpu.vector_load %arg12[%get3A_373, %get3A_374] {strides = array<i32>} : memref<128x64xbf16, #tpu.memory_space<vmem>>, vector<32xbf16>,
        %unpack3A_376 = tpu.unpack_subelements %get3A_375, 0 {pack_format = #tpu.pack_format<interleaved>} : vector<32xbf16> -> vector<16xf32>
        %unpack3A_377 = tpu.unpack_subelements %get3A_375, 1 {pack_format = #tpu.pack_format<interleaved>} : vector<32xbf16> -> vector<16xf32>
        %swap3A_378 = arith.index_cast %scan3A_361 : i32 to index
        %swap3A_379 = arith.constant 32 : index
        %swap3A_380 = tpu.vector_load %arg16[%swap3A_378, %swap3A_379] {strides = array<i32>} : memref<128x64xf32, #tpu.memory_space<vmem>>, vector<16xf32>,
        tpu.vector_store %arg16[%swap3A_378, %swap3A_379], %unpack3A_376 {strides = array<i32>} : memref<128x64xf32, #tpu.memory_space<vmem>>, vector<16xf32>,
        %swap3A_381 = arith.index_cast %scan3A_361 : i32 to index
        %swap3A_382 = arith.constant 48 : index
        %swap3A_383 = tpu.vector_load %arg16[%swap3A_381, %swap3A_382] {strides = array<i32>} : memref<128x64xf32, #tpu.memory_space<vmem>>, vector<16xf32>,
        tpu.vector_store %arg16[%swap3A_381, %swap3A_382], %unpack3A_377 {strides = array<i32>} : memref<128x64xf32, #tpu.memory_space<vmem>>, vector<16xf32>,
        %scan3A_384 = arith.constant 3 : i32
        %scan3A_385 = arith.addi %scan3A_316, %scan3A_384 : i32
        %get3A_386 = arith.index_cast %scan3A_385 : i32 to index
        %get3A_387 = arith.constant 0 : index
        %get3A_388 = tpu.vector_load %arg12[%get3A_386, %get3A_387] {strides = array<i32>} : memref<128x64xbf16, #tpu.memory_space<vmem>>, vector<32xbf16>,
        %unpack3A_389 = tpu.unpack_subelements %get3A_388, 0 {pack_format = #tpu.pack_format<interleaved>} : vector<32xbf16> -> vector<16xf32>
        %unpack3A_390 = tpu.unpack_subelements %get3A_388, 1 {pack_format = #tpu.pack_format<interleaved>} : vector<32xbf16> -> vector<16xf32>
        %swap3A_391 = arith.index_cast %scan3A_385 : i32 to index
        %swap3A_392 = arith.constant 0 : index
        %swap3A_393 = tpu.vector_load %arg16[%swap3A_391, %swap3A_392] {strides = array<i32>} : memref<128x64xf32, #tpu.memory_space<vmem>>, vector<16xf32>,
        tpu.vector_store %arg16[%swap3A_391, %swap3A_392], %unpack3A_389 {strides = array<i32>} : memref<128x64xf32, #tpu.memory_space<vmem>>, vector<16xf32>,
        %swap3A_394 = arith.index_cast %scan3A_385 : i32 to index
        %swap3A_395 = arith.constant 16 : index
        %swap3A_396 = tpu.vector_load %arg16[%swap3A_394, %swap3A_395] {strides = array<i32>} : memref<128x64xf32, #tpu.memory_space<vmem>>, vector<16xf32>,
        tpu.vector_store %arg16[%swap3A_394, %swap3A_395], %unpack3A_390 {strides = array<i32>} : memref<128x64xf32, #tpu.memory_space<vmem>>, vector<16xf32>,
        %get3A_397 = arith.index_cast %scan3A_385 : i32 to index
        %get3A_398 = arith.constant 32 : index
        %get3A_399 = tpu.vector_load %arg12[%get3A_397, %get3A_398] {strides = array<i32>} : memref<128x64xbf16, #tpu.memory_space<vmem>>, vector<32xbf16>,
        %unpack3A_400 = tpu.unpack_subelements %get3A_399, 0 {pack_format = #tpu.pack_format<interleaved>} : vector<32xbf16> -> vector<16xf32>
        %unpack3A_401 = tpu.unpack_subelements %get3A_399, 1 {pack_format = #tpu.pack_format<interleaved>} : vector<32xbf16> -> vector<16xf32>
        %swap3A_402 = arith.index_cast %scan3A_385 : i32 to index
        %swap3A_403 = arith.constant 32 : index
        %swap3A_404 = tpu.vector_load %arg16[%swap3A_402, %swap3A_403] {strides = array<i32>} : memref<128x64xf32, #tpu.memory_space<vmem>>, vector<16xf32>,
        tpu.vector_store %arg16[%swap3A_402, %swap3A_403], %unpack3A_400 {strides = array<i32>} : memref<128x64xf32, #tpu.memory_space<vmem>>, vector<16xf32>,
        %swap3A_405 = arith.index_cast %scan3A_385 : i32 to index
        %swap3A_406 = arith.constant 48 : index
        %swap3A_407 = tpu.vector_load %arg16[%swap3A_405, %swap3A_406] {strides = array<i32>} : memref<128x64xf32, #tpu.memory_space<vmem>>, vector<16xf32>,
        tpu.vector_store %arg16[%swap3A_405, %swap3A_406], %unpack3A_401 {strides = array<i32>} : memref<128x64xf32, #tpu.memory_space<vmem>>, vector<16xf32>,
      }
      %scan3A_306 = arith.constant 128 : i32
      %dma_start3A_307 = arith.constant 3 : i32
      %dma_start3A_308 = arith.constant 0 : i32
      %dma_start3A_309 = tpu.memref_slice %arg8[%add3A_274, %dma_start3A_308] : memref<160x128xi32, #tpu.memory_space<vmem>> -> memref<1x128xi32, #tpu.memory_space<vmem>>
      %dma_start3A_310 = tpu.memref_squeeze %dma_start3A_309 : memref<1x128xi32, #tpu.memory_space<vmem>> -> memref<128xi32, #tpu.memory_space<vmem>>
      %dma_start3A_311 = arith.constant 0 : i32
      %dma_start3A_312 = arith.constant 0 : i32
      %dma_start3A_313 = tpu.memref_slice %arg19[%dma_start3A_311, %dma_start3A_312] : memref<10112x64xf32, #tpu.memory_space<vmem_shared>> -> memref<10112x64xf32, #tpu.memory_space<vmem_shared>>
      %dma_start3A_314 = tpu.memref_slice %arg18[%dma_start3A_307] : memref<4x!tpu.dma_semaphore, #tpu.memory_space<semaphore_mem>> -> memref<1x!tpu.dma_semaphore, #tpu.memory_space<semaphore_mem>>
      %dma_start3A_315 = tpu.memref_squeeze %dma_start3A_314 : memref<1x!tpu.dma_semaphore, #tpu.memory_space<semaphore_mem>> -> memref<!tpu.dma_semaphore, #tpu.memory_space<semaphore_mem>>
      tpu.enqueue_indirect_dma source(%arg16 : memref<128x64xf32, #tpu.memory_space<vmem>>) target(%dma_start3A_313 : memref<10112x64xf32, #tpu.memory_space<vmem_shared>>) offsets(%dma_start3A_310 : memref<128xi32, #tpu.memory_space<vmem>>) semaphore(%dma_start3A_315 : memref<!tpu.dma_semaphore, #tpu.memory_space<semaphore_mem>>) {add = true}
    }
    %scan3A_62 = arith.constant 40 : i32
    %dma_wait3A = arith.constant 0 : i32
    %dma_wait3A_63 = arith.constant 0 : i32
    %dma_wait3A_64 = arith.constant 0 : i32
    %dma_wait3A_65 = tpu.memref_slice %arg8[%dma_wait3A, %dma_wait3A_64] : memref<160x128xi32, #tpu.memory_space<vmem>> -> memref<1x128xi32, #tpu.memory_space<vmem>>
    %dma_wait3A_66 = tpu.memref_squeeze %dma_wait3A_65 : memref<1x128xi32, #tpu.memory_space<vmem>> -> memref<128xi32, #tpu.memory_space<vmem>>
    %dma_wait3A_67 = arith.constant 0 : i32
    %dma_wait3A_68 = arith.constant 0 : i32
    %dma_wait3A_69 = tpu.memref_slice %arg19[%dma_wait3A_67, %dma_wait3A_68] : memref<10112x64xf32, #tpu.memory_space<vmem_shared>> -> memref<10112x64xf32, #tpu.memory_space<vmem_shared>>
    %dma_wait3A_70 = tpu.memref_slice %arg18[%dma_wait3A_63] : memref<4x!tpu.dma_semaphore, #tpu.memory_space<semaphore_mem>> -> memref<1x!tpu.dma_semaphore, #tpu.memory_space<semaphore_mem>>
    %dma_wait3A_71 = tpu.memref_squeeze %dma_wait3A_70 : memref<1x!tpu.dma_semaphore, #tpu.memory_space<semaphore_mem>> -> memref<!tpu.dma_semaphore, #tpu.memory_space<semaphore_mem>>
    tpu.wait_indirect_dma semaphore(%dma_wait3A_71 : memref<!tpu.dma_semaphore, #tpu.memory_space<semaphore_mem>>) src(%arg13 : memref<128x64xf32, #tpu.memory_space<vmem>>) dst(%dma_wait3A_69 : memref<10112x64xf32, #tpu.memory_space<vmem_shared>>)
    %dma_wait3A_72 = arith.constant 0 : i32
    %dma_wait3A_73 = arith.constant 1 : i32
    %dma_wait3A_74 = arith.constant 0 : i32
    %dma_wait3A_75 = tpu.memref_slice %arg8[%dma_wait3A_72, %dma_wait3A_74] : memref<160x128xi32, #tpu.memory_space<vmem>> -> memref<1x128xi32, #tpu.memory_space<vmem>>
    %dma_wait3A_76 = tpu.memref_squeeze %dma_wait3A_75 : memref<1x128xi32, #tpu.memory_space<vmem>> -> memref<128xi32, #tpu.memory_space<vmem>>
    %dma_wait3A_77 = arith.constant 0 : i32
    %dma_wait3A_78 = arith.constant 0 : i32
    %dma_wait3A_79 = tpu.memref_slice %arg19[%dma_wait3A_77, %dma_wait3A_78] : memref<10112x64xf32, #tpu.memory_space<vmem_shared>> -> memref<10112x64xf32, #tpu.memory_space<vmem_shared>>
    %dma_wait3A_80 = tpu.memref_slice %arg18[%dma_wait3A_73] : memref<4x!tpu.dma_semaphore, #tpu.memory_space<semaphore_mem>> -> memref<1x!tpu.dma_semaphore, #tpu.memory_space<semaphore_mem>>
    %dma_wait3A_81 = tpu.memref_squeeze %dma_wait3A_80 : memref<1x!tpu.dma_semaphore, #tpu.memory_space<semaphore_mem>> -> memref<!tpu.dma_semaphore, #tpu.memory_space<semaphore_mem>>
    tpu.wait_indirect_dma semaphore(%dma_wait3A_81 : memref<!tpu.dma_semaphore, #tpu.memory_space<semaphore_mem>>) src(%arg14 : memref<128x64xf32, #tpu.memory_space<vmem>>) dst(%dma_wait3A_79 : memref<10112x64xf32, #tpu.memory_space<vmem_shared>>)
    %dma_wait3A_82 = arith.constant 0 : i32
    %dma_wait3A_83 = arith.constant 2 : i32
    %dma_wait3A_84 = arith.constant 0 : i32
    %dma_wait3A_85 = tpu.memref_slice %arg8[%dma_wait3A_82, %dma_wait3A_84] : memref<160x128xi32, #tpu.memory_space<vmem>> -> memref<1x128xi32, #tpu.memory_space<vmem>>
    %dma_wait3A_86 = tpu.memref_squeeze %dma_wait3A_85 : memref<1x128xi32, #tpu.memory_space<vmem>> -> memref<128xi32, #tpu.memory_space<vmem>>
    %dma_wait3A_87 = arith.constant 0 : i32
    %dma_wait3A_88 = arith.constant 0 : i32
    %dma_wait3A_89 = tpu.memref_slice %arg19[%dma_wait3A_87, %dma_wait3A_88] : memref<10112x64xf32, #tpu.memory_space<vmem_shared>> -> memref<10112x64xf32, #tpu.memory_space<vmem_shared>>
    %dma_wait3A_90 = tpu.memref_slice %arg18[%dma_wait3A_83] : memref<4x!tpu.dma_semaphore, #tpu.memory_space<semaphore_mem>> -> memref<1x!tpu.dma_semaphore, #tpu.memory_space<semaphore_mem>>
    %dma_wait3A_91 = tpu.memref_squeeze %dma_wait3A_90 : memref<1x!tpu.dma_semaphore, #tpu.memory_space<semaphore_mem>> -> memref<!tpu.dma_semaphore, #tpu.memory_space<semaphore_mem>>
    tpu.wait_indirect_dma semaphore(%dma_wait3A_91 : memref<!tpu.dma_semaphore, #tpu.memory_space<semaphore_mem>>) src(%arg15 : memref<128x64xf32, #tpu.memory_space<vmem>>) dst(%dma_wait3A_89 : memref<10112x64xf32, #tpu.memory_space<vmem_shared>>)
    %dma_wait3A_92 = arith.constant 0 : i32
    %dma_wait3A_93 = arith.constant 3 : i32
    %dma_wait3A_94 = arith.constant 0 : i32
    %dma_wait3A_95 = tpu.memref_slice %arg8[%dma_wait3A_92, %dma_wait3A_94] : memref<160x128xi32, #tpu.memory_space<vmem>> -> memref<1x128xi32, #tpu.memory_space<vmem>>
    %dma_wait3A_96 = tpu.memref_squeeze %dma_wait3A_95 : memref<1x128xi32, #tpu.memory_space<vmem>> -> memref<128xi32, #tpu.memory_space<vmem>>
    %dma_wait3A_97 = arith.constant 0 : i32
    %dma_wait3A_98 = arith.constant 0 : i32
    %dma_wait3A_99 = tpu.memref_slice %arg19[%dma_wait3A_97, %dma_wait3A_98] : memref<10112x64xf32, #tpu.memory_space<vmem_shared>> -> memref<10112x64xf32, #tpu.memory_space<vmem_shared>>
    %dma_wait3A_100 = tpu.memref_slice %arg18[%dma_wait3A_93] : memref<4x!tpu.dma_semaphore, #tpu.memory_space<semaphore_mem>> -> memref<1x!tpu.dma_semaphore, #tpu.memory_space<semaphore_mem>>
    %dma_wait3A_101 = tpu.memref_squeeze %dma_wait3A_100 : memref<1x!tpu.dma_semaphore, #tpu.memory_space<semaphore_mem>> -> memref<!tpu.dma_semaphore, #tpu.memory_space<semaphore_mem>>
    tpu.wait_indirect_dma semaphore(%dma_wait3A_101 : memref<!tpu.dma_semaphore, #tpu.memory_space<semaphore_mem>>) src(%arg16 : memref<128x64xf32, #tpu.memory_space<vmem>>) dst(%dma_wait3A_99 : memref<10112x64xf32, #tpu.memory_space<vmem_shared>>)
    %barrier3A_102 = arith.constant 0 : index
    tpu.barrier barrier_id(%barrier3A_102)
    %mul3A_103 = arith.constant 632 : i32
    %mul3A_104 = arith.muli %arg1, %mul3A_103 : i32
    %add3A_105 = arith.constant 0 : i32
    %add3A_106 = arith.addi %mul3A_104, %add3A_105 : i32
    "tpu.region"() ({
      %run_scoped3A = tpu.sem_alloc : memref<!tpu.dma_semaphore, #tpu.memory_space<semaphore_mem>>
      %dma_start3A_143 = arith.constant 0 : i32
      %dma_start3A_144 = tpu.memref_slice %arg19[%add3A_106, %dma_start3A_143] : memref<10112x64xf32, #tpu.memory_space<vmem_shared>> -> memref<128x64xf32, #tpu.memory_space<vmem_shared>>
      %dma_start3A_145 = arith.constant 0 : i32
      %dma_start3A_146 = tpu.memref_slice %arg19[%add3A_106, %dma_start3A_145] : memref<10112x64xf32, #tpu.memory_space<vmem_shared>> -> memref<128x64xf32, #tpu.memory_space<vmem_shared>>
      tpu.enqueue_dma source(%dma_start3A_146 : memref<128x64xf32, #tpu.memory_space<vmem_shared>>) target(%arg13 : memref<128x64xf32, #tpu.memory_space<vmem>>) target_semaphore(%run_scoped3A : memref<!tpu.dma_semaphore, #tpu.memory_space<semaphore_mem>>)
      %dma_wait3A_147 = arith.constant 0 : i32
      %dma_wait3A_148 = tpu.memref_slice %arg19[%add3A_106, %dma_wait3A_147] : memref<10112x64xf32, #tpu.memory_space<vmem_shared>> -> memref<128x64xf32, #tpu.memory_space<vmem_shared>>
      %dma_wait3A_149 = arith.constant 0 : i32
      %dma_wait3A_150 = tpu.memref_slice %arg19[%add3A_106, %dma_wait3A_149] : memref<10112x64xf32, #tpu.memory_space<vmem_shared>> -> memref<128x64xf32, #tpu.memory_space<vmem_shared>>
      tpu.wait_dma2 semaphore(%run_scoped3A : memref<!tpu.dma_semaphore, #tpu.memory_space<semaphore_mem>>) src(%dma_wait3A_150 : memref<128x64xf32, #tpu.memory_space<vmem_shared>>) dst(%arg13 : memref<128x64xf32, #tpu.memory_space<vmem>>)
      tpu.yield
    }) : () -> ()
    %mul3A_107 = arith.constant 632 : i32
    %mul3A_108 = arith.muli %arg1, %mul3A_107 : i32
    %add3A_109 = arith.constant 0 : i32
    %add3A_110 = arith.addi %mul3A_108, %add3A_109 : i32
    "tpu.region"() ({
      %run_scoped3A = tpu.sem_alloc : memref<!tpu.dma_semaphore, #tpu.memory_space<semaphore_mem>>
      %dma_start3A_143 = arith.constant 0 : i32
      %dma_start3A_144 = tpu.memref_slice %arg6[%arg0, %add3A_110, %dma_start3A_143] : memref<2x10112x64xf32, #tpu.memory_space<hbm>> -> memref<1x128x64xf32, #tpu.memory_space<hbm>>
      %dma_start3A_145 = tpu.memref_squeeze %dma_start3A_144 : memref<1x128x64xf32, #tpu.memory_space<hbm>> -> memref<128x64xf32, #tpu.memory_space<hbm>>
      %dma_start3A_146 = arith.constant 0 : i32
      %dma_start3A_147 = tpu.memref_slice %arg6[%arg0, %add3A_110, %dma_start3A_146] : memref<2x10112x64xf32, #tpu.memory_space<hbm>> -> memref<1x128x64xf32, #tpu.memory_space<hbm>>
      %dma_start3A_148 = tpu.memref_squeeze %dma_start3A_147 : memref<1x128x64xf32, #tpu.memory_space<hbm>> -> memref<128x64xf32, #tpu.memory_space<hbm>>
      tpu.enqueue_dma source(%arg13 : memref<128x64xf32, #tpu.memory_space<vmem>>) target(%dma_start3A_148 : memref<128x64xf32, #tpu.memory_space<hbm>>) target_semaphore(%run_scoped3A : memref<!tpu.dma_semaphore, #tpu.memory_space<semaphore_mem>>)
      %dma_wait3A_149 = arith.constant 0 : i32
      %dma_wait3A_150 = tpu.memref_slice %arg6[%arg0, %add3A_110, %dma_wait3A_149] : memref<2x10112x64xf32, #tpu.memory_space<hbm>> -> memref<1x128x64xf32, #tpu.memory_space<hbm>>
      %dma_wait3A_151 = tpu.memref_squeeze %dma_wait3A_150 : memref<1x128x64xf32, #tpu.memory_space<hbm>> -> memref<128x64xf32, #tpu.memory_space<hbm>>
      %dma_wait3A_152 = arith.constant 0 : i32
      %dma_wait3A_153 = tpu.memref_slice %arg6[%arg0, %add3A_110, %dma_wait3A_152] : memref<2x10112x64xf32, #tpu.memory_space<hbm>> -> memref<1x128x64xf32, #tpu.memory_space<hbm>>
      %dma_wait3A_154 = tpu.memref_squeeze %dma_wait3A_153 : memref<1x128x64xf32, #tpu.memory_space<hbm>> -> memref<128x64xf32, #tpu.memory_space<hbm>>
      tpu.wait_dma2 semaphore(%run_scoped3A : memref<!tpu.dma_semaphore, #tpu.memory_space<semaphore_mem>>) src(%arg13 : memref<128x64xf32, #tpu.memory_space<vmem>>) dst(%dma_wait3A_154 : memref<128x64xf32, #tpu.memory_space<hbm>>)
      tpu.yield
    }) : () -> ()
    %mul3A_111 = arith.constant 632 : i32
    %mul3A_112 = arith.muli %arg1, %mul3A_111 : i32
    %add3A_113 = arith.constant 128 : i32
    %add3A_114 = arith.addi %mul3A_112, %add3A_113 : i32
    "tpu.region"() ({
      %run_scoped3A = tpu.sem_alloc : memref<!tpu.dma_semaphore, #tpu.memory_space<semaphore_mem>>
      %dma_start3A_143 = arith.constant 0 : i32
      %dma_start3A_144 = tpu.memref_slice %arg19[%add3A_114, %dma_start3A_143] : memref<10112x64xf32, #tpu.memory_space<vmem_shared>> -> memref<128x64xf32, #tpu.memory_space<vmem_shared>>
      %dma_start3A_145 = arith.constant 0 : i32
      %dma_start3A_146 = tpu.memref_slice %arg19[%add3A_114, %dma_start3A_145] : memref<10112x64xf32, #tpu.memory_space<vmem_shared>> -> memref<128x64xf32, #tpu.memory_space<vmem_shared>>
      tpu.enqueue_dma source(%dma_start3A_146 : memref<128x64xf32, #tpu.memory_space<vmem_shared>>) target(%arg13 : memref<128x64xf32, #tpu.memory_space<vmem>>) target_semaphore(%run_scoped3A : memref<!tpu.dma_semaphore, #tpu.memory_space<semaphore_mem>>)
      %dma_wait3A_147 = arith.constant 0 : i32
      %dma_wait3A_148 = tpu.memref_slice %arg19[%add3A_114, %dma_wait3A_147] : memref<10112x64xf32, #tpu.memory_space<vmem_shared>> -> memref<128x64xf32, #tpu.memory_space<vmem_shared>>
      %dma_wait3A_149 = arith.constant 0 : i32
      %dma_wait3A_150 = tpu.memref_slice %arg19[%add3A_114, %dma_wait3A_149] : memref<10112x64xf32, #tpu.memory_space<vmem_shared>> -> memref<128x64xf32, #tpu.memory_space<vmem_shared>>
      tpu.wait_dma2 semaphore(%run_scoped3A : memref<!tpu.dma_semaphore, #tpu.memory_space<semaphore_mem>>) src(%dma_wait3A_150 : memref<128x64xf32, #tpu.memory_space<vmem_shared>>) dst(%arg13 : memref<128x64xf32, #tpu.memory_space<vmem>>)
      tpu.yield
    }) : () -> ()
    %mul3A_115 = arith.constant 632 : i32
    %mul3A_116 = arith.muli %arg1, %mul3A_115 : i32
    %add3A_117 = arith.constant 128 : i32
    %add3A_118 = arith.addi %mul3A_116, %add3A_117 : i32
    "tpu.region"() ({
      %run_scoped3A = tpu.sem_alloc : memref<!tpu.dma_semaphore, #tpu.memory_space<semaphore_mem>>
      %dma_start3A_143 = arith.constant 0 : i32
      %dma_start3A_144 = tpu.memref_slice %arg6[%arg0, %add3A_118, %dma_start3A_143] : memref<2x10112x64xf32, #tpu.memory_space<hbm>> -> memref<1x128x64xf32, #tpu.memory_space<hbm>>
      %dma_start3A_145 = tpu.memref_squeeze %dma_start3A_144 : memref<1x128x64xf32, #tpu.memory_space<hbm>> -> memref<128x64xf32, #tpu.memory_space<hbm>>
      %dma_start3A_146 = arith.constant 0 : i32
      %dma_start3A_147 = tpu.memref_slice %arg6[%arg0, %add3A_118, %dma_start3A_146] : memref<2x10112x64xf32, #tpu.memory_space<hbm>> -> memref<1x128x64xf32, #tpu.memory_space<hbm>>
      %dma_start3A_148 = tpu.memref_squeeze %dma_start3A_147 : memref<1x128x64xf32, #tpu.memory_space<hbm>> -> memref<128x64xf32, #tpu.memory_space<hbm>>
      tpu.enqueue_dma source(%arg13 : memref<128x64xf32, #tpu.memory_space<vmem>>) target(%dma_start3A_148 : memref<128x64xf32, #tpu.memory_space<hbm>>) target_semaphore(%run_scoped3A : memref<!tpu.dma_semaphore, #tpu.memory_space<semaphore_mem>>)
      %dma_wait3A_149 = arith.constant 0 : i32
      %dma_wait3A_150 = tpu.memref_slice %arg6[%arg0, %add3A_118, %dma_wait3A_149] : memref<2x10112x64xf32, #tpu.memory_space<hbm>> -> memref<1x128x64xf32, #tpu.memory_space<hbm>>
      %dma_wait3A_151 = tpu.memref_squeeze %dma_wait3A_150 : memref<1x128x64xf32, #tpu.memory_space<hbm>> -> memref<128x64xf32, #tpu.memory_space<hbm>>
      %dma_wait3A_152 = arith.constant 0 : i32
      %dma_wait3A_153 = tpu.memref_slice %arg6[%arg0, %add3A_118, %dma_wait3A_152] : memref<2x10112x64xf32, #tpu.memory_space<hbm>> -> memref<1x128x64xf32, #tpu.memory_space<hbm>>
      %dma_wait3A_154 = tpu.memref_squeeze %dma_wait3A_153 : memref<1x128x64xf32, #tpu.memory_space<hbm>> -> memref<128x64xf32, #tpu.memory_space<hbm>>
      tpu.wait_dma2 semaphore(%run_scoped3A : memref<!tpu.dma_semaphore, #tpu.memory_space<semaphore_mem>>) src(%arg13 : memref<128x64xf32, #tpu.memory_space<vmem>>) dst(%dma_wait3A_154 : memref<128x64xf32, #tpu.memory_space<hbm>>)
      tpu.yield
    }) : () -> ()
    %mul3A_119 = arith.constant 632 : i32
    %mul3A_120 = arith.muli %arg1, %mul3A_119 : i32
    %add3A_121 = arith.constant 256 : i32
    %add3A_122 = arith.addi %mul3A_120, %add3A_121 : i32
    "tpu.region"() ({
      %run_scoped3A = tpu.sem_alloc : memref<!tpu.dma_semaphore, #tpu.memory_space<semaphore_mem>>
      %dma_start3A_143 = arith.constant 0 : i32
      %dma_start3A_144 = tpu.memref_slice %arg19[%add3A_122, %dma_start3A_143] : memref<10112x64xf32, #tpu.memory_space<vmem_shared>> -> memref<128x64xf32, #tpu.memory_space<vmem_shared>>
      %dma_start3A_145 = arith.constant 0 : i32
      %dma_start3A_146 = tpu.memref_slice %arg19[%add3A_122, %dma_start3A_145] : memref<10112x64xf32, #tpu.memory_space<vmem_shared>> -> memref<128x64xf32, #tpu.memory_space<vmem_shared>>
      tpu.enqueue_dma source(%dma_start3A_146 : memref<128x64xf32, #tpu.memory_space<vmem_shared>>) target(%arg13 : memref<128x64xf32, #tpu.memory_space<vmem>>) target_semaphore(%run_scoped3A : memref<!tpu.dma_semaphore, #tpu.memory_space<semaphore_mem>>)
      %dma_wait3A_147 = arith.constant 0 : i32
      %dma_wait3A_148 = tpu.memref_slice %arg19[%add3A_122, %dma_wait3A_147] : memref<10112x64xf32, #tpu.memory_space<vmem_shared>> -> memref<128x64xf32, #tpu.memory_space<vmem_shared>>
      %dma_wait3A_149 = arith.constant 0 : i32
      %dma_wait3A_150 = tpu.memref_slice %arg19[%add3A_122, %dma_wait3A_149] : memref<10112x64xf32, #tpu.memory_space<vmem_shared>> -> memref<128x64xf32, #tpu.memory_space<vmem_shared>>
      tpu.wait_dma2 semaphore(%run_scoped3A : memref<!tpu.dma_semaphore, #tpu.memory_space<semaphore_mem>>) src(%dma_wait3A_150 : memref<128x64xf32, #tpu.memory_space<vmem_shared>>) dst(%arg13 : memref<128x64xf32, #tpu.memory_space<vmem>>)
      tpu.yield
    }) : () -> ()
    %mul3A_123 = arith.constant 632 : i32
    %mul3A_124 = arith.muli %arg1, %mul3A_123 : i32
    %add3A_125 = arith.constant 256 : i32
    %add3A_126 = arith.addi %mul3A_124, %add3A_125 : i32
    "tpu.region"() ({
      %run_scoped3A = tpu.sem_alloc : memref<!tpu.dma_semaphore, #tpu.memory_space<semaphore_mem>>
      %dma_start3A_143 = arith.constant 0 : i32
      %dma_start3A_144 = tpu.memref_slice %arg6[%arg0, %add3A_126, %dma_start3A_143] : memref<2x10112x64xf32, #tpu.memory_space<hbm>> -> memref<1x128x64xf32, #tpu.memory_space<hbm>>
      %dma_start3A_145 = tpu.memref_squeeze %dma_start3A_144 : memref<1x128x64xf32, #tpu.memory_space<hbm>> -> memref<128x64xf32, #tpu.memory_space<hbm>>
      %dma_start3A_146 = arith.constant 0 : i32
      %dma_start3A_147 = tpu.memref_slice %arg6[%arg0, %add3A_126, %dma_start3A_146] : memref<2x10112x64xf32, #tpu.memory_space<hbm>> -> memref<1x128x64xf32, #tpu.memory_space<hbm>>
      %dma_start3A_148 = tpu.memref_squeeze %dma_start3A_147 : memref<1x128x64xf32, #tpu.memory_space<hbm>> -> memref<128x64xf32, #tpu.memory_space<hbm>>
      tpu.enqueue_dma source(%arg13 : memref<128x64xf32, #tpu.memory_space<vmem>>) target(%dma_start3A_148 : memref<128x64xf32, #tpu.memory_space<hbm>>) target_semaphore(%run_scoped3A : memref<!tpu.dma_semaphore, #tpu.memory_space<semaphore_mem>>)
      %dma_wait3A_149 = arith.constant 0 : i32
      %dma_wait3A_150 = tpu.memref_slice %arg6[%arg0, %add3A_126, %dma_wait3A_149] : memref<2x10112x64xf32, #tpu.memory_space<hbm>> -> memref<1x128x64xf32, #tpu.memory_space<hbm>>
      %dma_wait3A_151 = tpu.memref_squeeze %dma_wait3A_150 : memref<1x128x64xf32, #tpu.memory_space<hbm>> -> memref<128x64xf32, #tpu.memory_space<hbm>>
      %dma_wait3A_152 = arith.constant 0 : i32
      %dma_wait3A_153 = tpu.memref_slice %arg6[%arg0, %add3A_126, %dma_wait3A_152] : memref<2x10112x64xf32, #tpu.memory_space<hbm>> -> memref<1x128x64xf32, #tpu.memory_space<hbm>>
      %dma_wait3A_154 = tpu.memref_squeeze %dma_wait3A_153 : memref<1x128x64xf32, #tpu.memory_space<hbm>> -> memref<128x64xf32, #tpu.memory_space<hbm>>
      tpu.wait_dma2 semaphore(%run_scoped3A : memref<!tpu.dma_semaphore, #tpu.memory_space<semaphore_mem>>) src(%arg13 : memref<128x64xf32, #tpu.memory_space<vmem>>) dst(%dma_wait3A_154 : memref<128x64xf32, #tpu.memory_space<hbm>>)
      tpu.yield
    }) : () -> ()
    %mul3A_127 = arith.constant 632 : i32
    %mul3A_128 = arith.muli %arg1, %mul3A_127 : i32
    %add3A_129 = arith.constant 384 : i32
    %add3A_130 = arith.addi %mul3A_128, %add3A_129 : i32
    "tpu.region"() ({
      %run_scoped3A = tpu.sem_alloc : memref<!tpu.dma_semaphore, #tpu.memory_space<semaphore_mem>>
      %dma_start3A_143 = arith.constant 0 : i32
      %dma_start3A_144 = tpu.memref_slice %arg19[%add3A_130, %dma_start3A_143] : memref<10112x64xf32, #tpu.memory_space<vmem_shared>> -> memref<128x64xf32, #tpu.memory_space<vmem_shared>>
      %dma_start3A_145 = arith.constant 0 : i32
      %dma_start3A_146 = tpu.memref_slice %arg19[%add3A_130, %dma_start3A_145] : memref<10112x64xf32, #tpu.memory_space<vmem_shared>> -> memref<128x64xf32, #tpu.memory_space<vmem_shared>>
      tpu.enqueue_dma source(%dma_start3A_146 : memref<128x64xf32, #tpu.memory_space<vmem_shared>>) target(%arg13 : memref<128x64xf32, #tpu.memory_space<vmem>>) target_semaphore(%run_scoped3A : memref<!tpu.dma_semaphore, #tpu.memory_space<semaphore_mem>>)
      %dma_wait3A_147 = arith.constant 0 : i32
      %dma_wait3A_148 = tpu.memref_slice %arg19[%add3A_130, %dma_wait3A_147] : memref<10112x64xf32, #tpu.memory_space<vmem_shared>> -> memref<128x64xf32, #tpu.memory_space<vmem_shared>>
      %dma_wait3A_149 = arith.constant 0 : i32
      %dma_wait3A_150 = tpu.memref_slice %arg19[%add3A_130, %dma_wait3A_149] : memref<10112x64xf32, #tpu.memory_space<vmem_shared>> -> memref<128x64xf32, #tpu.memory_space<vmem_shared>>
      tpu.wait_dma2 semaphore(%run_scoped3A : memref<!tpu.dma_semaphore, #tpu.memory_space<semaphore_mem>>) src(%dma_wait3A_150 : memref<128x64xf32, #tpu.memory_space<vmem_shared>>) dst(%arg13 : memref<128x64xf32, #tpu.memory_space<vmem>>)
      tpu.yield
    }) : () -> ()
    %mul3A_131 = arith.constant 632 : i32
    %mul3A_132 = arith.muli %arg1, %mul3A_131 : i32
    %add3A_133 = arith.constant 384 : i32
    %add3A_134 = arith.addi %mul3A_132, %add3A_133 : i32
    "tpu.region"() ({
      %run_scoped3A = tpu.sem_alloc : memref<!tpu.dma_semaphore, #tpu.memory_space<semaphore_mem>>
      %dma_start3A_143 = arith.constant 0 : i32
      %dma_start3A_144 = tpu.memref_slice %arg6[%arg0, %add3A_134, %dma_start3A_143] : memref<2x10112x64xf32, #tpu.memory_space<hbm>> -> memref<1x128x64xf32, #tpu.memory_space<hbm>>
      %dma_start3A_145 = tpu.memref_squeeze %dma_start3A_144 : memref<1x128x64xf32, #tpu.memory_space<hbm>> -> memref<128x64xf32, #tpu.memory_space<hbm>>
      %dma_start3A_146 = arith.constant 0 : i32
      %dma_start3A_147 = tpu.memref_slice %arg6[%arg0, %add3A_134, %dma_start3A_146] : memref<2x10112x64xf32, #tpu.memory_space<hbm>> -> memref<1x128x64xf32, #tpu.memory_space<hbm>>
      %dma_start3A_148 = tpu.memref_squeeze %dma_start3A_147 : memref<1x128x64xf32, #tpu.memory_space<hbm>> -> memref<128x64xf32, #tpu.memory_space<hbm>>
      tpu.enqueue_dma source(%arg13 : memref<128x64xf32, #tpu.memory_space<vmem>>) target(%dma_start3A_148 : memref<128x64xf32, #tpu.memory_space<hbm>>) target_semaphore(%run_scoped3A : memref<!tpu.dma_semaphore, #tpu.memory_space<semaphore_mem>>)
      %dma_wait3A_149 = arith.constant 0 : i32
      %dma_wait3A_150 = tpu.memref_slice %arg6[%arg0, %add3A_134, %dma_wait3A_149] : memref<2x10112x64xf32, #tpu.memory_space<hbm>> -> memref<1x128x64xf32, #tpu.memory_space<hbm>>
      %dma_wait3A_151 = tpu.memref_squeeze %dma_wait3A_150 : memref<1x128x64xf32, #tpu.memory_space<hbm>> -> memref<128x64xf32, #tpu.memory_space<hbm>>
      %dma_wait3A_152 = arith.constant 0 : i32
      %dma_wait3A_153 = tpu.memref_slice %arg6[%arg0, %add3A_134, %dma_wait3A_152] : memref<2x10112x64xf32, #tpu.memory_space<hbm>> -> memref<1x128x64xf32, #tpu.memory_space<hbm>>
      %dma_wait3A_154 = tpu.memref_squeeze %dma_wait3A_153 : memref<1x128x64xf32, #tpu.memory_space<hbm>> -> memref<128x64xf32, #tpu.memory_space<hbm>>
      tpu.wait_dma2 semaphore(%run_scoped3A : memref<!tpu.dma_semaphore, #tpu.memory_space<semaphore_mem>>) src(%arg13 : memref<128x64xf32, #tpu.memory_space<vmem>>) dst(%dma_wait3A_154 : memref<128x64xf32, #tpu.memory_space<hbm>>)
      tpu.yield
    }) : () -> ()
    %mul3A_135 = arith.constant 632 : i32
    %mul3A_136 = arith.muli %arg1, %mul3A_135 : i32
    %add3A_137 = arith.constant 512 : i32
    %add3A_138 = arith.addi %mul3A_136, %add3A_137 : i32
    "tpu.region"() ({
      %run_scoped3A = tpu.sem_alloc : memref<!tpu.dma_semaphore, #tpu.memory_space<semaphore_mem>>
      %dma_start3A_143 = arith.constant 0 : i32
      %dma_start3A_144 = arith.constant 0 : i32
      %dma_start3A_145 = tpu.memref_slice %arg13[%dma_start3A_143, %dma_start3A_144] : memref<128x64xf32, #tpu.memory_space<vmem>> -> memref<120x64xf32, #tpu.memory_space<vmem>>
      %dma_start3A_146 = arith.constant 0 : i32
      %dma_start3A_147 = tpu.memref_slice %arg19[%add3A_138, %dma_start3A_146] : memref<10112x64xf32, #tpu.memory_space<vmem_shared>> -> memref<120x64xf32, #tpu.memory_space<vmem_shared>>
      %dma_start3A_148 = arith.constant 0 : i32
      %dma_start3A_149 = arith.constant 0 : i32
      %dma_start3A_150 = tpu.memref_slice %arg13[%dma_start3A_148, %dma_start3A_149] : memref<128x64xf32, #tpu.memory_space<vmem>> -> memref<120x64xf32, #tpu.memory_space<vmem>>
      %dma_start3A_151 = arith.constant 0 : i32
      %dma_start3A_152 = tpu.memref_slice %arg19[%add3A_138, %dma_start3A_151] : memref<10112x64xf32, #tpu.memory_space<vmem_shared>> -> memref<120x64xf32, #tpu.memory_space<vmem_shared>>
      tpu.enqueue_dma source(%dma_start3A_152 : memref<120x64xf32, #tpu.memory_space<vmem_shared>>) target(%dma_start3A_150 : memref<120x64xf32, #tpu.memory_space<vmem>>) target_semaphore(%run_scoped3A : memref<!tpu.dma_semaphore, #tpu.memory_space<semaphore_mem>>)
      %dma_wait3A_153 = arith.constant 0 : i32
      %dma_wait3A_154 = arith.constant 0 : i32
      %dma_wait3A_155 = tpu.memref_slice %arg13[%dma_wait3A_153, %dma_wait3A_154] : memref<128x64xf32, #tpu.memory_space<vmem>> -> memref<120x64xf32, #tpu.memory_space<vmem>>
      %dma_wait3A_156 = arith.constant 0 : i32
      %dma_wait3A_157 = tpu.memref_slice %arg19[%add3A_138, %dma_wait3A_156] : memref<10112x64xf32, #tpu.memory_space<vmem_shared>> -> memref<120x64xf32, #tpu.memory_space<vmem_shared>>
      %dma_wait3A_158 = arith.constant 0 : i32
      %dma_wait3A_159 = arith.constant 0 : i32
      %dma_wait3A_160 = tpu.memref_slice %arg13[%dma_wait3A_158, %dma_wait3A_159] : memref<128x64xf32, #tpu.memory_space<vmem>> -> memref<120x64xf32, #tpu.memory_space<vmem>>
      %dma_wait3A_161 = arith.constant 0 : i32
      %dma_wait3A_162 = tpu.memref_slice %arg19[%add3A_138, %dma_wait3A_161] : memref<10112x64xf32, #tpu.memory_space<vmem_shared>> -> memref<120x64xf32, #tpu.memory_space<vmem_shared>>
      tpu.wait_dma2 semaphore(%run_scoped3A : memref<!tpu.dma_semaphore, #tpu.memory_space<semaphore_mem>>) src(%dma_wait3A_162 : memref<120x64xf32, #tpu.memory_space<vmem_shared>>) dst(%dma_wait3A_160 : memref<120x64xf32, #tpu.memory_space<vmem>>)
      tpu.yield
    }) : () -> ()
    %mul3A_139 = arith.constant 632 : i32
    %mul3A_140 = arith.muli %arg1, %mul3A_139 : i32
    %add3A_141 = arith.constant 512 : i32
    %add3A_142 = arith.addi %mul3A_140, %add3A_141 : i32
    "tpu.region"() ({
      %run_scoped3A = tpu.sem_alloc : memref<!tpu.dma_semaphore, #tpu.memory_space<semaphore_mem>>
      %dma_start3A_143 = arith.constant 0 : i32
      %dma_start3A_144 = arith.constant 0 : i32
      %dma_start3A_145 = tpu.memref_slice %arg13[%dma_start3A_143, %dma_start3A_144] : memref<128x64xf32, #tpu.memory_space<vmem>> -> memref<120x64xf32, #tpu.memory_space<vmem>>
      %dma_start3A_146 = arith.constant 0 : i32
      %dma_start3A_147 = tpu.memref_slice %arg6[%arg0, %add3A_142, %dma_start3A_146] : memref<2x10112x64xf32, #tpu.memory_space<hbm>> -> memref<1x120x64xf32, #tpu.memory_space<hbm>>
      %dma_start3A_148 = tpu.memref_squeeze %dma_start3A_147 : memref<1x120x64xf32, #tpu.memory_space<hbm>> -> memref<120x64xf32, #tpu.memory_space<hbm>>
      %dma_start3A_149 = arith.constant 0 : i32
      %dma_start3A_150 = tpu.memref_slice %arg6[%arg0, %add3A_142, %dma_start3A_149] : memref<2x10112x64xf32, #tpu.memory_space<hbm>> -> memref<1x120x64xf32, #tpu.memory_space<hbm>>
      %dma_start3A_151 = tpu.memref_squeeze %dma_start3A_150 : memref<1x120x64xf32, #tpu.memory_space<hbm>> -> memref<120x64xf32, #tpu.memory_space<hbm>>
      %dma_start3A_152 = arith.constant 0 : i32
      %dma_start3A_153 = arith.constant 0 : i32
      %dma_start3A_154 = tpu.memref_slice %arg13[%dma_start3A_152, %dma_start3A_153] : memref<128x64xf32, #tpu.memory_space<vmem>> -> memref<120x64xf32, #tpu.memory_space<vmem>>
      tpu.enqueue_dma source(%dma_start3A_154 : memref<120x64xf32, #tpu.memory_space<vmem>>) target(%dma_start3A_151 : memref<120x64xf32, #tpu.memory_space<hbm>>) target_semaphore(%run_scoped3A : memref<!tpu.dma_semaphore, #tpu.memory_space<semaphore_mem>>)
      %dma_wait3A_155 = arith.constant 0 : i32
      %dma_wait3A_156 = arith.constant 0 : i32
      %dma_wait3A_157 = tpu.memref_slice %arg13[%dma_wait3A_155, %dma_wait3A_156] : memref<128x64xf32, #tpu.memory_space<vmem>> -> memref<120x64xf32, #tpu.memory_space<vmem>>
      %dma_wait3A_158 = arith.constant 0 : i32
      %dma_wait3A_159 = tpu.memref_slice %arg6[%arg0, %add3A_142, %dma_wait3A_158] : memref<2x10112x64xf32, #tpu.memory_space<hbm>> -> memref<1x120x64xf32, #tpu.memory_space<hbm>>
      %dma_wait3A_160 = tpu.memref_squeeze %dma_wait3A_159 : memref<1x120x64xf32, #tpu.memory_space<hbm>> -> memref<120x64xf32, #tpu.memory_space<hbm>>
      %dma_wait3A_161 = arith.constant 0 : i32
      %dma_wait3A_162 = tpu.memref_slice %arg6[%arg0, %add3A_142, %dma_wait3A_161] : memref<2x10112x64xf32, #tpu.memory_space<hbm>> -> memref<1x120x64xf32, #tpu.memory_space<hbm>>
      %dma_wait3A_163 = tpu.memref_squeeze %dma_wait3A_162 : memref<1x120x64xf32, #tpu.memory_space<hbm>> -> memref<120x64xf32, #tpu.memory_space<hbm>>
      %dma_wait3A_164 = arith.constant 0 : i32
      %dma_wait3A_165 = arith.constant 0 : i32
      %dma_wait3A_166 = tpu.memref_slice %arg13[%dma_wait3A_164, %dma_wait3A_165] : memref<128x64xf32, #tpu.memory_space<vmem>> -> memref<120x64xf32, #tpu.memory_space<vmem>>
      tpu.wait_dma2 semaphore(%run_scoped3A : memref<!tpu.dma_semaphore, #tpu.memory_space<semaphore_mem>>) src(%dma_wait3A_166 : memref<120x64xf32, #tpu.memory_space<vmem>>) dst(%dma_wait3A_163 : memref<120x64xf32, #tpu.memory_space<hbm>>)
      tpu.yield
    }) : () -> ()
    return
  }
}

module attributes {stable_mosaic.version = 14 : i64} {
  func.func @mm_body(%arg0: i32, %arg1: i32, %arg2: memref<1264x128xf32, #tpu.memory_space<vmem>>, %arg3: memref<1x128x64xf32, #tpu.memory_space<vmem>>, %arg4: memref<1264x1xf32, #tpu.memory_space<vmem>>, %arg5: memref<1x1264x64xf32, #tpu.memory_space<vmem>>, %arg6: memref<1x1264x64xbf16, #tpu.memory_space<vmem>>, %arg7: memref<1264x1xf32, #tpu.memory_space<vmem>>) attributes {dimension_semantics = [#tpu.dimension_semantics<arbitrary>, #tpu.dimension_semantics<arbitrary>], iteration_bounds = array<i64: 8, 2>, scalar_prefetch = 0 : i64, scratch_operands = 0 : i64, tpu.core_type = #tpu.core_type<tc>, window_params = [{transform_indices = @transform_0, window_bounds = array<i64: 1264, 128>}, {transform_indices = @transform_1, window_bounds = array<i64: 1, 128, 64>}, {transform_indices = @transform_2, window_bounds = array<i64: 1264, 1>}, {transform_indices = @transform_3, window_bounds = array<i64: 1, 1264, 64>}, {transform_indices = @transform_4, window_bounds = array<i64: 1, 1264, 64>}, {transform_indices = @transform_5, window_bounds = array<i64: 1264, 1>}]} {
    %get3A = arith.constant 0 : index
    %get3A_0 = arith.constant 0 : index
    %get3A_1 = vector.load %arg4[%get3A, %get3A_0] : memref<1264x1xf32, #tpu.memory_space<vmem>>, vector<1264x1xf32>
    %add3A = arith.constant 1.000000e+00 : f32
    %add3A_2 = vector.broadcast %add3A : f32 to vector<1264x1xf32>
    %add3A_3 = arith.addf %get3A_1, %add3A_2 : vector<1264x1xf32>
    %rsqrt3A = math.rsqrt %add3A_3 : vector<1264x1xf32>
    %swap3A = arith.constant 0 : index
    %swap3A_4 = arith.constant 0 : index
    %swap3A_5 = vector.load %arg7[%swap3A, %swap3A_4] : memref<1264x1xf32, #tpu.memory_space<vmem>>, vector<1264x1xf32>
    tpu.vector_store %arg7[%swap3A, %swap3A_4], %rsqrt3A {strides = array<i32>} : memref<1264x1xf32, #tpu.memory_space<vmem>>, vector<1264x1xf32>,
    %get3A_6 = arith.constant 0 : index
    %get3A_7 = arith.constant 0 : index
    %get3A_8 = vector.load %arg2[%get3A_6, %get3A_7] : memref<1264x128xf32, #tpu.memory_space<vmem>>, vector<1264x128xf32>
    %jit3A = arith.constant 0.000000e+00 : f32
    %ne3A = arith.cmpf one, %get3A_8, %get3A_8 : vector<1264x128xf32>
    %broadcast_in_dim3A = vector.broadcast %jit3A : f32 to vector<1264x128xf32>
    %select_n3A = arith.select %ne3A, %broadcast_in_dim3A, %get3A_8 : vector<1264x128xi1>, vector<1264x128xf32>
    %eq3A = arith.constant 0x7F800000 : f32
    %eq3A_9 = vector.broadcast %eq3A : f32 to vector<1264x128xf32>
    %eq3A_10 = arith.cmpf oeq, %select_n3A, %eq3A_9 : vector<1264x128xf32>
    %jit3A_11 = arith.constant 3.40282347E+38 : f32
    %broadcast_in_dim3A_12 = vector.broadcast %jit3A_11 : f32 to vector<1264x128xf32>
    %select_n3A_13 = arith.select %eq3A_10, %broadcast_in_dim3A_12, %select_n3A : vector<1264x128xi1>, vector<1264x128xf32>
    %eq3A_14 = arith.constant 0xFF800000 : f32
    %eq3A_15 = vector.broadcast %eq3A_14 : f32 to vector<1264x128xf32>
    %eq3A_16 = arith.cmpf oeq, %select_n3A_13, %eq3A_15 : vector<1264x128xf32>
    %jit3A_17 = arith.constant -3.40282347E+38 : f32
    %broadcast_in_dim3A_18 = vector.broadcast %jit3A_17 : f32 to vector<1264x128xf32>
    %select_n3A_19 = arith.select %eq3A_16, %broadcast_in_dim3A_18, %select_n3A_13 : vector<1264x128xi1>, vector<1264x128xf32>
    %get3A_20 = arith.constant 0 : index
    %get3A_21 = arith.constant 0 : index
    %get3A_22 = arith.constant 0 : index
    %get3A_23 = vector.load %arg3[%get3A_20, %get3A_21, %get3A_22] : memref<1x128x64xf32, #tpu.memory_space<vmem>>, vector<1x128x64xf32>
    %get3A_24 = vector.shape_cast %get3A_23 : vector<1x128x64xf32> to vector<128x64xf32>
    %dot_general3A = arith.constant dense<0.000000e+00> : vector<1264x64xf32>
    %dot_general3A_25 = tpu.matmul %select_n3A_19, %get3A_24, %dot_general3A {dimension_numbers = #tpu.dot_dimension_numbers<[1], [0], [0], [1], [0, 0, 1, 1], [], []>, transpose_lhs_hint = false} : vector<1264x128xf32>, vector<128x64xf32>, vector<1264x64xf32> -> vector<1264x64xf32>
    %mul3A = vector.broadcast %rsqrt3A : vector<1264x1xf32> to vector<1264x64xf32>
    %mul3A_26 = arith.mulf %dot_general3A_25, %mul3A : vector<1264x64xf32>
    %swap3A_27 = arith.constant 0 : index
    %swap3A_28 = arith.constant 0 : index
    %swap3A_29 = arith.constant 0 : index
    %swap3A_30 = vector.load %arg5[%swap3A_27, %swap3A_28, %swap3A_29] : memref<1x1264x64xf32, #tpu.memory_space<vmem>>, vector<1x1264x64xf32>
    %swap3A_31 = vector.shape_cast %swap3A_30 : vector<1x1264x64xf32> to vector<1264x64xf32>
    %swap3A_32 = vector.shape_cast %mul3A_26 : vector<1264x64xf32> to vector<1x1264x64xf32>
    tpu.vector_store %arg5[%swap3A_27, %swap3A_28, %swap3A_29], %swap3A_32 {strides = array<i32>} : memref<1x1264x64xf32, #tpu.memory_space<vmem>>, vector<1x1264x64xf32>,
    %convert_element_type3A = arith.truncf %mul3A_26 : vector<1264x64xf32> to vector<1264x64xbf16>
    %swap3A_33 = arith.constant 0 : index
    %swap3A_34 = arith.constant 0 : index
    %swap3A_35 = arith.constant 0 : index
    %swap3A_36 = vector.load %arg6[%swap3A_33, %swap3A_34, %swap3A_35] : memref<1x1264x64xbf16, #tpu.memory_space<vmem>>, vector<1x1264x64xbf16>
    %swap3A_37 = vector.shape_cast %swap3A_36 : vector<1x1264x64xbf16> to vector<1264x64xbf16>
    %swap3A_38 = vector.shape_cast %convert_element_type3A : vector<1264x64xbf16> to vector<1x1264x64xbf16>
    tpu.vector_store %arg6[%swap3A_33, %swap3A_34, %swap3A_35], %swap3A_38 {strides = array<i32>} : memref<1x1264x64xbf16, #tpu.memory_space<vmem>>, vector<1x1264x64xbf16>,
    return
  }
  func.func @transform_0(%arg0: i32, %arg1: i32) -> (i32, i32) {
    %c0_i32 = arith.constant 0 : i32
    %c0_i32_0 = arith.constant 0 : i32
    return %arg0, %c0_i32 : i32, i32
  }
  func.func @transform_1(%arg0: i32, %arg1: i32) -> (i32, i32, i32) {
    %c0_i32 = arith.constant 0 : i32
    %c0_i32_0 = arith.constant 0 : i32
    %c0_i32_1 = arith.constant 0 : i32
    return %arg1, %c0_i32, %c0_i32_0 : i32, i32, i32
  }
  func.func @transform_2(%arg0: i32, %arg1: i32) -> (i32, i32) {
    %c0_i32 = arith.constant 0 : i32
    %c0_i32_0 = arith.constant 0 : i32
    return %arg0, %c0_i32 : i32, i32
  }
  func.func @transform_3(%arg0: i32, %arg1: i32) -> (i32, i32, i32) {
    %c0_i32 = arith.constant 0 : i32
    %c0_i32_0 = arith.constant 0 : i32
    return %arg1, %arg0, %c0_i32 : i32, i32, i32
  }
  func.func @transform_4(%arg0: i32, %arg1: i32) -> (i32, i32, i32) {
    %c0_i32 = arith.constant 0 : i32
    %c0_i32_0 = arith.constant 0 : i32
    return %arg1, %arg0, %c0_i32 : i32, i32, i32
  }
  func.func @transform_5(%arg0: i32, %arg1: i32) -> (i32, i32) {
    %c0_i32 = arith.constant 0 : i32
    %c0_i32_0 = arith.constant 0 : i32
    return %arg0, %c0_i32 : i32, i32
  }
}

module attributes {stable_mosaic.version = 14 : i64} {
  func.func @fin_body(%arg0: memref<2x10112x64xf32, #tpu.memory_space<vmem>>, %arg1: memref<2x10112x64xf32, #tpu.memory_space<vmem>>, %arg2: memref<10112x1xf32, #tpu.memory_space<vmem>>, %arg3: memref<10000x128xf32, #tpu.memory_space<vmem>>, %arg4: memref<1x128xf32, #tpu.memory_space<vmem>>, %arg5: memref<1x128xf32, #tpu.memory_space<vmem>>, %arg6: memref<1x128xf32, #tpu.memory_space<vmem>>, %arg7: memref<10000x128xf32, #tpu.memory_space<vmem>>) attributes {dimension_semantics = [], scalar_prefetch = 0 : i64, scratch_operands = 0 : i64, tpu.core_type = #tpu.core_type<tc>} {
    %get3A = arith.constant 0 : index
    %get3A_0 = arith.constant 0 : index
    %get3A_1 = arith.constant 0 : index
    %get3A_2 = vector.load %arg0[%get3A, %get3A_0, %get3A_1] : memref<2x10112x64xf32, #tpu.memory_space<vmem>>, vector<1x10000x64xf32>
    %get3A_3 = vector.shape_cast %get3A_2 : vector<1x10000x64xf32> to vector<10000x64xf32>
    %get3A_4 = arith.constant 0 : index
    %get3A_5 = arith.constant 0 : index
    %get3A_6 = arith.constant 0 : index
    %get3A_7 = vector.load %arg1[%get3A_4, %get3A_5, %get3A_6] : memref<2x10112x64xf32, #tpu.memory_space<vmem>>, vector<1x10000x64xf32>
    %get3A_8 = vector.shape_cast %get3A_7 : vector<1x10000x64xf32> to vector<10000x64xf32>
    %add3A = arith.addf %get3A_3, %get3A_8 : vector<10000x64xf32>
    %get3A_9 = arith.constant 1 : index
    %get3A_10 = arith.constant 0 : index
    %get3A_11 = arith.constant 0 : index
    %get3A_12 = vector.load %arg0[%get3A_9, %get3A_10, %get3A_11] : memref<2x10112x64xf32, #tpu.memory_space<vmem>>, vector<1x10000x64xf32>
    %get3A_13 = vector.shape_cast %get3A_12 : vector<1x10000x64xf32> to vector<10000x64xf32>
    %get3A_14 = arith.constant 1 : index
    %get3A_15 = arith.constant 0 : index
    %get3A_16 = arith.constant 0 : index
    %get3A_17 = vector.load %arg1[%get3A_14, %get3A_15, %get3A_16] : memref<2x10112x64xf32, #tpu.memory_space<vmem>>, vector<1x10000x64xf32>
    %get3A_18 = vector.shape_cast %get3A_17 : vector<1x10000x64xf32> to vector<10000x64xf32>
    %add3A_19 = arith.addf %get3A_13, %get3A_18 : vector<10000x64xf32>
    %concatenate3A = tpu.concatenate %add3A, %add3A_19 in 1 : vector<10000x64xf32>, vector<10000x64xf32> -> vector<10000x128xf32>
    %get3A_20 = arith.constant 0 : index
    %get3A_21 = arith.constant 0 : index
    %get3A_22 = vector.load %arg2[%get3A_20, %get3A_21] : memref<10112x1xf32, #tpu.memory_space<vmem>>, vector<10000x1xf32>
    %mul3A = vector.broadcast %get3A_22 : vector<10000x1xf32> to vector<10000x128xf32>
    %mul3A_23 = arith.mulf %concatenate3A, %mul3A : vector<10000x128xf32>
    %get3A_24 = arith.constant 0 : index
    %get3A_25 = arith.constant 0 : index
    %get3A_26 = vector.load %arg4[%get3A_24, %get3A_25] : memref<1x128xf32, #tpu.memory_space<vmem>>, vector<1x128xf32>
    %add3A_27 = vector.broadcast %get3A_26 : vector<1x128xf32> to vector<10000x128xf32>
    %add3A_28 = arith.addf %mul3A_23, %add3A_27 : vector<10000x128xf32>
    %reduce_sum3A = arith.constant dense<0.000000e+00> : vector<128xf32>
    %reduce_sum3A_29 = vector.multi_reduction <add>, %add3A_28, %reduce_sum3A [0] : vector<10000x128xf32> to vector<128xf32>
    %broadcast_in_dim3A = vector.shape_cast %reduce_sum3A_29 : vector<128xf32> to vector<1x128xf32>
    %div3A = arith.constant 1.000000e+04 : f32
    %div3A_30 = vector.broadcast %div3A : f32 to vector<1x128xf32>
    %div3A_31 = arith.divf %broadcast_in_dim3A, %div3A_30 : vector<1x128xf32>
    %sub3A = vector.broadcast %div3A_31 : vector<1x128xf32> to vector<10000x128xf32>
    %sub3A_32 = arith.subf %add3A_28, %sub3A : vector<10000x128xf32>
    %sub3A_33 = vector.broadcast %div3A_31 : vector<1x128xf32> to vector<10000x128xf32>
    %sub3A_34 = arith.subf %add3A_28, %sub3A_33 : vector<10000x128xf32>
    %mul3A_35 = arith.mulf %sub3A_32, %sub3A_34 : vector<10000x128xf32>
    %reduce_sum3A_36 = arith.constant dense<0.000000e+00> : vector<128xf32>
    %reduce_sum3A_37 = vector.multi_reduction <add>, %mul3A_35, %reduce_sum3A_36 [0] : vector<10000x128xf32> to vector<128xf32>
    %broadcast_in_dim3A_38 = vector.shape_cast %reduce_sum3A_37 : vector<128xf32> to vector<1x128xf32>
    %div3A_39 = arith.constant 1.000000e+04 : f32
    %div3A_40 = vector.broadcast %div3A_39 : f32 to vector<1x128xf32>
    %div3A_41 = arith.divf %broadcast_in_dim3A_38, %div3A_40 : vector<1x128xf32>
    %sub3A_42 = vector.broadcast %div3A_31 : vector<1x128xf32> to vector<10000x128xf32>
    %sub3A_43 = arith.subf %add3A_28, %sub3A_42 : vector<10000x128xf32>
    %get3A_44 = arith.constant 0 : index
    %get3A_45 = arith.constant 0 : index
    %get3A_46 = vector.load %arg5[%get3A_44, %get3A_45] : memref<1x128xf32, #tpu.memory_space<vmem>>, vector<1x128xf32>
    %add3A_47 = arith.constant 9.99999974E-6 : f32
    %add3A_48 = vector.broadcast %add3A_47 : f32 to vector<1x128xf32>
    %add3A_49 = arith.addf %div3A_41, %add3A_48 : vector<1x128xf32>
    %rsqrt3A = math.rsqrt %add3A_49 : vector<1x128xf32>
    %mul3A_50 = arith.mulf %get3A_46, %rsqrt3A : vector<1x128xf32>
    %mul3A_51 = vector.broadcast %mul3A_50 : vector<1x128xf32> to vector<10000x128xf32>
    %mul3A_52 = arith.mulf %sub3A_43, %mul3A_51 : vector<10000x128xf32>
    %get3A_53 = arith.constant 0 : index
    %get3A_54 = arith.constant 0 : index
    %get3A_55 = vector.load %arg6[%get3A_53, %get3A_54] : memref<1x128xf32, #tpu.memory_space<vmem>>, vector<1x128xf32>
    %add3A_56 = vector.broadcast %get3A_55 : vector<1x128xf32> to vector<10000x128xf32>
    %add3A_57 = arith.addf %mul3A_52, %add3A_56 : vector<10000x128xf32>
    %max3A = arith.constant 0.000000e+00 : f32
    %max3A_58 = vector.broadcast %max3A : f32 to vector<10000x128xf32>
    %max3A_59 = arith.maximumf %add3A_57, %max3A_58 : vector<10000x128xf32>
    %get3A_60 = arith.constant 0 : index
    %get3A_61 = arith.constant 0 : index
    %get3A_62 = vector.load %arg3[%get3A_60, %get3A_61] : memref<10000x128xf32, #tpu.memory_space<vmem>>, vector<10000x128xf32>
    %jit3A = arith.constant 0.000000e+00 : f32
    %ne3A = arith.cmpf one, %get3A_62, %get3A_62 : vector<10000x128xf32>
    %broadcast_in_dim3A_63 = vector.broadcast %jit3A : f32 to vector<10000x128xf32>
    %select_n3A = arith.select %ne3A, %broadcast_in_dim3A_63, %get3A_62 : vector<10000x128xi1>, vector<10000x128xf32>
    %eq3A = arith.constant 0x7F800000 : f32
    %eq3A_64 = vector.broadcast %eq3A : f32 to vector<10000x128xf32>
    %eq3A_65 = arith.cmpf oeq, %select_n3A, %eq3A_64 : vector<10000x128xf32>
    %jit3A_66 = arith.constant 3.40282347E+38 : f32
    %broadcast_in_dim3A_67 = vector.broadcast %jit3A_66 : f32 to vector<10000x128xf32>
    %select_n3A_68 = arith.select %eq3A_65, %broadcast_in_dim3A_67, %select_n3A : vector<10000x128xi1>, vector<10000x128xf32>
    %eq3A_69 = arith.constant 0xFF800000 : f32
    %eq3A_70 = vector.broadcast %eq3A_69 : f32 to vector<10000x128xf32>
    %eq3A_71 = arith.cmpf oeq, %select_n3A_68, %eq3A_70 : vector<10000x128xf32>
    %jit3A_72 = arith.constant -3.40282347E+38 : f32
    %broadcast_in_dim3A_73 = vector.broadcast %jit3A_72 : f32 to vector<10000x128xf32>
    %select_n3A_74 = arith.select %eq3A_71, %broadcast_in_dim3A_73, %select_n3A_68 : vector<10000x128xi1>, vector<10000x128xf32>
    %add3A_75 = arith.addf %max3A_59, %select_n3A_74 : vector<10000x128xf32>
    %jit3A_76 = arith.constant 0.000000e+00 : f32
    %ne3A_77 = arith.cmpf one, %add3A_75, %add3A_75 : vector<10000x128xf32>
    %broadcast_in_dim3A_78 = vector.broadcast %jit3A_76 : f32 to vector<10000x128xf32>
    %select_n3A_79 = arith.select %ne3A_77, %broadcast_in_dim3A_78, %add3A_75 : vector<10000x128xi1>, vector<10000x128xf32>
    %eq3A_80 = arith.constant 0x7F800000 : f32
    %eq3A_81 = vector.broadcast %eq3A_80 : f32 to vector<10000x128xf32>
    %eq3A_82 = arith.cmpf oeq, %select_n3A_79, %eq3A_81 : vector<10000x128xf32>
    %jit3A_83 = arith.constant 3.40282347E+38 : f32
    %broadcast_in_dim3A_84 = vector.broadcast %jit3A_83 : f32 to vector<10000x128xf32>
    %select_n3A_85 = arith.select %eq3A_82, %broadcast_in_dim3A_84, %select_n3A_79 : vector<10000x128xi1>, vector<10000x128xf32>
    %eq3A_86 = arith.constant 0xFF800000 : f32
    %eq3A_87 = vector.broadcast %eq3A_86 : f32 to vector<10000x128xf32>
    %eq3A_88 = arith.cmpf oeq, %select_n3A_85, %eq3A_87 : vector<10000x128xf32>
    %jit3A_89 = arith.constant -3.40282347E+38 : f32
    %broadcast_in_dim3A_90 = vector.broadcast %jit3A_89 : f32 to vector<10000x128xf32>
    %select_n3A_91 = arith.select %eq3A_88, %broadcast_in_dim3A_90, %select_n3A_85 : vector<10000x128xi1>, vector<10000x128xf32>
    %swap3A = arith.constant 0 : index
    %swap3A_92 = arith.constant 0 : index
    %swap3A_93 = vector.load %arg7[%swap3A, %swap3A_92] : memref<10000x128xf32, #tpu.memory_space<vmem>>, vector<10000x128xf32>
    tpu.vector_store %arg7[%swap3A, %swap3A_92], %select_n3A_91 {strides = array<i32>} : memref<10000x128xf32, #tpu.memory_space<vmem>>, vector<10000x128xf32>,
    return
  }
}

</mosaic_0001>

<sc_bundles>
// kernel: kernel.6.cloned.1.call-start
scs
__scs_entry_jumppad:
0x0: {  	(pc) =	sbr.rel $0x88, $3  }
0x1: {  	(tag) =	ssettag $0x0;
	lr =	simm.s32 $0x1  }
0x2: {  	[smem:$0x3F9B] =	sst lr;
	_ =	strace $0xD0000000  }
0x3: {  	_ = 	snop  }
0x4: {  	_ = 	snop  }
0x5: {  	_ = 	snop  }
0x6: {  	_ = 	snop  }
0x7: {  	_ = 	snop  }
__scs_overlays_trampoline_lowered:
0x8: {  	[smem:$0x3FAA] =	sst s0  }
0x9: {  	[smem:$0x3FAB] =	sst s1  }
0xa: {  	[smem:$0x3FAC] =	sst s2  }
0xb: {  	[smem:$0x3FAD] =	sst s3  }
0xc: {  	[smem:$0x3FAE] =	sst s4  }
0xd: {  	[smem:$0x3FAF] =	sst s5  }
0xe: {  	[smem:$0x3FB0] =	sst s6  }
0xf: {  	[smem:$0x3FB1] =	sst s7  }
0x10: {  	[smem:$0x3FB2] =	sst s8  }
0x11: {  	[smem:$0x3FB3] =	sst s9;
	s0 =	simm.s32 @!p0 $0x0  }
0x12: {  	s1 =	sld [smem:$0x3F99];
	s0 =	simm.s32 @p0 $0x1  }
0x13: {  	[smem:$0x3FB4] =	sst s0;
	s0 =	simm.s32 @!p1 $0x0  }
0x14: {  	s2 =	sld [smem:$0x3F98];
	s0 =	simm.s32 @p1 $0x1  }
0x15: {  	[smem:$0x3FB5] =	sst s0;
	s0 =	simm.s32 @!p2 $0x0  }
0x16: {  	s3 =	sld [smem:$0x3FDB];
	s0 =	simm.s32 @p2 $0x1  }
0x17: {  	s4 =	simm.s32 $0x1BF5;
	[smem:$0x3FB7] =	sst s0  }
0x18: {  	s0 =	sld [smem:$0x3F9A];
	_ =	swait.ge [sflag:s4], $0x0  }
0x19: {  	s7 =	sld [smem:$0x3F9B]  }
0x1a: {  	s8 =	sadd.s32 $0xFFFFE003, lr  }
0x1b: {  	s9 =	sadd.s32 $0xFFFFFEF7, lr;
	s5 =	simm.s32 $0xFFFFFFFF;
	p2 =	slt.u32 s8, $0xFFFFF086  }
0x1c: {  	p1 =	slt.u32 s9, $0xF7A;
	s5 =	simm.s32 @!p2 $0x0  }
0x1d: {  	s5 =	simm.s32 @p1 $0x1;
	p0 =	seq.s32 s7, s2  }
0x1e: {  	s7 =	smul.u32 @!p0 $0xF7A, s2;
	p2 =	seq.s32 @!p0 s5, $0x0  }
0x1f: {  	s9 =	smul.u32 $0xF7A, s1;
	s8 =	simm.s32 @!p0 $0x1BF5;
	p2 =	por !p2, p0  }
0x20: {  	[sflag:s8] =	ssyncset.s32 @!p0 $0xFFFFF086;
	s6 =	sadd.s32 @!p0 s3, s7;
	s7 =	simm.s32 @!p0 $0x108  }
0x21: {  	s3 =	sadd.s32 s3, s9;
	s6 =	sadd.s32 @!p0 $0x88, s6;
	s7 =	simm.s32 @p2 $0x1082  }
0x22: {  	[simem:s7], [sflag:s8] =	dma.local @!p0 [hbm:s6], $0xF7A  }
0x23: {  	s9 =	sor.u32 $0xD0000000, s2;
	s6 =	simm.s32 $0x108;
	_ =	swait.ge @!p0 [sflag:s8], $0x0  }
0x24: {  	s3 =	sadd.s32 $0x88, s3;
	s6 =	simm.s32 @!p1 $0x1082;
	[sflag:s4] =	ssyncset.s32 $0xFFFFF086  }
0x25: {  	[simem:s6], [sflag:s4] =	dma.local [hbm:s3], $0xF7A  }
0x26: {  	[smem:$0x3F9B] =	sst s1;
	(tag) =	ssettag s2;
	_ =	strace s9  }
0x27: {  	s1 =	sld [smem:$0x3FAB]  }
0x28: {  	s2 =	sld [smem:$0x3FAC]  }
0x29: {  	s4 =	sld [smem:$0x3FAE]  }
0x2a: {  	p0 =	seq.s32 s5, $0x0;
	s5 =	sld [smem:$0x3FAF]  }
0x2b: {  	s6 =	sld [smem:$0x3FB0]  }
0x2c: {  	s7 =	sld [smem:$0x3FB1]  }
0x2d: {  	s3 =	simm.s32 $0x108;
	s8 =	sld [smem:$0x3FB2]  }
0x2e: {  	s3 =	simm.s32 @!p0 $0x1082;
	s9 =	sld [smem:$0x3FB3]  }
0x2f: {  	lr =	sadd.s32 s0, s3;
	s0 =	sld [smem:$0x3FAA]  }
0x30: {  	s3 =	sld [smem:$0x3FAD]  }
0x31: {  	[smem:$0x3FB6] =	sst s10  }
0x32: {  	s10 =	sld [smem:$0x3FB4];
	_ =	sdelay $0x3  }
0x33: {  	p0 =	seq.s32 s10, $0x1;
	s10 =	sld [smem:$0x3FB6];
	_ =	sdelay $0x3  }
0x34: {  	[smem:$0x3FB6] =	sst s10  }
0x35: {  	s10 =	sld [smem:$0x3FB5];
	_ =	sdelay $0x3  }
0x36: {  	p1 =	seq.s32 s10, $0x1;
	s10 =	sld [smem:$0x3FB6];
	_ =	sdelay $0x3  }
0x37: {  	[smem:$0x3FB6] =	sst s10  }
0x38: {  	s10 =	sld [smem:$0x3FB7]  }
0x39: {  	_ = 	snop;
	(pc) =	sbr.ind lr, $3  }
0x3a: {  	_ = 	snop  }
0x3b: {  	_ = 	snop  }
0x3c: {  	p2 =	seq.s32 s10, $0x1;
	s10 =	sld [smem:$0x3FB6]  }
0x3d: {  	_ =	shalt  }
0x3e: {  	_ =	shalt  }
0x3f: {  	_ =	shalt  }
0x40: {  	_ =	shalt  }
0x41: {  	_ =	shalt  }
0x42: {  	_ =	shalt  }
0x43: {  	_ =	shalt  }
0x44: {  	_ =	shalt  }
0x45: {  	_ =	shalt  }
0x46: {  	_ =	shalt  }
0x47: {  	_ =	shalt  }
0x48: {  	_ =	shalt  }
0x49: {  	_ =	shalt  }
0x4a: {  	_ =	shalt  }
0x4b: {  	_ =	shalt  }
0x4c: {  	_ =	shalt  }
0x4d: {  	_ =	shalt  }
0x4e: {  	_ =	shalt  }
0x4f: {  	_ =	shalt  }
0x50: {  	_ =	shalt  }
0x51: {  	_ =	shalt  }
0x52: {  	_ =	shalt  }
0x53: {  	_ =	shalt  }
0x54: {  	_ =	shalt  }
0x55: {  	_ =	shalt  }
0x56: {  	_ =	shalt  }
0x57: {  	_ =	shalt  }
0x58: {  	_ =	shalt  }
0x59: {  	_ =	shalt  }
0x5a: {  	_ =	shalt  }
0x5b: {  	_ =	shalt  }
0x5c: {  	_ =	shalt  }
0x5d: {  	_ =	shalt  }
0x5e: {  	_ =	shalt  }
0x5f: {  	_ =	shalt  }
0x60: {  	_ =	shalt  }
0x61: {  	_ =	shalt  }
0x62: {  	_ =	shalt  }
0x63: {  	_ =	shalt  }
0x64: {  	_ =	shalt  }
0x65: {  	_ =	shalt  }
0x66: {  	_ =	shalt  }
0x67: {  	_ =	shalt  }
0x68: {  	_ =	shalt  }
0x69: {  	_ =	shalt  }
0x6a: {  	_ =	shalt  }
0x6b: {  	_ =	shalt  }
0x6c: {  	_ =	shalt  }
0x6d: {  	_ =	shalt  }
0x6e: {  	_ =	shalt  }
0x6f: {  	_ =	shalt  }
0x70: {  	_ =	shalt  }
0x71: {  	_ =	shalt  }
0x72: {  	_ =	shalt  }
0x73: {  	_ =	shalt  }
0x74: {  	_ =	shalt  }
0x75: {  	_ =	shalt  }
0x76: {  	_ =	shalt  }
0x77: {  	_ =	shalt  }
0x78: {  	_ =	shalt  }
0x79: {  	_ =	shalt  }
0x7a: {  	_ =	shalt  }
0x7b: {  	_ =	shalt  }
0x7c: {  	_ =	shalt  }
0x7d: {  	_ =	shalt  }
0x7e: {  	_ =	shalt  }
0x7f: {  	_ =	shalt  }
0x80: {  	_ =	shalt  }
0x81: {  	_ =	shalt  }
0x82: {  	_ =	shalt  }
0x83: {  	_ =	shalt  }
0x84: {  	_ =	shalt  }
0x85: {  	_ =	shalt  }
0x86: {  	_ =	shalt  }
0x87: {  	_ =	shalt  }
.Lfunc_end0:
.L_simem_size_0:
called_computation_lowered:
.L_overlay_start_0:
0x88: {  	s2 =	sld [smem:$0x3FD9]  }
0x89: {  	s3 =	sld [smem:$0x3FFE];
	_ =	sdelay $0x1  }
0x8a: {  	s1 =	srdreg.scid  }
0x8b: {  	s0 =	sand.u32 $0x1, s1  }
0x8c: {  	s17 =	sshll.u32 s0, $0xA;
	s2 =	sadd.s32 s3, s2  }
0x8d: {  	s2 =	sadd.s32 s2, s17  }
0x8e: {  	[smem:$0x3FC2] =	sst s2  }
0x8f: {  	_ = 	snop  }
0x90: {  	s2 =	sld [smem:$0x3FD0];
	(tm) =	ssettm $0x1  }
0x91: {  	s18 =	sld [smem:$0x3FFB];
	_ =	sdelay $0x3  }
0x92: {  	_ =	strace s18  }
0x93: {  	s3 =	sld [smem:$0x3FFC];
	_ =	sdelay $0x3  }
0x94: {  	_ =	strace s3  }
0x95: {  	s3 =	sld [smem:$0x3FFD];
	_ =	sdelay $0x3  }
0x96: {  	_ =	strace s3  }
0x97: {  	_ =	strace $0x8FFFFFFF  }
0x98: {  	s19 =	sld [smem:$0x3FDB];
	_ =	sdelay $0x1  }
0x99: {  	s4 =	simm.s32 $_scs_section_size  }
0x9a: {  	s5 =	simm.s32 $_size__tile_overlayer_lowered;
	s6 =	simm.s32 $_tile_overlayer_lowered  }
0x9b: {  	s22 =	simm.s32 $0x1BFF;
	s21 =	sshll.u32 s6, $0x1;
	s3 =	sadd.s32 s4, s19  }
0x9c: {  	s7 =	simm.s32 $0x0;
	s20 =	sshll.u32 s5, $0x1;
	s5 =	sadd.s32 s21, s3  }
0x9d: {  	[timem:s7], [sflag:s22] =	dma.local [hbm:s5], s20  }
0x9e: {  	_ =	swait.ge [sflag:s22], s20  }
0x9f: {  	s4 =	ssub.s32 $0x0, s20;
	[sflag:s22] =	ssyncset.done $0x0  }
0xa0: {  	[sflag:s22] =	ssyncadd.s32 s4;
	_ =	sdelay $0x1  }
0xa1: {  	s23 =	simm.s32 $0x1B8B  }
0xa2: {  	_ =	swait.ge [sflag:s23], $0x1  }
0xa3: {  	[sflag:s23] =	ssyncset.done $0x0  }
0xa4: {  	s25 =	simm.s32 $0x1B8E;
	s24 =	sld [smem:$0x3FFE];
	[sflag:s23] =	ssyncadd.s32 $0xFFFFFFFF  }
0xa5: {  	s26 =	simm.s32 $execute0_lowered;
	[smem:$0x3FD2] =	sst s25  }
0xa6: {  	s5 =	sshll.u32 s26, $0x1;
	_ =	strace $0x80000046;
	[dreg:$0x1] =	wrdreg $0xFFFFFFFF  }
0xa7: {  	s28 =	simm.s32 $_size_execute0_lowered;
	s3 =	sadd.s32 s3, s5;
	[dreg:$0x0] =	wrdreg $0x0  }
0xa8: {  	s5 =	sshll.u32 s28, $0x1;
	[dreg:$0x2] =	wrdreg s3  }
0xa9: {  	[dreg:$0x3] =	wrdreg s5  }
0xaa: {  	[dreg:$0x4] =	wrdreg $0xC0  }
0xab: {  	_ =	task [dreg:s7], $0x5FFFF  }
0xac: {  	[dreg:$0x1] =	wrdreg $0xFFFFFFFF  }
0xad: {  	[dreg:$0x0] =	wrdreg $0x60  }
0xae: {  	[dreg:$0x2] =	wrdreg s24  }
0xaf: {  	[dreg:$0x3] =	wrdreg s2  }
0xb0: {  	[dreg:$0x4] =	wrdreg $0x52F80  }
0xb1: {  	[dreg:$0x5] =	wrdreg $0x9  }
0xb2: {  	_ =	task.clear_ibuf [dreg:s7], $0x6FFFF;
	_ =	strace $0x90000046  }
0xb3: {  	s29 =	simm.s32 $0x9;
	_ =	strace $0x80000048  }
0xb4: {  	_ =	swait.ge [sflag:s29], $0x1  }
0xb5: {  	[sflag:s29] =	ssyncadd.s32 $0xFFFFFFFF  }
0xb6: {  	_ =	strace $0x90000048  }
0xb7: {  	_ =	sfence  }
0xb8: {  	s30 =	sld [smem:$0x0];
	_ =	sdelay $0x2  }
0xb9: {  	s31 =	sshll.u32 s1, $0xD;
	s1 =	sshrl.u32 s1, $0x2  }
0xba: {  	s3 =	sand.u32 $0x4000, s31;
	s1 =	sadd.s32 s1, s30  }
0xbb: {  	s0 =	sor.u32 s3, s0;
	s1 =	sshll.u32 s1, $0x11  }
0xbc: {  	s0 =	sor.u32 s1, s0  }
0xbd: {  	s0 =	sadd.s32 $0x8F2B, s0  }
0xbe: {  	[sflag:s0] =	ssyncadd.remote.s32 $0x1  }
0xbf: {  	_ =	sfence.sel $0xFFFF  }
0xc0: {  	[dreg:$0x0] =	wrdreg $0xFFFFFFFF;
	(pc) =	sbr.abs _section_cstart, $3  }
0xc1: {  	[dreg:$0x1] =	wrdreg $0xFFFFFFFF  }
0xc2: {  	_ =	task.clear_ibuf [dreg:s7], $0x2FFFF;
	_ =	strace $0x9FFFFFFF  }
0xc3: {  	(tm) =	ssettm $0x7FFFFFFF  }
tec
execute0_lowered:
.L_overlay_start_1:
0x0: {  	(tag) =	ssettag $0x1  }
0x1: {  	s5 =	rddreg [dreg:$0x0]  }
0x2: {  	s8 =	rddreg [dreg:$0x1]  }
0x3: {  	s2 =	rddreg [dreg:$0x2]  }
0x4: {  	s0 =	rddreg [dreg:$0x3]  }
0x5: {  	s1 =	stileid.u32;
	s3 =	simm.s32 $0x0;
	s6 =	srdreg.scid  }
0x6: {  	s12 =	simm.s32 $0x5000;
	s13 =	simm.s32 $0x80;
	s14 =	simm.s32 $0x1  }
0x7: {  	s15 =	simm.s32 $0x0;
	s4 =	smul.u32 $0xA00, s1;
	[smem:$0x7FF] =	sst s3  }
0x8: {  	s6 =	sand.u32 $0x1, s6;
	s7 =	smul.u32 $0x278, s1;
	_ =	strace $0x80000047  }
0x9: {  	s9 =	smul.u32 $0x2780, s6;
	s6 =	ssub.s32 $0x2, s6;
	s10 =	sadd.s32 s4, s5  }
0xa: {  	s4 =	sadd.s32 $0xB000, s5;
	s5 =	sadd.s32 $0xAE00, s5;
	s11 =	sshrl.u32 s6, $0x1  }
0xb: {  	s9 =	sadd.s32 s7, s9;
	s11 =	ssub.s32 s6, s11;
	s6 =	sadd.s32 s7, s2  }
0xc: {  	s7 =	sadd.s32 $0xE00, s10;
	s10 =	simm.s32 $0x5080;
	s9 =	sshrl.u32 s9, $0x3  }
0xd: {  	s8 =	sadd.s32 s8, s9;
	s9 =	smax.u32 s11, $0x1;
	s11 =	simm.s32 $0x2  }
.LBB2_1:
0xe: {  	[tilespmem:s10], [sflag:$0x2] =	stream.linear.gather [hbm4b:s5+s3], $0x278, $0x38;
	[tilespmem:$0x5570] =	vst v63  }
0xf: {  	_ =	swait.ge [sflag:s11], $0x278  }
0x10: {  	[sflag:s11] =	ssyncset.done $0x0  }
0x11: {  	[sflag:s11] =	ssyncadd.s32 $0xFFFFFD88  }
0x12: {  	[spmem:s6] =	stream.linear.scatter [tilespmem:s10], [sflag:$0x2], $0x278, $0x38;
	[tilespmem:$0x5570] =	vst v63  }
0x13: {  	_ =	swait.ge [sflag:s11], $0x278  }
0x14: {  	[sflag:s11] =	ssyncset.done $0x0  }
0x15: {  	[sflag:s11] =	ssyncadd.s32 $0xFFFFFD88  }
0x16: {  	[tilespmem:s12], [sflag:$0x2] =	stream.linear.gather [hbm4b:s4+s3], $0x80, $0x38;
	[tilespmem:$0x5570] =	vst v63  }
0x17: {  	_ =	swait.ge [sflag:s11], $0x80  }
0x18: {  	[sflag:s11] =	ssyncset.done $0x0  }
0x19: {  	[sflag:s11] =	ssyncadd.s32 $0xFFFFFF80  }
0x1a: {  	[tilespmem:s3], [sflag:$0x2] =	stream.linear.gather [hbm4b:s7+s3], $0x5000, $0x38;
	[tilespmem:$0x5570] =	vst v63  }
0x1b: {  	_ =	swait.ge [sflag:s11], $0x5000  }
0x1c: {  	[sflag:s11] =	ssyncset.done $0x0  }
0x1d: {  	[sflag:s11] =	ssyncadd.s32 $0xFFFFB000  }
0x1e: {  	s16 =	simm.s32 $0x0;
	[bflag:$0x0] =	sbarrier.arrive $0xFFFF  }
.LBB2_2:
0x1f: {  	p0 =	sne.s32 s16, $0x13E00  }
.Ltmp0:
0x20: {  	_ = 	snop;
	(pc) =	sbr.rel @p0 .LBB2_2-.Ltmp0, $3  }
0x21: {  	_ =	sdelay $0x1  }
0x22: {  	s17 =	sshra.s32 s16, $0x2;
	s16 =	sadd.s32 $0x200, s16  }
0x23: {  	[spmem:s2] =	stream.indirect.scatter.add.f32 [tilespmem:s12], [sflag:$0x1], $0x1, s17, s13, $0xb8;
	[tilespmem:$0x5570] =	vst v63  }
0x24: {  	_ =	swait.ge [sflag:s14], $0x80  }
0x25: {  	s16 =	simm.s32 $0x9F;
	[sflag:s14] =	ssyncset.done $0x0  }
.LBB2_4:
0x26: {  	p0 =	sne.s32 s16, $0x1;
	s16 =	sadd.s32 $0xFFFFFFFF, s16;
	[sflag:s14] =	ssyncadd.s32 $0xFFFFFF80  }
.Ltmp1:
0x27: {  	(pc) =	sbr.rel @p0 .LBB2_4-.Ltmp1, $3  }
0x28: {  	_ =	sdelay $0x1  }
0x29: {  	_ =	swait.ge [sflag:s14], $0x80  }
0x2a: {  	[sflag:s14] =	ssyncset.done $0x0  }
0x2b: {  	[sflag:s14] =	ssyncadd.s32 $0xFFFFFF80  }
0x2c: {  	[bflag:$0x0] =	sbarrier.arrive $0xFFFF  }
0x2d: {  	[tilespmem:s10], [sflag:$0x2] =	stream.linear.gather [spmem:s6], $0x278, $0x38;
	[tilespmem:$0x5570] =	vst v63  }
0x2e: {  	s15 =	sadd.s32 $0x1, s15;
	_ =	swait.ge [sflag:s11], $0x278  }
0x2f: {  	p0 =	sne.s32 s15, s9;
	[sflag:s11] =	ssyncset.done $0x0  }
.Ltmp2:
0x30: {  	[sflag:s11] =	ssyncadd.s32 $0xFFFFFD88;
	(pc) =	sbr.rel @p0 .LBB2_1-.Ltmp2, $4  }
0x31: {  	[hbm4b:s8+s3] =	stream.linear.scatter [tilespmem:s10], [sflag:$0x2], $0x278, $0x38;
	[tilespmem:$0x5570] =	vst v63  }
0x32: {  	_ =	swait.ge [sflag:s11], $0x278  }
0x33: {  	[sflag:s11] =	ssyncset.done $0x0  }
0x34: {  	[sflag:s11] =	ssyncadd.s32 $0xFFFFFD88  }
0x35: {  	_ =	sfence.sel $0x180000  }
0x36: {  	[bflag:$0x0] =	sbarrier.arrive $0xFFFF  }
0x37: {  	p0 =	sne.s32 s1, $0x0;
	_ =	strace $0x90000047  }
0x38: {  	s0 =	sadd.s32 @!p0 $0x100000, s0;
	[bflag:$0x2] =	sbarrier.arrive $0xFFFF  }
0x39: {  	[sflag:s0] =	ssyncadd.tile.s32 @!p0 $0x1;
	_ =	shalt  }
.Lfunc_end2:
_tile_overlayer_lowered:
.L_overlay_start_2:
0x3a: {  	(tag) =	ssettag $0x2  }
0x3b: {  	s0 =	rddreg [dreg:$0x0];
	s2 =	stileid.u32  }
0x3c: {  	s1 =	rddreg [dreg:$0x1];
	p0 =	sne.s32 s2, $0x0  }
0x3d: {  	s3 =	rddreg [dreg:$0x2];
	[bflag:$0x3] =	sbarrier.arrive $0xFFFF;
	s2 =	simm.s32 @!p0 $0x1C02  }
0x3e: {  	[timem:s3], [sflag:s2] =	dma.local @!p0 [hbm:s0], s1  }
0x3f: {  	s0 =	simm.s32 @!p0 $0x2  }
0x40: {  	_ =	swait.ge @!p0 [sflag:s0], s1  }
0x41: {  	s1 =	ssub.s32 @!p0 $0x0, s1;
	[sflag:s0] =	ssyncset.done @!p0 $0x0  }
0x42: {  	[sflag:s0] =	ssyncadd.s32 @!p0 s1  }
0x43: {  	[bflag:$0x3] =	sbarrier.arrive $0xFFFF  }
0x44: {  	_ =	shalt  }

// kernel: kernel.9.cloned.1.call-start
scs
__scs_entry_jumppad:
0x0: {  	(pc) =	sbr.rel $0x88, $3  }
0x1: {  	(tag) =	ssettag $0x0;
	lr =	simm.s32 $0x1  }
0x2: {  	[smem:$0x3F9B] =	sst lr;
	_ =	strace $0xD0000000  }
0x3: {  	_ = 	snop  }
0x4: {  	_ = 	snop  }
0x5: {  	_ = 	snop  }
0x6: {  	_ = 	snop  }
0x7: {  	_ = 	snop  }
__scs_overlays_trampoline_lowered:
0x8: {  	[smem:$0x3FAA] =	sst s0  }
0x9: {  	[smem:$0x3FAB] =	sst s1  }
0xa: {  	[smem:$0x3FAC] =	sst s2  }
0xb: {  	[smem:$0x3FAD] =	sst s3  }
0xc: {  	[smem:$0x3FAE] =	sst s4  }
0xd: {  	[smem:$0x3FAF] =	sst s5  }
0xe: {  	[smem:$0x3FB0] =	sst s6  }
0xf: {  	[smem:$0x3FB1] =	sst s7  }
0x10: {  	[smem:$0x3FB2] =	sst s8  }
0x11: {  	[smem:$0x3FB3] =	sst s9;
	s0 =	simm.s32 @!p0 $0x0  }
0x12: {  	s1 =	sld [smem:$0x3F99];
	s0 =	simm.s32 @p0 $0x1  }
0x13: {  	[smem:$0x3FB4] =	sst s0;
	s0 =	simm.s32 @!p1 $0x0  }
0x14: {  	s2 =	sld [smem:$0x3F98];
	s0 =	simm.s32 @p1 $0x1  }
0x15: {  	[smem:$0x3FB5] =	sst s0;
	s0 =	simm.s32 @!p2 $0x0  }
0x16: {  	s3 =	sld [smem:$0x3FDB];
	s0 =	simm.s32 @p2 $0x1  }
0x17: {  	s4 =	simm.s32 $0x1BF5;
	[smem:$0x3FB7] =	sst s0  }
0x18: {  	s0 =	sld [smem:$0x3F9A];
	_ =	swait.ge [sflag:s4], $0x0  }
0x19: {  	s7 =	sld [smem:$0x3F9B]  }
0x1a: {  	s8 =	sadd.s32 $0xFFFFE003, lr  }
0x1b: {  	s9 =	sadd.s32 $0xFFFFFEF7, lr;
	s5 =	simm.s32 $0xFFFFFFFF;
	p2 =	slt.u32 s8, $0xFFFFF086  }
0x1c: {  	p1 =	slt.u32 s9, $0xF7A;
	s5 =	simm.s32 @!p2 $0x0  }
0x1d: {  	s5 =	simm.s32 @p1 $0x1;
	p0 =	seq.s32 s7, s2  }
0x1e: {  	s7 =	smul.u32 @!p0 $0xF7A, s2;
	p2 =	seq.s32 @!p0 s5, $0x0  }
0x1f: {  	s9 =	smul.u32 $0xF7A, s1;
	s8 =	simm.s32 @!p0 $0x1BF5;
	p2 =	por !p2, p0  }
0x20: {  	[sflag:s8] =	ssyncset.s32 @!p0 $0xFFFFF086;
	s6 =	sadd.s32 @!p0 s3, s7;
	s7 =	simm.s32 @!p0 $0x108  }
0x21: {  	s3 =	sadd.s32 s3, s9;
	s6 =	sadd.s32 @!p0 $0x88, s6;
	s7 =	simm.s32 @p2 $0x1082  }
0x22: {  	[simem:s7], [sflag:s8] =	dma.local @!p0 [hbm:s6], $0xF7A  }
0x23: {  	s9 =	sor.u32 $0xD0000000, s2;
	s6 =	simm.s32 $0x108;
	_ =	swait.ge @!p0 [sflag:s8], $0x0  }
0x24: {  	s3 =	sadd.s32 $0x88, s3;
	s6 =	simm.s32 @!p1 $0x1082;
	[sflag:s4] =	ssyncset.s32 $0xFFFFF086  }
0x25: {  	[simem:s6], [sflag:s4] =	dma.local [hbm:s3], $0xF7A  }
0x26: {  	[smem:$0x3F9B] =	sst s1;
	(tag) =	ssettag s2;
	_ =	strace s9  }
0x27: {  	s1 =	sld [smem:$0x3FAB]  }
0x28: {  	s2 =	sld [smem:$0x3FAC]  }
0x29: {  	s4 =	sld [smem:$0x3FAE]  }
0x2a: {  	p0 =	seq.s32 s5, $0x0;
	s5 =	sld [smem:$0x3FAF]  }
0x2b: {  	s6 =	sld [smem:$0x3FB0]  }
0x2c: {  	s7 =	sld [smem:$0x3FB1]  }
0x2d: {  	s3 =	simm.s32 $0x108;
	s8 =	sld [smem:$0x3FB2]  }
0x2e: {  	s3 =	simm.s32 @!p0 $0x1082;
	s9 =	sld [smem:$0x3FB3]  }
0x2f: {  	lr =	sadd.s32 s0, s3;
	s0 =	sld [smem:$0x3FAA]  }
0x30: {  	s3 =	sld [smem:$0x3FAD]  }
0x31: {  	[smem:$0x3FB6] =	sst s10  }
0x32: {  	s10 =	sld [smem:$0x3FB4];
	_ =	sdelay $0x3  }
0x33: {  	p0 =	seq.s32 s10, $0x1;
	s10 =	sld [smem:$0x3FB6];
	_ =	sdelay $0x3  }
0x34: {  	[smem:$0x3FB6] =	sst s10  }
0x35: {  	s10 =	sld [smem:$0x3FB5];
	_ =	sdelay $0x3  }
0x36: {  	p1 =	seq.s32 s10, $0x1;
	s10 =	sld [smem:$0x3FB6];
	_ =	sdelay $0x3  }
0x37: {  	[smem:$0x3FB6] =	sst s10  }
0x38: {  	s10 =	sld [smem:$0x3FB7]  }
0x39: {  	_ = 	snop;
	(pc) =	sbr.ind lr, $3  }
0x3a: {  	_ = 	snop  }
0x3b: {  	_ = 	snop  }
0x3c: {  	p2 =	seq.s32 s10, $0x1;
	s10 =	sld [smem:$0x3FB6]  }
0x3d: {  	_ =	shalt  }
0x3e: {  	_ =	shalt  }
0x3f: {  	_ =	shalt  }
0x40: {  	_ =	shalt  }
0x41: {  	_ =	shalt  }
0x42: {  	_ =	shalt  }
0x43: {  	_ =	shalt  }
0x44: {  	_ =	shalt  }
0x45: {  	_ =	shalt  }
0x46: {  	_ =	shalt  }
0x47: {  	_ =	shalt  }
0x48: {  	_ =	shalt  }
0x49: {  	_ =	shalt  }
0x4a: {  	_ =	shalt  }
0x4b: {  	_ =	shalt  }
0x4c: {  	_ =	shalt  }
0x4d: {  	_ =	shalt  }
0x4e: {  	_ =	shalt  }
0x4f: {  	_ =	shalt  }
0x50: {  	_ =	shalt  }
0x51: {  	_ =	shalt  }
0x52: {  	_ =	shalt  }
0x53: {  	_ =	shalt  }
0x54: {  	_ =	shalt  }
0x55: {  	_ =	shalt  }
0x56: {  	_ =	shalt  }
0x57: {  	_ =	shalt  }
0x58: {  	_ =	shalt  }
0x59: {  	_ =	shalt  }
0x5a: {  	_ =	shalt  }
0x5b: {  	_ =	shalt  }
0x5c: {  	_ =	shalt  }
0x5d: {  	_ =	shalt  }
0x5e: {  	_ =	shalt  }
0x5f: {  	_ =	shalt  }
0x60: {  	_ =	shalt  }
0x61: {  	_ =	shalt  }
0x62: {  	_ =	shalt  }
0x63: {  	_ =	shalt  }
0x64: {  	_ =	shalt  }
0x65: {  	_ =	shalt  }
0x66: {  	_ =	shalt  }
0x67: {  	_ =	shalt  }
0x68: {  	_ =	shalt  }
0x69: {  	_ =	shalt  }
0x6a: {  	_ =	shalt  }
0x6b: {  	_ =	shalt  }
0x6c: {  	_ =	shalt  }
0x6d: {  	_ =	shalt  }
0x6e: {  	_ =	shalt  }
0x6f: {  	_ =	shalt  }
0x70: {  	_ =	shalt  }
0x71: {  	_ =	shalt  }
0x72: {  	_ =	shalt  }
0x73: {  	_ =	shalt  }
0x74: {  	_ =	shalt  }
0x75: {  	_ =	shalt  }
0x76: {  	_ =	shalt  }
0x77: {  	_ =	shalt  }
0x78: {  	_ =	shalt  }
0x79: {  	_ =	shalt  }
0x7a: {  	_ =	shalt  }
0x7b: {  	_ =	shalt  }
0x7c: {  	_ =	shalt  }
0x7d: {  	_ =	shalt  }
0x7e: {  	_ =	shalt  }
0x7f: {  	_ =	shalt  }
0x80: {  	_ =	shalt  }
0x81: {  	_ =	shalt  }
0x82: {  	_ =	shalt  }
0x83: {  	_ =	shalt  }
0x84: {  	_ =	shalt  }
0x85: {  	_ =	shalt  }
0x86: {  	_ =	shalt  }
0x87: {  	_ =	shalt  }
.Lfunc_end0:
.L_simem_size_0:
called_computation.1_lowered:
.L_overlay_start_0:
0x88: {  	s2 =	sld [smem:$0x3FD9]  }
0x89: {  	s3 =	sld [smem:$0x3FFE];
	_ =	sdelay $0x1  }
0x8a: {  	s1 =	srdreg.scid  }
0x8b: {  	s0 =	sand.u32 $0x1, s1  }
0x8c: {  	s17 =	sshll.u32 s0, $0xA;
	s2 =	sadd.s32 s3, s2  }
0x8d: {  	s2 =	sadd.s32 s2, s17  }
0x8e: {  	[smem:$0x3FC2] =	sst s2  }
0x8f: {  	_ = 	snop  }
0x90: {  	s2 =	sld [smem:$0x3FD0];
	(tm) =	ssettm $0x1  }
0x91: {  	s18 =	sld [smem:$0x3FFB];
	_ =	sdelay $0x3  }
0x92: {  	_ =	strace s18  }
0x93: {  	s3 =	sld [smem:$0x3FFC];
	_ =	sdelay $0x3  }
0x94: {  	_ =	strace s3  }
0x95: {  	s3 =	sld [smem:$0x3FFD];
	_ =	sdelay $0x3  }
0x96: {  	_ =	strace s3  }
0x97: {  	_ =	strace $0x8FFFFFFF  }
0x98: {  	s19 =	sld [smem:$0x3FDB];
	_ =	sdelay $0x1  }
0x99: {  	s4 =	simm.s32 $_scs_section_size  }
0x9a: {  	s5 =	simm.s32 $_size__tile_overlayer_lowered;
	s6 =	simm.s32 $_tile_overlayer_lowered  }
0x9b: {  	s22 =	simm.s32 $0x1BFF;
	s21 =	sshll.u32 s6, $0x1;
	s3 =	sadd.s32 s4, s19  }
0x9c: {  	s7 =	simm.s32 $0x0;
	s20 =	sshll.u32 s5, $0x1;
	s5 =	sadd.s32 s21, s3  }
0x9d: {  	[timem:s7], [sflag:s22] =	dma.local [hbm:s5], s20  }
0x9e: {  	_ =	swait.ge [sflag:s22], s20  }
0x9f: {  	s4 =	ssub.s32 $0x0, s20;
	[sflag:s22] =	ssyncset.done $0x0  }
0xa0: {  	[sflag:s22] =	ssyncadd.s32 s4;
	_ =	sdelay $0x1  }
0xa1: {  	s23 =	simm.s32 $0x1B8B  }
0xa2: {  	_ =	swait.ge [sflag:s23], $0x1  }
0xa3: {  	[sflag:s23] =	ssyncset.done $0x0  }
0xa4: {  	s25 =	simm.s32 $0x1B8E;
	s24 =	sld [smem:$0x3FFE];
	[sflag:s23] =	ssyncadd.s32 $0xFFFFFFFF  }
0xa5: {  	s26 =	simm.s32 $execute0_lowered;
	[smem:$0x3FD2] =	sst s25  }
0xa6: {  	s5 =	sshll.u32 s26, $0x1;
	_ =	strace $0x80000049;
	[dreg:$0x1] =	wrdreg $0xFFFFFFFF  }
0xa7: {  	s28 =	simm.s32 $_size_execute0_lowered;
	s3 =	sadd.s32 s3, s5;
	[dreg:$0x0] =	wrdreg $0x0  }
0xa8: {  	s5 =	sshll.u32 s28, $0x1;
	[dreg:$0x2] =	wrdreg s3  }
0xa9: {  	[dreg:$0x3] =	wrdreg s5  }
0xaa: {  	[dreg:$0x4] =	wrdreg $0xC0  }
0xab: {  	_ =	task [dreg:s7], $0x5FFFF  }
0xac: {  	[dreg:$0x1] =	wrdreg $0xFFFFFFFF  }
0xad: {  	[dreg:$0x0] =	wrdreg $0x60  }
0xae: {  	[dreg:$0x2] =	wrdreg s24  }
0xaf: {  	[dreg:$0x3] =	wrdreg s2  }
0xb0: {  	[dreg:$0x4] =	wrdreg $0x160000  }
0xb1: {  	[dreg:$0x5] =	wrdreg $0x9  }
0xb2: {  	_ =	task.clear_ibuf [dreg:s7], $0x6FFFF;
	_ =	strace $0x90000049  }
0xb3: {  	s29 =	simm.s32 $0x9;
	_ =	strace $0x8000004B  }
0xb4: {  	_ =	swait.ge [sflag:s29], $0x1  }
0xb5: {  	[sflag:s29] =	ssyncadd.s32 $0xFFFFFFFF  }
0xb6: {  	_ =	strace $0x9000004B  }
0xb7: {  	_ =	sfence  }
0xb8: {  	s30 =	sld [smem:$0x0];
	_ =	sdelay $0x2  }
0xb9: {  	s31 =	sshll.u32 s1, $0xD;
	s1 =	sshrl.u32 s1, $0x2  }
0xba: {  	s3 =	sand.u32 $0x4000, s31;
	s1 =	sadd.s32 s1, s30  }
0xbb: {  	s0 =	sor.u32 s3, s0;
	s1 =	sshll.u32 s1, $0x11  }
0xbc: {  	s0 =	sor.u32 s1, s0  }
0xbd: {  	s0 =	sadd.s32 $0x8F2B, s0  }
0xbe: {  	[sflag:s0] =	ssyncadd.remote.s32 $0x1  }
0xbf: {  	_ =	sfence.sel $0xFFFF  }
0xc0: {  	[dreg:$0x0] =	wrdreg $0xFFFFFFFF;
	(pc) =	sbr.abs _section_cstart, $3  }
0xc1: {  	[dreg:$0x1] =	wrdreg $0xFFFFFFFF  }
0xc2: {  	_ =	task.clear_ibuf [dreg:s7], $0x2FFFF;
	_ =	strace $0x9FFFFFFF  }
0xc3: {  	(tm) =	ssettm $0x7FFFFFFF  }
tec
execute0_lowered:
.L_overlay_start_1:
0x0: {  	(tag) =	ssettag $0x1  }
0x1: {  	s0 =	rddreg [dreg:$0x0]  }
0x2: {  	s1 =	rddreg [dreg:$0x1]  }
0x3: {  	s2 =	rddreg [dreg:$0x2];
	s3 =	simm.s32 $0x0  }
0x4: {  	s8 =	stileid.u32;
	s4 =	srdreg.scid;
	s28 =	simm.s32 $0xD000  }
0x5: {  	s29 =	simm.s32 $0x1;
	s30 =	simm.s32 $0x2;
	s31 =	simm.s32 $0x6  }
0x6: {  	[smem:$0x7FF] =	sst s3;
	s5 =	smul.u32 $0xA00, s8;
	s4 =	sand.u32 $0x1, s4  }
0x7: {  	s10 =	smul.u32 $0x9E00, s8;
	s26 =	sadd.s32 $0x64200, s0;
	_ =	strace $0x8000004A  }
0x8: {  	s6 =	ssub.s32 $0x2, s4;
	[dreg:$0x4] =	wrdreg s26;
	s4 =	smul.u32 $0x9E000, s4  }
0x9: {  	s5 =	sadd.s32 s5, s0;
	s7 =	sshrl.u32 s6, $0x1;
	s0 =	sadd.s32 $0x64600, s0  }
0xa: {  	s15 =	sadd.s32 s10, s2;
	s8 =	sadd.s32 $0x2000, s10;
	s11 =	sadd.s32 $0x4000, s10  }
0xb: {  	s13 =	sadd.s32 $0x6000, s10;
	s14 =	sadd.s32 $0x8000, s10;
	s6 =	ssub.s32 s6, s7  }
0xc: {  	s16 =	sadd.s32 s8, s2;
	s17 =	sadd.s32 s11, s2;
	s18 =	sadd.s32 s13, s2  }
0xd: {  	s9 =	sadd.s32 s14, s2;
	s12 =	sadd.s32 $0xB200, s5;
	s5 =	sadd.s32 $0xE00, s5  }
0xe: {  	s19 =	sshrl.u32 s4, $0x4;
	s10 =	sadd.s32 s10, s4;
	s7 =	sadd.s32 s4, s8  }
0xf: {  	s23 =	sadd.s32 s4, s11;
	s24 =	sadd.s32 s4, s13;
	s4 =	sadd.s32 s4, s14  }
0x10: {  	s11 =	simm.s32 $0x14000;
	s14 =	simm.s32 $0x0;
	[dreg:$0x8] =	wrdreg s12  }
0x11: {  	[dreg:$0x9] =	wrdreg s5;
	s12 =	sadd.s32 s1, s19;
	s20 =	sshrl.u32 s10, $0x3  }
0x12: {  	s21 =	sshrl.u32 s7, $0x3;
	s7 =	smov.u32 s9;
	s25 =	sshrl.u32 s24, $0x3  }
0x13: {  	s4 =	sshrl.u32 s4, $0x3;
	s26 =	smax.u32 s6, $0x1;
	[dreg:$0x5] =	wrdreg s17  }
0x14: {  	s6 =	smov.u32 s18;
	s19 =	simm.s32 $0xE000;
	[dreg:$0xf] =	wrdreg s26  }
0x15: {  	s24 =	simm.s32 $0xB000;
	s10 =	simm.s32 $0x8;
	[dreg:$0x6] =	wrdreg s6  }
0x16: {  	s1 =	sadd.s32 s0, s20;
	s22 =	sadd.s32 s0, s21;
	[dreg:$0x7] =	wrdreg s7  }
0x17: {  	s20 =	simm.s32 $0x9;
	s26 =	simm.s32 $0xC000;
	[dreg:$0xa] =	wrdreg s1  }
0x18: {  	s21 =	simm.s32 $0x7;
	[dreg:$0xb] =	wrdreg s22;
	s1 =	sshrl.u32 s23, $0x3  }
0x19: {  	s22 =	simm.s32 $0x80;
	s23 =	simm.s32 $0xA000;
	s1 =	sadd.s32 s0, s1  }
0x1a: {  	[dreg:$0xc] =	wrdreg s1;
	s1 =	sadd.s32 s0, s25;
	s0 =	sadd.s32 s0, s4  }
0x1b: {  	s25 =	simm.s32 $0x12000;
	s4 =	simm.s32 $0x4;
	[dreg:$0xd] =	wrdreg s1  }
0x1c: {  	[dreg:$0xe] =	wrdreg s0;
	s0 =	simm.s32 $0x10000;
	s1 =	simm.s32 $0x3  }
.LBB2_1:
0x1d: {  	s5 =	rddreg [dreg:$0x4]  }
0x1e: {  	[tilespmem:s19], [sflag:$0x9] =	stream.linear.gather [hbm4b:s5+s3], $0x2000, $0x38;
	[tilespmem:$0x1FE00] =	vst v63  }
0x1f: {  	_ =	swait.ge [sflag:s20], $0x2000  }
0x20: {  	[sflag:s20] =	ssyncset.done $0x0  }
0x21: {  	[sflag:s20] =	ssyncadd.s32 $0xFFFFE000  }
0x22: {  	[spmem:s15] =	stream.linear.scatter [tilespmem:s19], [sflag:$0x9], $0x2000, $0x38;
	[tilespmem:$0x1FE00] =	vst v63  }
0x23: {  	_ =	swait.ge [sflag:s20], $0x2000  }
0x24: {  	[sflag:s20] =	ssyncset.done $0x0  }
0x25: {  	[sflag:s20] =	ssyncadd.s32 $0xFFFFE000  }
0x26: {  	[spmem:s16] =	stream.linear.scatter [tilespmem:s19], [sflag:$0x9], $0x2000, $0x38;
	[tilespmem:$0x1FE00] =	vst v63  }
0x27: {  	_ =	swait.ge [sflag:s20], $0x2000  }
0x28: {  	[sflag:s20] =	ssyncset.done $0x0  }
0x29: {  	[sflag:s20] =	ssyncadd.s32 $0xFFFFE000  }
0x2a: {  	[spmem:s17] =	stream.linear.scatter [tilespmem:s19], [sflag:$0x9], $0x2000, $0x38;
	[tilespmem:$0x1FE00] =	vst v63  }
0x2b: {  	_ =	swait.ge [sflag:s20], $0x2000  }
0x2c: {  	[sflag:s20] =	ssyncset.done $0x0  }
0x2d: {  	[sflag:s20] =	ssyncadd.s32 $0xFFFFE000  }
0x2e: {  	[spmem:s6] =	stream.linear.scatter [tilespmem:s19], [sflag:$0x9], $0x2000, $0x38;
	[tilespmem:$0x1FE00] =	vst v63  }
0x2f: {  	_ =	swait.ge [sflag:s20], $0x2000  }
0x30: {  	[sflag:s20] =	ssyncset.done $0x0  }
0x31: {  	[sflag:s20] =	ssyncadd.s32 $0xFFFFE000  }
0x32: {  	[spmem:s7] =	stream.linear.scatter [tilespmem:s19], [sflag:$0x9], $0x1E00, $0x38;
	[tilespmem:$0x1FE00] =	vst v63  }
0x33: {  	_ =	swait.ge [sflag:s20], $0x1E00  }
0x34: {  	[sflag:s20] =	ssyncset.done $0x0  }
0x35: {  	s8 =	smov.u32 s15;
	s15 =	rddreg [dreg:$0x8];
	[sflag:s20] =	ssyncadd.s32 $0xFFFFE200  }
0x36: {  	[tilespmem:s3], [sflag:$0x9] =	stream.linear.gather [hbm4b:s15+s3], $0x5000, $0x38;
	[tilespmem:$0x1FE00] =	vst v63  }
0x37: {  	_ =	swait.ge [sflag:s20], $0x5000  }
0x38: {  	s9 =	smov.u32 s16;
	[sflag:s20] =	ssyncset.done $0x0  }
0x39: {  	s17 =	simm.s32 $0x5000;
	s16 =	rddreg [dreg:$0x9];
	[sflag:s20] =	ssyncadd.s32 $0xFFFFB000  }
0x3a: {  	[tilespmem:s17], [sflag:$0x9] =	stream.linear.gather [hbm4b:s16+s3], $0x5000, $0x38;
	[tilespmem:$0x1FE00] =	vst v63  }
0x3b: {  	_ =	swait.ge [sflag:s20], $0x5000  }
0x3c: {  	[sflag:s20] =	ssyncset.done $0x0  }
0x3d: {  	[sflag:s20] =	ssyncadd.s32 $0xFFFFB000  }
0x3e: {  	[bflag:$0x0] =	sbarrier.arrive $0xFFFF  }
0x3f: {  	[tilespmem:s23], [sflag:$0x1] =	stream.indirect.gather [hbm4b:s12+s22], $0x20, s3, s22, $0xb8;
	[tilespmem:$0x1FE00] =	vst v63  }
0x40: {  	_ = 	snop  }
0x41: {  	[tilespmem:s24], [sflag:$0x2] =	stream.indirect.gather [hbm4b:s12+s22], $0x20, s22, s22, $0xb8;
	[tilespmem:$0x1FE00] =	vst v63  }
0x42: {  	s18 =	simm.s32 $0x100;
	s15 =	simm.s32 $0x0  }
0x43: {  	[tilespmem:s26], [sflag:$0x3] =	stream.indirect.gather [hbm4b:s12+s22], $0x20, s18, s22, $0xb8;
	[tilespmem:$0x1FE00] =	vst v63  }
.LBB2_2:
0x44: {  	s17 =	sshll.u32 s15, $0xB  }
0x45: {  	s5 =	sor.u32 $0x600, s17  }
0x46: {  	s16 =	sshrl.u32 s5, $0x2  }
0x47: {  	[tilespmem:s28], [sflag:$0x4] =	stream.indirect.gather [hbm4b:s12+s22], $0x20, s16, s22, $0xb8;
	[tilespmem:$0x1FE00] =	vst v63  }
0x48: {  	_ =	swait.ge [sflag:s29], $0x1000  }
0x49: {  	p0 =	seq.s32 s15, $0x0;
	[sflag:s29] =	ssyncset.done $0x0  }
0x4a: {  	s5 =	simm.s32 @!p0 $0x5;
	[sflag:s29] =	ssyncadd.s32 $0xFFFFF000  }
0x4b: {  	_ =	swait.ge @!p0 [sflag:s5], $0x2000  }
0x4c: {  	[sflag:s5] =	ssyncset.done @!p0 $0x0  }
0x4d: {  	s13 =	simm.s32 $0xA040;
	[sflag:s5] =	ssyncadd.s32 @!p0 $0xFFFFE000  }
0x4e: {  	v0 =	vld [tilespmem:s13+$0xFFFFFFC0];
	_ =	sdelay $0x4  }
0x4f: {  	s18 =	simm.s32 $0xE080;
	v1 =	vunpack.i.l.bf16.f32 v0  }
0x50: {  	v0 =	vunpack.i.u.bf16.f32 v0;
	[tilespmem:s18+$0xFFFFFF80] =	vst v1  }
0x51: {  	[tilespmem:s18+$0xFFFFFF90] =	vst v0  }
0x52: {  	v0 =	vld [tilespmem:s13+$0xFFFFFFD0];
	_ =	sdelay $0x4  }
0x53: {  	v1 =	vunpack.i.l.bf16.f32 v0  }
0x54: {  	v0 =	vunpack.i.u.bf16.f32 v0;
	[tilespmem:s18+$0xFFFFFFA0] =	vst v1  }
0x55: {  	[tilespmem:s18+$0xFFFFFFB0] =	vst v0  }
0x56: {  	v0 =	vld [tilespmem:s13+$0xFFFFFFE0];
	_ =	sdelay $0x4  }
0x57: {  	v1 =	vunpack.i.l.bf16.f32 v0  }
0x58: {  	v0 =	vunpack.i.u.bf16.f32 v0;
	[tilespmem:s18+$0xFFFFFFC0] =	vst v1  }
0x59: {  	[tilespmem:s18+$0xFFFFFFD0] =	vst v0  }
0x5a: {  	v0 =	vld [tilespmem:s13+$0xFFFFFFF0];
	_ =	sdelay $0x4  }
0x5b: {  	v1 =	vunpack.i.l.bf16.f32 v0  }
0x5c: {  	v0 =	vunpack.i.u.bf16.f32 v0;
	[tilespmem:s18+$0xFFFFFFE0] =	vst v1  }
0x5d: {  	[tilespmem:s18+$0xFFFFFFF0] =	vst v0  }
0x5e: {  	v0 =	vld [tilespmem:s13+$0x0];
	_ =	sdelay $0x4  }
0x5f: {  	v1 =	vunpack.i.l.bf16.f32 v0  }
0x60: {  	v0 =	vunpack.i.u.bf16.f32 v0;
	[tilespmem:s18+$0x0] =	vst v1  }
0x61: {  	[tilespmem:s18+$0x10] =	vst v0  }
0x62: {  	v0 =	vld [tilespmem:s13+$0x10];
	_ =	sdelay $0x4  }
0x63: {  	v1 =	vunpack.i.l.bf16.f32 v0  }
0x64: {  	v0 =	vunpack.i.u.bf16.f32 v0;
	[tilespmem:s18+$0x20] =	vst v1  }
0x65: {  	[tilespmem:s18+$0x30] =	vst v0  }
0x66: {  	v0 =	vld [tilespmem:s13+$0x20];
	_ =	sdelay $0x4  }
0x67: {  	v1 =	vunpack.i.l.bf16.f32 v0  }
0x68: {  	s7 =	simm.s32 $0xE080;
	s6 =	simm.s32 $0xA040;
	s5 =	simm.s32 $0x0;
	v0 =	vunpack.i.u.bf16.f32 v0;
	[tilespmem:s18+$0x40] =	vst v1  }
.LBB2_3:
0x69: {  	s5 =	sadd.s32 $0x4, s5;
	[tilespmem:s18+$0x50] =	vst v0;
	s7 =	sadd.s32 $0x100, s7;
	s13 =	sadd.s32 $0x80, s13  }
0x6a: {  	p1 =	slt.u32 s5, $0x7C;
	v0 =	vld [tilespmem:s6+$0x30];
	s6 =	smov.u32 s13;
	_ =	sdelay $0x4  }
0x6b: {  	v1 =	vunpack.i.u.bf16.f32 v0;
	v0 =	vunpack.i.l.bf16.f32 v0  }
0x6c: {  	[tilespmem:s18+$0x60] =	vst v0  }
0x6d: {  	[tilespmem:s18+$0x70] =	vst v1;
	s18 =	smov.u32 s7  }
0x6e: {  	v0 =	vld [tilespmem:s13+$0xFFFFFFC0];
	_ =	sdelay $0x4  }
0x6f: {  	v1 =	vunpack.i.u.bf16.f32 v0;
	v0 =	vunpack.i.l.bf16.f32 v0  }
0x70: {  	[tilespmem:s7+$0xFFFFFF80] =	vst v0  }
0x71: {  	[tilespmem:s7+$0xFFFFFF90] =	vst v1  }
0x72: {  	v0 =	vld [tilespmem:s13+$0xFFFFFFD0];
	_ =	sdelay $0x4  }
0x73: {  	v1 =	vunpack.i.u.bf16.f32 v0;
	v0 =	vunpack.i.l.bf16.f32 v0  }
0x74: {  	[tilespmem:s7+$0xFFFFFFA0] =	vst v0  }
0x75: {  	[tilespmem:s7+$0xFFFFFFB0] =	vst v1  }
0x76: {  	v0 =	vld [tilespmem:s13+$0xFFFFFFE0];
	_ =	sdelay $0x4  }
0x77: {  	v1 =	vunpack.i.u.bf16.f32 v0;
	v0 =	vunpack.i.l.bf16.f32 v0  }
0x78: {  	[tilespmem:s7+$0xFFFFFFC0] =	vst v0  }
0x79: {  	[tilespmem:s7+$0xFFFFFFD0] =	vst v1  }
0x7a: {  	v0 =	vld [tilespmem:s13+$0xFFFFFFF0];
	_ =	sdelay $0x4  }
0x7b: {  	v1 =	vunpack.i.u.bf16.f32 v0;
	v0 =	vunpack.i.l.bf16.f32 v0  }
0x7c: {  	[tilespmem:s7+$0xFFFFFFE0] =	vst v0  }
0x7d: {  	[tilespmem:s7+$0xFFFFFFF0] =	vst v1  }
0x7e: {  	v0 =	vld [tilespmem:s13+$0x0];
	_ =	sdelay $0x4  }
0x7f: {  	v1 =	vunpack.i.u.bf16.f32 v0;
	v0 =	vunpack.i.l.bf16.f32 v0  }
0x80: {  	[tilespmem:s7+$0x0] =	vst v0  }
0x81: {  	[tilespmem:s7+$0x10] =	vst v1  }
0x82: {  	v0 =	vld [tilespmem:s13+$0x10];
	_ =	sdelay $0x4  }
0x83: {  	v1 =	vunpack.i.u.bf16.f32 v0;
	v0 =	vunpack.i.l.bf16.f32 v0  }
0x84: {  	[tilespmem:s7+$0x20] =	vst v0  }
0x85: {  	[tilespmem:s7+$0x30] =	vst v1  }
0x86: {  	v1 =	vld [tilespmem:s13+$0x20];
	_ =	sdelay $0x1  }
.Ltmp0:
0x87: {  	(pc) =	sbr.rel @p1 .LBB2_3-.Ltmp0, $3  }
0x88: {  	_ =	sdelay $0x1  }
0x89: {  	v0 =	vunpack.i.u.bf16.f32 v1;
	v1 =	vunpack.i.l.bf16.f32 v1  }
0x8a: {  	[tilespmem:s7+$0x40] =	vst v1  }
0x8b: {  	[tilespmem:s18+$0x50] =	vst v0  }
0x8c: {  	v0 =	vld [tilespmem:s6+$0x30];
	_ =	sdelay $0x2  }
0x8d: {  	p1 =	sne.s32 s15, $0x27  }
.Ltmp1:
0x8e: {  	_ = 	snop;
	(pc) =	sbr.rel @p1 .LBB2_6-.Ltmp1, $4  }
0x8f: {  	v1 =	vunpack.i.l.bf16.f32 v0  }
0x90: {  	s17 =	sshrl.u32 s17, $0x2;
	v0 =	vunpack.i.u.bf16.f32 v0;
	[tilespmem:s18+$0x60] =	vst v1  }
0x91: {  	s5 =	sadd.s32 $0x5000, s17;
	[tilespmem:s18+$0x70] =	vst v0  }
0x92: {  	[spmem:s2] =	stream.indirect.scatter.add.f32 [tilespmem:s19], [sflag:$0x5], $0x40, s5, s22, $0xb8;
	[tilespmem:$0x1FE00] =	vst v63  }
.Ltmp2:
0x93: {  	(pc) =	sbr.rel .LBB2_7-.Ltmp2, $4  }
0x94: {  	_ = 	snop  }
0x95: {  	_ =	swait.ge [sflag:s30], $0x1000  }
0x96: {  	[sflag:s30] =	ssyncset.done $0x0  }
0x97: {  	[sflag:s30] =	ssyncadd.s32 $0xFFFFF000  }
.LBB2_6:
.Ltmp3:
0x98: {  	s5 =	sadd.s32 $0x200, s17;
	(pc) =	sbr.rel @p0 .LBB2_8-.Ltmp3, $4  }
0x99: {  	[tilespmem:s23], [sflag:$0x1] =	stream.indirect.gather [hbm4b:s12+s22], $0x20, s5, s22, $0xb8;
	[tilespmem:$0x1FE00] =	vst v63  }
0x9a: {  	_ =	swait.ge [sflag:s30], $0x1000  }
0x9b: {  	[sflag:s30] =	ssyncset.done $0x0  }
0x9c: {  	[sflag:s30] =	ssyncadd.s32 $0xFFFFF000  }
.LBB2_7:
0x9d: {  	_ =	swait.ge [sflag:s31], $0x2000  }
0x9e: {  	[sflag:s31] =	ssyncset.done $0x0  }
0x9f: {  	[sflag:s31] =	ssyncadd.s32 $0xFFFFE000  }
.LBB2_8:
0xa0: {  	s13 =	simm.s32 $0xB040  }
0xa1: {  	v0 =	vld [tilespmem:s13+$0xFFFFFFC0];
	_ =	sdelay $0x4  }
0xa2: {  	s18 =	simm.s32 $0x10080;
	v1 =	vunpack.i.l.bf16.f32 v0  }
0xa3: {  	v0 =	vunpack.i.u.bf16.f32 v0;
	[tilespmem:s18+$0xFFFFFF80] =	vst v1  }
0xa4: {  	[tilespmem:s18+$0xFFFFFF90] =	vst v0  }
0xa5: {  	v0 =	vld [tilespmem:s13+$0xFFFFFFD0];
	_ =	sdelay $0x4  }
0xa6: {  	v1 =	vunpack.i.l.bf16.f32 v0  }
0xa7: {  	v0 =	vunpack.i.u.bf16.f32 v0;
	[tilespmem:s18+$0xFFFFFFA0] =	vst v1  }
0xa8: {  	[tilespmem:s18+$0xFFFFFFB0] =	vst v0  }
0xa9: {  	v0 =	vld [tilespmem:s13+$0xFFFFFFE0];
	_ =	sdelay $0x4  }
0xaa: {  	v1 =	vunpack.i.l.bf16.f32 v0  }
0xab: {  	v0 =	vunpack.i.u.bf16.f32 v0;
	[tilespmem:s18+$0xFFFFFFC0] =	vst v1  }
0xac: {  	[tilespmem:s18+$0xFFFFFFD0] =	vst v0  }
0xad: {  	v0 =	vld [tilespmem:s13+$0xFFFFFFF0];
	_ =	sdelay $0x4  }
0xae: {  	v1 =	vunpack.i.l.bf16.f32 v0  }
0xaf: {  	v0 =	vunpack.i.u.bf16.f32 v0;
	[tilespmem:s18+$0xFFFFFFE0] =	vst v1  }
0xb0: {  	[tilespmem:s18+$0xFFFFFFF0] =	vst v0  }
0xb1: {  	v0 =	vld [tilespmem:s13+$0x0];
	_ =	sdelay $0x4  }
0xb2: {  	v1 =	vunpack.i.l.bf16.f32 v0  }
0xb3: {  	v0 =	vunpack.i.u.bf16.f32 v0;
	[tilespmem:s18+$0x0] =	vst v1  }
0xb4: {  	[tilespmem:s18+$0x10] =	vst v0  }
0xb5: {  	v0 =	vld [tilespmem:s13+$0x10];
	_ =	sdelay $0x4  }
0xb6: {  	v1 =	vunpack.i.l.bf16.f32 v0  }
0xb7: {  	v0 =	vunpack.i.u.bf16.f32 v0;
	[tilespmem:s18+$0x20] =	vst v1  }
0xb8: {  	[tilespmem:s18+$0x30] =	vst v0  }
0xb9: {  	v0 =	vld [tilespmem:s13+$0x20];
	_ =	sdelay $0x4  }
0xba: {  	v1 =	vunpack.i.l.bf16.f32 v0  }
0xbb: {  	s5 =	simm.s32 $0x0;
	s7 =	simm.s32 $0x10080;
	s6 =	simm.s32 $0xB040;
	v0 =	vunpack.i.u.bf16.f32 v0;
	[tilespmem:s18+$0x40] =	vst v1  }
.LBB2_9:
0xbc: {  	s5 =	sadd.s32 $0x4, s5;
	[tilespmem:s18+$0x50] =	vst v0;
	s7 =	sadd.s32 $0x100, s7;
	s13 =	sadd.s32 $0x80, s13  }
0xbd: {  	p2 =	slt.u32 s5, $0x7C;
	v0 =	vld [tilespmem:s6+$0x30];
	s6 =	smov.u32 s13;
	_ =	sdelay $0x4  }
0xbe: {  	v1 =	vunpack.i.u.bf16.f32 v0;
	v0 =	vunpack.i.l.bf16.f32 v0  }
0xbf: {  	[tilespmem:s18+$0x60] =	vst v0  }
0xc0: {  	[tilespmem:s18+$0x70] =	vst v1;
	s18 =	smov.u32 s7  }
0xc1: {  	v0 =	vld [tilespmem:s13+$0xFFFFFFC0];
	_ =	sdelay $0x4  }
0xc2: {  	v1 =	vunpack.i.u.bf16.f32 v0;
	v0 =	vunpack.i.l.bf16.f32 v0  }
0xc3: {  	[tilespmem:s7+$0xFFFFFF80] =	vst v0  }
0xc4: {  	[tilespmem:s7+$0xFFFFFF90] =	vst v1  }
0xc5: {  	v0 =	vld [tilespmem:s13+$0xFFFFFFD0];
	_ =	sdelay $0x4  }
0xc6: {  	v1 =	vunpack.i.u.bf16.f32 v0;
	v0 =	vunpack.i.l.bf16.f32 v0  }
0xc7: {  	[tilespmem:s7+$0xFFFFFFA0] =	vst v0  }
0xc8: {  	[tilespmem:s7+$0xFFFFFFB0] =	vst v1  }
0xc9: {  	v0 =	vld [tilespmem:s13+$0xFFFFFFE0];
	_ =	sdelay $0x4  }
0xca: {  	v1 =	vunpack.i.u.bf16.f32 v0;
	v0 =	vunpack.i.l.bf16.f32 v0  }
0xcb: {  	[tilespmem:s7+$0xFFFFFFC0] =	vst v0  }
0xcc: {  	[tilespmem:s7+$0xFFFFFFD0] =	vst v1  }
0xcd: {  	v0 =	vld [tilespmem:s13+$0xFFFFFFF0];
	_ =	sdelay $0x4  }
0xce: {  	v1 =	vunpack.i.u.bf16.f32 v0;
	v0 =	vunpack.i.l.bf16.f32 v0  }
0xcf: {  	[tilespmem:s7+$0xFFFFFFE0] =	vst v0  }
0xd0: {  	[tilespmem:s7+$0xFFFFFFF0] =	vst v1  }
0xd1: {  	v0 =	vld [tilespmem:s13+$0x0];
	_ =	sdelay $0x4  }
0xd2: {  	v1 =	vunpack.i.u.bf16.f32 v0;
	v0 =	vunpack.i.l.bf16.f32 v0  }
0xd3: {  	[tilespmem:s7+$0x0] =	vst v0  }
0xd4: {  	[tilespmem:s7+$0x10] =	vst v1  }
0xd5: {  	v0 =	vld [tilespmem:s13+$0x10];
	_ =	sdelay $0x4  }
0xd6: {  	v1 =	vunpack.i.u.bf16.f32 v0;
	v0 =	vunpack.i.l.bf16.f32 v0  }
0xd7: {  	[tilespmem:s7+$0x20] =	vst v0  }
0xd8: {  	[tilespmem:s7+$0x30] =	vst v1  }
0xd9: {  	v1 =	vld [tilespmem:s13+$0x20];
	_ =	sdelay $0x1  }
.Ltmp4:
0xda: {  	(pc) =	sbr.rel @p2 .LBB2_9-.Ltmp4, $3  }
0xdb: {  	_ =	sdelay $0x1  }
0xdc: {  	v0 =	vunpack.i.u.bf16.f32 v1;
	v1 =	vunpack.i.l.bf16.f32 v1  }
0xdd: {  	[tilespmem:s7+$0x40] =	vst v1  }
0xde: {  	[tilespmem:s18+$0x50] =	vst v0  }
0xdf: {  	v0 =	vld [tilespmem:s6+$0x30];
	_ =	sdelay $0x3  }
.Ltmp5:
0xe0: {  	_ = 	snop;
	(pc) =	sbr.rel @p1 .LBB2_12-.Ltmp5, $4  }
0xe1: {  	v1 =	vunpack.i.l.bf16.f32 v0  }
0xe2: {  	v0 =	vunpack.i.u.bf16.f32 v0;
	[tilespmem:s18+$0x60] =	vst v1  }
0xe3: {  	s5 =	sadd.s32 $0x5080, s17;
	[tilespmem:s18+$0x70] =	vst v0  }
0xe4: {  	[spmem:s2] =	stream.indirect.scatter.add.f32 [tilespmem:s0], [sflag:$0x6], $0x40, s5, s22, $0xb8;
	[tilespmem:$0x1FE00] =	vst v63  }
.Ltmp6:
0xe5: {  	(pc) =	sbr.rel .LBB2_13-.Ltmp6, $4  }
0xe6: {  	_ = 	snop  }
0xe7: {  	_ =	swait.ge [sflag:s1], $0x1000  }
0xe8: {  	[sflag:s1] =	ssyncset.done $0x0  }
0xe9: {  	[sflag:s1] =	ssyncadd.s32 $0xFFFFF000  }
.LBB2_12:
.Ltmp7:
0xea: {  	s5 =	sadd.s32 $0x280, s17;
	(pc) =	sbr.rel @p0 .LBB2_14-.Ltmp7, $4  }
0xeb: {  	[tilespmem:s24], [sflag:$0x2] =	stream.indirect.gather [hbm4b:s12+s22], $0x20, s5, s22, $0xb8;
	[tilespmem:$0x1FE00] =	vst v63  }
0xec: {  	_ =	swait.ge [sflag:s1], $0x1000  }
0xed: {  	[sflag:s1] =	ssyncset.done $0x0  }
0xee: {  	[sflag:s1] =	ssyncadd.s32 $0xFFFFF000  }
.LBB2_13:
0xef: {  	_ =	swait.ge [sflag:s21], $0x2000  }
0xf0: {  	[sflag:s21] =	ssyncset.done $0x0  }
0xf1: {  	[sflag:s21] =	ssyncadd.s32 $0xFFFFE000  }
.LBB2_14:
0xf2: {  	s13 =	simm.s32 $0xC040  }
0xf3: {  	v0 =	vld [tilespmem:s13+$0xFFFFFFC0];
	_ =	sdelay $0x4  }
0xf4: {  	s18 =	simm.s32 $0x12080;
	v1 =	vunpack.i.l.bf16.f32 v0  }
0xf5: {  	v0 =	vunpack.i.u.bf16.f32 v0;
	[tilespmem:s18+$0xFFFFFF80] =	vst v1  }
0xf6: {  	[tilespmem:s18+$0xFFFFFF90] =	vst v0  }
0xf7: {  	v0 =	vld [tilespmem:s13+$0xFFFFFFD0];
	_ =	sdelay $0x4  }
0xf8: {  	v1 =	vunpack.i.l.bf16.f32 v0  }
0xf9: {  	v0 =	vunpack.i.u.bf16.f32 v0;
	[tilespmem:s18+$0xFFFFFFA0] =	vst v1  }
0xfa: {  	[tilespmem:s18+$0xFFFFFFB0] =	vst v0  }
0xfb: {  	v0 =	vld [tilespmem:s13+$0xFFFFFFE0];
	_ =	sdelay $0x4  }
0xfc: {  	v1 =	vunpack.i.l.bf16.f32 v0  }
0xfd: {  	v0 =	vunpack.i.u.bf16.f32 v0;
	[tilespmem:s18+$0xFFFFFFC0] =	vst v1  }
0xfe: {  	[tilespmem:s18+$0xFFFFFFD0] =	vst v0  }
0xff: {  	v0 =	vld [tilespmem:s13+$0xFFFFFFF0];
	_ =	sdelay $0x4  }
0x100: {  	v1 =	vunpack.i.l.bf16.f32 v0  }
0x101: {  	v0 =	vunpack.i.u.bf16.f32 v0;
	[tilespmem:s18+$0xFFFFFFE0] =	vst v1  }
0x102: {  	[tilespmem:s18+$0xFFFFFFF0] =	vst v0  }
0x103: {  	v0 =	vld [tilespmem:s13+$0x0];
	_ =	sdelay $0x4  }
0x104: {  	v1 =	vunpack.i.l.bf16.f32 v0  }
0x105: {  	v0 =	vunpack.i.u.bf16.f32 v0;
	[tilespmem:s18+$0x0] =	vst v1  }
0x106: {  	[tilespmem:s18+$0x10] =	vst v0  }
0x107: {  	v0 =	vld [tilespmem:s13+$0x10];
	_ =	sdelay $0x4  }
0x108: {  	v1 =	vunpack.i.l.bf16.f32 v0  }
0x109: {  	v0 =	vunpack.i.u.bf16.f32 v0;
	[tilespmem:s18+$0x20] =	vst v1  }
0x10a: {  	[tilespmem:s18+$0x30] =	vst v0  }
0x10b: {  	v0 =	vld [tilespmem:s13+$0x20];
	_ =	sdelay $0x4  }
0x10c: {  	v1 =	vunpack.i.l.bf16.f32 v0  }
0x10d: {  	s5 =	simm.s32 $0x0;
	s7 =	simm.s32 $0x12080;
	s6 =	simm.s32 $0xC040;
	v0 =	vunpack.i.u.bf16.f32 v0;
	[tilespmem:s18+$0x40] =	vst v1  }
.LBB2_15:
0x10e: {  	s5 =	sadd.s32 $0x4, s5;
	[tilespmem:s18+$0x50] =	vst v0;
	s7 =	sadd.s32 $0x100, s7;
	s13 =	sadd.s32 $0x80, s13  }
0x10f: {  	p2 =	slt.u32 s5, $0x7C;
	v0 =	vld [tilespmem:s6+$0x30];
	s6 =	smov.u32 s13;
	_ =	sdelay $0x4  }
0x110: {  	v1 =	vunpack.i.u.bf16.f32 v0;
	v0 =	vunpack.i.l.bf16.f32 v0  }
0x111: {  	[tilespmem:s18+$0x60] =	vst v0  }
0x112: {  	[tilespmem:s18+$0x70] =	vst v1;
	s18 =	smov.u32 s7  }
0x113: {  	v0 =	vld [tilespmem:s13+$0xFFFFFFC0];
	_ =	sdelay $0x4  }
0x114: {  	v1 =	vunpack.i.u.bf16.f32 v0;
	v0 =	vunpack.i.l.bf16.f32 v0  }
0x115: {  	[tilespmem:s7+$0xFFFFFF80] =	vst v0  }
0x116: {  	[tilespmem:s7+$0xFFFFFF90] =	vst v1  }
0x117: {  	v0 =	vld [tilespmem:s13+$0xFFFFFFD0];
	_ =	sdelay $0x4  }
0x118: {  	v1 =	vunpack.i.u.bf16.f32 v0;
	v0 =	vunpack.i.l.bf16.f32 v0  }
0x119: {  	[tilespmem:s7+$0xFFFFFFA0] =	vst v0  }
0x11a: {  	[tilespmem:s7+$0xFFFFFFB0] =	vst v1  }
0x11b: {  	v0 =	vld [tilespmem:s13+$0xFFFFFFE0];
	_ =	sdelay $0x4  }
0x11c: {  	v1 =	vunpack.i.u.bf16.f32 v0;
	v0 =	vunpack.i.l.bf16.f32 v0  }
0x11d: {  	[tilespmem:s7+$0xFFFFFFC0] =	vst v0  }
0x11e: {  	[tilespmem:s7+$0xFFFFFFD0] =	vst v1  }
0x11f: {  	v0 =	vld [tilespmem:s13+$0xFFFFFFF0];
	_ =	sdelay $0x4  }
0x120: {  	v1 =	vunpack.i.u.bf16.f32 v0;
	v0 =	vunpack.i.l.bf16.f32 v0  }
0x121: {  	[tilespmem:s7+$0xFFFFFFE0] =	vst v0  }
0x122: {  	[tilespmem:s7+$0xFFFFFFF0] =	vst v1  }
0x123: {  	v0 =	vld [tilespmem:s13+$0x0];
	_ =	sdelay $0x4  }
0x124: {  	v1 =	vunpack.i.u.bf16.f32 v0;
	v0 =	vunpack.i.l.bf16.f32 v0  }
0x125: {  	[tilespmem:s7+$0x0] =	vst v0  }
0x126: {  	[tilespmem:s7+$0x10] =	vst v1  }
0x127: {  	v0 =	vld [tilespmem:s13+$0x10];
	_ =	sdelay $0x4  }
0x128: {  	v1 =	vunpack.i.u.bf16.f32 v0;
	v0 =	vunpack.i.l.bf16.f32 v0  }
0x129: {  	[tilespmem:s7+$0x20] =	vst v0  }
0x12a: {  	[tilespmem:s7+$0x30] =	vst v1  }
0x12b: {  	v1 =	vld [tilespmem:s13+$0x20];
	_ =	sdelay $0x1  }
.Ltmp8:
0x12c: {  	(pc) =	sbr.rel @p2 .LBB2_15-.Ltmp8, $3  }
0x12d: {  	_ =	sdelay $0x1  }
0x12e: {  	v0 =	vunpack.i.u.bf16.f32 v1;
	v1 =	vunpack.i.l.bf16.f32 v1  }
0x12f: {  	[tilespmem:s7+$0x40] =	vst v1  }
0x130: {  	[tilespmem:s18+$0x50] =	vst v0  }
0x131: {  	v0 =	vld [tilespmem:s6+$0x30];
	_ =	sdelay $0x3  }
.Ltmp9:
0x132: {  	_ = 	snop;
	(pc) =	sbr.rel @p1 .LBB2_18-.Ltmp9, $4  }
0x133: {  	v1 =	vunpack.i.l.bf16.f32 v0  }
0x134: {  	v0 =	vunpack.i.u.bf16.f32 v0;
	[tilespmem:s18+$0x60] =	vst v1  }
0x135: {  	s5 =	sadd.s32 $0x5100, s17;
	[tilespmem:s18+$0x70] =	vst v0  }
0x136: {  	[spmem:s2] =	stream.indirect.scatter.add.f32 [tilespmem:s25], [sflag:$0x7], $0x40, s5, s22, $0xb8;
	[tilespmem:$0x1FE00] =	vst v63  }
.Ltmp10:
0x137: {  	(pc) =	sbr.rel .LBB2_19-.Ltmp10, $4  }
0x138: {  	_ = 	snop  }
0x139: {  	_ =	swait.ge [sflag:s4], $0x1000  }
0x13a: {  	[sflag:s4] =	ssyncset.done $0x0  }
0x13b: {  	[sflag:s4] =	ssyncadd.s32 $0xFFFFF000  }
.LBB2_18:
.Ltmp11:
0x13c: {  	s5 =	sadd.s32 $0x300, s17;
	(pc) =	sbr.rel @p0 .LBB2_20-.Ltmp11, $4  }
0x13d: {  	[tilespmem:s26], [sflag:$0x3] =	stream.indirect.gather [hbm4b:s12+s22], $0x20, s5, s22, $0xb8;
	[tilespmem:$0x1FE00] =	vst v63  }
0x13e: {  	_ =	swait.ge [sflag:s4], $0x1000  }
0x13f: {  	[sflag:s4] =	ssyncset.done $0x0  }
0x140: {  	[sflag:s4] =	ssyncadd.s32 $0xFFFFF000  }
.LBB2_19:
0x141: {  	_ =	swait.ge [sflag:s10], $0x2000  }
0x142: {  	[sflag:s10] =	ssyncset.done $0x0  }
0x143: {  	[sflag:s10] =	ssyncadd.s32 $0xFFFFE000  }
.LBB2_20:
0x144: {  	s13 =	simm.s32 $0xD040  }
0x145: {  	v0 =	vld [tilespmem:s13+$0xFFFFFFC0];
	_ =	sdelay $0x4  }
0x146: {  	s17 =	simm.s32 $0x14080;
	v1 =	vunpack.i.l.bf16.f32 v0  }
0x147: {  	v0 =	vunpack.i.u.bf16.f32 v0;
	[tilespmem:s17+$0xFFFFFF80] =	vst v1  }
0x148: {  	[tilespmem:s17+$0xFFFFFF90] =	vst v0  }
0x149: {  	v0 =	vld [tilespmem:s13+$0xFFFFFFD0];
	_ =	sdelay $0x4  }
0x14a: {  	v1 =	vunpack.i.l.bf16.f32 v0  }
0x14b: {  	v0 =	vunpack.i.u.bf16.f32 v0;
	[tilespmem:s17+$0xFFFFFFA0] =	vst v1  }
0x14c: {  	[tilespmem:s17+$0xFFFFFFB0] =	vst v0  }
0x14d: {  	v0 =	vld [tilespmem:s13+$0xFFFFFFE0];
	_ =	sdelay $0x4  }
0x14e: {  	v1 =	vunpack.i.l.bf16.f32 v0  }
0x14f: {  	v0 =	vunpack.i.u.bf16.f32 v0;
	[tilespmem:s17+$0xFFFFFFC0] =	vst v1  }
0x150: {  	[tilespmem:s17+$0xFFFFFFD0] =	vst v0  }
0x151: {  	v0 =	vld [tilespmem:s13+$0xFFFFFFF0];
	_ =	sdelay $0x4  }
0x152: {  	v1 =	vunpack.i.l.bf16.f32 v0  }
0x153: {  	v0 =	vunpack.i.u.bf16.f32 v0;
	[tilespmem:s17+$0xFFFFFFE0] =	vst v1  }
0x154: {  	[tilespmem:s17+$0xFFFFFFF0] =	vst v0  }
0x155: {  	v0 =	vld [tilespmem:s13+$0x0];
	_ =	sdelay $0x4  }
0x156: {  	v1 =	vunpack.i.l.bf16.f32 v0  }
0x157: {  	v0 =	vunpack.i.u.bf16.f32 v0;
	[tilespmem:s17+$0x0] =	vst v1  }
0x158: {  	[tilespmem:s17+$0x10] =	vst v0  }
0x159: {  	v0 =	vld [tilespmem:s13+$0x10];
	_ =	sdelay $0x4  }
0x15a: {  	v1 =	vunpack.i.l.bf16.f32 v0  }
0x15b: {  	v0 =	vunpack.i.u.bf16.f32 v0;
	[tilespmem:s17+$0x20] =	vst v1  }
0x15c: {  	[tilespmem:s17+$0x30] =	vst v0  }
0x15d: {  	v0 =	vld [tilespmem:s13+$0x20];
	_ =	sdelay $0x4  }
0x15e: {  	v1 =	vunpack.i.l.bf16.f32 v0  }
0x15f: {  	s5 =	simm.s32 $0x0;
	s7 =	simm.s32 $0x14080;
	s6 =	simm.s32 $0xD040;
	v0 =	vunpack.i.u.bf16.f32 v0;
	[tilespmem:s17+$0x40] =	vst v1  }
.LBB2_21:
0x160: {  	s5 =	sadd.s32 $0x4, s5;
	[tilespmem:s17+$0x50] =	vst v0;
	s7 =	sadd.s32 $0x100, s7;
	s13 =	sadd.s32 $0x80, s13  }
0x161: {  	p0 =	slt.u32 s5, $0x7C;
	v0 =	vld [tilespmem:s6+$0x30];
	s6 =	smov.u32 s13;
	_ =	sdelay $0x4  }
0x162: {  	v1 =	vunpack.i.u.bf16.f32 v0;
	v0 =	vunpack.i.l.bf16.f32 v0  }
0x163: {  	[tilespmem:s17+$0x60] =	vst v0  }
0x164: {  	[tilespmem:s17+$0x70] =	vst v1;
	s17 =	smov.u32 s7  }
0x165: {  	v0 =	vld [tilespmem:s13+$0xFFFFFFC0];
	_ =	sdelay $0x4  }
0x166: {  	v1 =	vunpack.i.u.bf16.f32 v0;
	v0 =	vunpack.i.l.bf16.f32 v0  }
0x167: {  	[tilespmem:s7+$0xFFFFFF80] =	vst v0  }
0x168: {  	[tilespmem:s7+$0xFFFFFF90] =	vst v1  }
0x169: {  	v0 =	vld [tilespmem:s13+$0xFFFFFFD0];
	_ =	sdelay $0x4  }
0x16a: {  	v1 =	vunpack.i.u.bf16.f32 v0;
	v0 =	vunpack.i.l.bf16.f32 v0  }
0x16b: {  	[tilespmem:s7+$0xFFFFFFA0] =	vst v0  }
0x16c: {  	[tilespmem:s7+$0xFFFFFFB0] =	vst v1  }
0x16d: {  	v0 =	vld [tilespmem:s13+$0xFFFFFFE0];
	_ =	sdelay $0x4  }
0x16e: {  	v1 =	vunpack.i.u.bf16.f32 v0;
	v0 =	vunpack.i.l.bf16.f32 v0  }
0x16f: {  	[tilespmem:s7+$0xFFFFFFC0] =	vst v0  }
0x170: {  	[tilespmem:s7+$0xFFFFFFD0] =	vst v1  }
0x171: {  	v0 =	vld [tilespmem:s13+$0xFFFFFFF0];
	_ =	sdelay $0x4  }
0x172: {  	v1 =	vunpack.i.u.bf16.f32 v0;
	v0 =	vunpack.i.l.bf16.f32 v0  }
0x173: {  	[tilespmem:s7+$0xFFFFFFE0] =	vst v0  }
0x174: {  	[tilespmem:s7+$0xFFFFFFF0] =	vst v1  }
0x175: {  	v0 =	vld [tilespmem:s13+$0x0];
	_ =	sdelay $0x4  }
0x176: {  	v1 =	vunpack.i.u.bf16.f32 v0;
	v0 =	vunpack.i.l.bf16.f32 v0  }
0x177: {  	[tilespmem:s7+$0x0] =	vst v0  }
0x178: {  	[tilespmem:s7+$0x10] =	vst v1  }
0x179: {  	v0 =	vld [tilespmem:s13+$0x10];
	_ =	sdelay $0x4  }
0x17a: {  	v1 =	vunpack.i.u.bf16.f32 v0;
	v0 =	vunpack.i.l.bf16.f32 v0  }
0x17b: {  	[tilespmem:s7+$0x20] =	vst v0  }
0x17c: {  	[tilespmem:s7+$0x30] =	vst v1  }
0x17d: {  	v1 =	vld [tilespmem:s13+$0x20];
	_ =	sdelay $0x1  }
.Ltmp12:
0x17e: {  	(pc) =	sbr.rel @p0 .LBB2_21-.Ltmp12, $3  }
0x17f: {  	_ =	sdelay $0x1  }
0x180: {  	v0 =	vunpack.i.u.bf16.f32 v1;
	v1 =	vunpack.i.l.bf16.f32 v1  }
0x181: {  	[tilespmem:s7+$0x40] =	vst v1  }
0x182: {  	[tilespmem:s17+$0x50] =	vst v0  }
0x183: {  	v0 =	vld [tilespmem:s6+$0x30];
	_ =	sdelay $0x1  }
0x184: {  	s15 =	sadd.s32 $0x1, s15  }
0x185: {  	p0 =	sne.s32 s15, $0x28  }
.Ltmp13:
0x186: {  	_ = 	snop;
	(pc) =	sbr.rel @p0 .LBB2_2-.Ltmp13, $4  }
0x187: {  	v1 =	vunpack.i.l.bf16.f32 v0  }
0x188: {  	v0 =	vunpack.i.u.bf16.f32 v0;
	[tilespmem:s17+$0x60] =	vst v1  }
0x189: {  	s5 =	sadd.s32 $0x5000, s16;
	[tilespmem:s17+$0x70] =	vst v0  }
0x18a: {  	[spmem:s2] =	stream.indirect.scatter.add.f32 [tilespmem:s11], [sflag:$0x8], $0x40, s5, s22, $0xb8;
	[tilespmem:$0x1FE00] =	vst v63  }
0x18b: {  	s5 =	simm.s32 $0x5  }
0x18c: {  	_ =	swait.ge [sflag:s5], $0x2000  }
0x18d: {  	[sflag:s5] =	ssyncset.done $0x0  }
0x18e: {  	[sflag:s5] =	ssyncadd.s32 $0xFFFFE000  }
0x18f: {  	_ =	swait.ge [sflag:s31], $0x2000  }
0x190: {  	[sflag:s31] =	ssyncset.done $0x0  }
0x191: {  	[sflag:s31] =	ssyncadd.s32 $0xFFFFE000  }
0x192: {  	_ =	swait.ge [sflag:s21], $0x2000  }
0x193: {  	[sflag:s21] =	ssyncset.done $0x0  }
0x194: {  	[sflag:s21] =	ssyncadd.s32 $0xFFFFE000  }
0x195: {  	_ =	swait.ge [sflag:s10], $0x2000  }
0x196: {  	[sflag:s10] =	ssyncset.done $0x0  }
0x197: {  	[sflag:s10] =	ssyncadd.s32 $0xFFFFE000  }
0x198: {  	[bflag:$0x0] =	sbarrier.arrive $0xFFFF  }
0x199: {  	[tilespmem:s19], [sflag:$0x9] =	stream.linear.gather [spmem:s8], $0x2000, $0x38;
	[tilespmem:$0x1FE00] =	vst v63  }
0x19a: {  	_ =	swait.ge [sflag:s20], $0x2000  }
0x19b: {  	[sflag:s20] =	ssyncset.done $0x0  }
0x19c: {  	s6 =	rddreg [dreg:$0xa];
	[sflag:s20] =	ssyncadd.s32 $0xFFFFE000  }
0x19d: {  	[hbm4b:s6+s3] =	stream.linear.scatter [tilespmem:s19], [sflag:$0x9], $0x2000, $0x38;
	[tilespmem:$0x1FE00] =	vst v63  }
0x19e: {  	_ =	swait.ge [sflag:s20], $0x2000  }
0x19f: {  	[sflag:s20] =	ssyncset.done $0x0  }
0x1a0: {  	[sflag:s20] =	ssyncadd.s32 $0xFFFFE000  }
0x1a1: {  	[tilespmem:s19], [sflag:$0x9] =	stream.linear.gather [spmem:s9], $0x2000, $0x38;
	[tilespmem:$0x1FE00] =	vst v63  }
0x1a2: {  	_ =	swait.ge [sflag:s20], $0x2000  }
0x1a3: {  	[sflag:s20] =	ssyncset.done $0x0  }
0x1a4: {  	s7 =	rddreg [dreg:$0xb];
	[sflag:s20] =	ssyncadd.s32 $0xFFFFE000  }
0x1a5: {  	[hbm4b:s7+s3] =	stream.linear.scatter [tilespmem:s19], [sflag:$0x9], $0x2000, $0x38;
	[tilespmem:$0x1FE00] =	vst v63  }
0x1a6: {  	_ =	swait.ge [sflag:s20], $0x2000  }
0x1a7: {  	[sflag:s20] =	ssyncset.done $0x0  }
0x1a8: {  	s17 =	rddreg [dreg:$0x5];
	[sflag:s20] =	ssyncadd.s32 $0xFFFFE000  }
0x1a9: {  	[tilespmem:s19], [sflag:$0x9] =	stream.linear.gather [spmem:s17], $0x2000, $0x38;
	[tilespmem:$0x1FE00] =	vst v63  }
0x1aa: {  	_ =	swait.ge [sflag:s20], $0x2000  }
0x1ab: {  	[sflag:s20] =	ssyncset.done $0x0  }
0x1ac: {  	s15 =	smov.u32 s8;
	s8 =	rddreg [dreg:$0xc];
	[sflag:s20] =	ssyncadd.s32 $0xFFFFE000  }
0x1ad: {  	[hbm4b:s8+s3] =	stream.linear.scatter [tilespmem:s19], [sflag:$0x9], $0x2000, $0x38;
	[tilespmem:$0x1FE00] =	vst v63  }
0x1ae: {  	_ =	swait.ge [sflag:s20], $0x2000  }
0x1af: {  	[sflag:s20] =	ssyncset.done $0x0  }
0x1b0: {  	s6 =	rddreg [dreg:$0x6];
	[sflag:s20] =	ssyncadd.s32 $0xFFFFE000  }
0x1b1: {  	[tilespmem:s19], [sflag:$0x9] =	stream.linear.gather [spmem:s6], $0x2000, $0x38;
	[tilespmem:$0x1FE00] =	vst v63  }
0x1b2: {  	_ =	swait.ge [sflag:s20], $0x2000  }
0x1b3: {  	[sflag:s20] =	ssyncset.done $0x0  }
0x1b4: {  	s16 =	smov.u32 s9;
	s9 =	rddreg [dreg:$0xd];
	[sflag:s20] =	ssyncadd.s32 $0xFFFFE000  }
0x1b5: {  	[hbm4b:s9+s3] =	stream.linear.scatter [tilespmem:s19], [sflag:$0x9], $0x2000, $0x38;
	[tilespmem:$0x1FE00] =	vst v63  }
0x1b6: {  	_ =	swait.ge [sflag:s20], $0x2000  }
0x1b7: {  	[sflag:s20] =	ssyncset.done $0x0  }
0x1b8: {  	s7 =	rddreg [dreg:$0x7];
	[sflag:s20] =	ssyncadd.s32 $0xFFFFE000  }
0x1b9: {  	[tilespmem:s19], [sflag:$0x9] =	stream.linear.gather [spmem:s7], $0x1E00, $0x38;
	[tilespmem:$0x1FE00] =	vst v63  }
0x1ba: {  	_ =	swait.ge [sflag:s20], $0x1E00  }
0x1bb: {  	[sflag:s20] =	ssyncset.done $0x0  }
0x1bc: {  	s13 =	rddreg [dreg:$0xe];
	[sflag:s20] =	ssyncadd.s32 $0xFFFFE200  }
0x1bd: {  	[hbm4b:s13+s3] =	stream.linear.scatter [tilespmem:s19], [sflag:$0x9], $0x1E00, $0x38;
	[tilespmem:$0x1FE00] =	vst v63  }
0x1be: {  	_ =	swait.ge [sflag:s20], $0x1E00  }
0x1bf: {  	s14 =	sadd.s32 $0x1, s14;
	s18 =	rddreg [dreg:$0xf]  }
0x1c0: {  	p0 =	sne.s32 s14, s18  }
.Ltmp14:
0x1c1: {  	_ = 	snop;
	(pc) =	sbr.rel @p0 .LBB2_1-.Ltmp14, $3  }
0x1c2: {  	_ =	sdelay $0x1  }
0x1c3: {  	[sflag:s20] =	ssyncset.done $0x0  }
0x1c4: {  	[sflag:s20] =	ssyncadd.s32 $0xFFFFE200  }
0x1c5: {  	_ =	sfence.sel $0x180000  }
0x1c6: {  	[bflag:$0x0] =	sbarrier.arrive $0xFFFF  }
0x1c7: {  	_ =	strace $0x9000004A  }
0x1c8: {  	s0 =	stileid.u32;
	[bflag:$0x2] =	sbarrier.arrive $0xFFFF  }
0x1c9: {  	p0 =	sne.s32 s0, $0x0;
	s0 =	rddreg [dreg:$0x3]  }
0x1ca: {  	s0 =	sadd.s32 @!p0 $0x100000, s0  }
0x1cb: {  	[sflag:s0] =	ssyncadd.tile.s32 @!p0 $0x1;
	_ =	shalt  }
.Lfunc_end2:
_tile_overlayer_lowered:
.L_overlay_start_2:
0x1cc: {  	(tag) =	ssettag $0x2  }
0x1cd: {  	s0 =	rddreg [dreg:$0x0];
	s2 =	stileid.u32  }
0x1ce: {  	s1 =	rddreg [dreg:$0x1];
	p0 =	sne.s32 s2, $0x0  }
0x1cf: {  	s3 =	rddreg [dreg:$0x2];
	[bflag:$0x3] =	sbarrier.arrive $0xFFFF;
	s2 =	simm.s32 @!p0 $0x1C09  }
0x1d0: {  	[timem:s3], [sflag:s2] =	dma.local @!p0 [hbm:s0], s1  }
0x1d1: {  	s0 =	simm.s32 @!p0 $0x9  }
0x1d2: {  	_ =	swait.ge @!p0 [sflag:s0], s1  }
0x1d3: {  	s1 =	ssub.s32 @!p0 $0x0, s1;
	[sflag:s0] =	ssyncset.done @!p0 $0x0  }
0x1d4: {  	[sflag:s0] =	ssyncadd.s32 @!p0 s1  }
0x1d5: {  	[bflag:$0x3] =	sbarrier.arrive $0xFFFF  }
0x1d6: {  	_ =	shalt  }

</sc_bundles>
